<compile_context>
chip_gen: v7x
topology: tpu7x:2x2x1
jax: 0.10.2.dev20260603
libtpu: 0.0.44.dev20260713+nightly
codegen_flags: <defaults>
</compile_context>

<pallas_src>
import functools

import jax
import jax.numpy as jnp
from jax import lax
from jax.experimental import pallas as pl
from jax.experimental.pallas import tpu as pltpu
from jax.experimental.pallas import tpu_sc as plsc

NUM_BATCHES = 8
NUM_FRAMES = 16
RES = 64
N = 2_000_000
NBF = NUM_BATCHES * NUM_FRAMES
TOTAL_CELLS = NBF * RES * RES * RES

BLK = 32768
BLK_ROWS = BLK // 128
ROWS = N // 128
GRID1 = 62
N_PAD = GRID1 * BLK

SLICES = (18, 18, 18, 8)

NW = 32
CHUNK = 1024
STREAM = 512
GATHERS = CHUNK // STREAM


def _phase1_body(kf_ref, p_ref, b_ref, t_ref, o_ref):
    def cellq(v):
        g = ((v / 2.0 + 0.5) * float(RES)).astype(jnp.int32)
        return jnp.clip(g, 0, RES - 1)

    gx = cellq(p_ref[0])
    gy = cellq(p_ref[1])
    gz = cellq(p_ref[2])
    spatial = (gx * (RES * RES) + gy * RES + gz).reshape(BLK)

    t = t_ref[...]
    cell = jnp.clip((t * float(NUM_FRAMES - 1)).astype(jnp.int32), 0,
                    NUM_FRAMES - 2)
    left = jnp.zeros_like(t)
    right = jnp.zeros_like(t)
    for i in range(NUM_FRAMES):
        ki = kf_ref[i]
        if i <= NUM_FRAMES - 2:
            left = jnp.where(cell == i, ki, left)
        if i >= 1:
            right = jnp.where(cell == i - 1, ki, right)
    fidx = cell + jnp.where(jnp.abs(t - left) <= jnp.abs(right - t), 0, 1)

    lin = spatial * NBF + b_ref[...] * NUM_FRAMES + fidx
    o_ref[...] = jnp.clip(lin, 0, TOTAL_CELLS - 1)


def _phase1(kf, pts3s, bs, t, off, nblk):
    blk1 = lambda: pl.BlockSpec((BLK,), lambda i: (i + off,))
    return pl.pallas_call(
        _phase1_body,
        grid=(nblk,),
        in_specs=[pl.BlockSpec(memory_space=pltpu.SMEM),
                  pl.BlockSpec((3, BLK_ROWS, 128), lambda i: (0, i, 0)),
                  blk1(), blk1()],
        out_specs=pl.BlockSpec((BLK,), lambda i: (i,)),
        out_shape=jax.ShapeDtypeStruct((nblk * BLK,), jnp.int32),
    )(kf, pts3s, bs, t)


def _make_phase2_body(w_elems):
    w_chunks = w_elems // CHUNK

    def body(lin_hbm, occ_hbm, out_hbm,
             idx0, idx1, out0, out1, si0, si1, ss0, ss1, sg):
        wid = lax.axis_index("s") * 2 + lax.axis_index("c")
        base = wid * w_elems
        idx_bufs = (idx0, idx1)
        out_bufs = (out0, out1)
        si = (si0, si1)
        ss = (ss0, ss1)

        def wait_idx(b):
            pltpu.make_async_copy(lin_hbm.at[pl.ds(0, CHUNK)], idx_bufs[b],
                                  si[b]).wait()

        def wait_store(b):
            pltpu.make_async_copy(out_bufs[b], out_hbm.at[pl.ds(0, CHUNK)],
                                  ss[b]).wait()

        pltpu.async_copy(lin_hbm.at[pl.ds(base, CHUNK)], idx0, si0)

        def pair_body(i, carry):
            off0 = base + (2 * i) * CHUNK

            for b in range(2):
                off = off0 + b * CHUNK
                nxt = off + CHUNK
                if b == 0:
                    pltpu.async_copy(lin_hbm.at[pl.ds(nxt, CHUNK)], idx1,
                                     si1)
                else:
                    @pl.when(i < w_chunks // 2 - 1)
                    def _():
                        pltpu.async_copy(lin_hbm.at[pl.ds(nxt, CHUNK)],
                                         idx0, si0)
                wait_idx(b)

                @pl.when(i > 0)
                def _():
                    wait_store(b)

                copies = [
                    pltpu.async_copy(
                        occ_hbm.at[idx_bufs[b].at[pl.ds(r * STREAM,
                                                        STREAM)]],
                        out_bufs[b].at[pl.ds(r * STREAM, STREAM)], sg)
                    for r in range(GATHERS)
                ]
                for cp in copies:
                    cp.wait()
                pltpu.async_copy(out_bufs[b],
                                 out_hbm.at[pl.ds(off, CHUNK)], ss[b])
            return carry

        lax.fori_loop(0, w_chunks // 2, pair_body, 0)
        wait_store(0)
        wait_store(1)

    return body


def _phase2(lin, occ_t_flat, n_elems):
    mesh = plsc.VectorSubcoreMesh(core_axis_name="c", subcore_axis_name="s")
    k = functools.partial(
        pl.kernel,
        mesh=mesh,
        out_type=jax.ShapeDtypeStruct((n_elems,), jnp.float32),
        scratch_types=[
            pltpu.VMEM((CHUNK,), jnp.int32),
            pltpu.VMEM((CHUNK,), jnp.int32),
            pltpu.VMEM((CHUNK,), jnp.float32),
            pltpu.VMEM((CHUNK,), jnp.float32),
            pltpu.SemaphoreType.DMA,
            pltpu.SemaphoreType.DMA,
            pltpu.SemaphoreType.DMA,
            pltpu.SemaphoreType.DMA,
            pltpu.SemaphoreType.DMA,
        ],
    )(_make_phase2_body(n_elems // NW))
    return k(lin, occ_t_flat)


def kernel(pts, bidx, ts, occ_grid, ts_keyframes):
    ptsT = pts.T
    occ_t_flat = jnp.transpose(occ_grid, (1, 2, 3, 0)).reshape(-1)

    outs = []
    off = 0
    for nblk in SLICES:
        c0 = off * BLK
        c1 = min((off + nblk) * BLK, N)
        pts3s = ptsT[:, c0:c1].reshape(3, (c1 - c0) // 128, 128)
        lin = _phase1(ts_keyframes, pts3s, bidx, ts, off, nblk)
        outs.append(_phase2(lin, occ_t_flat, nblk * BLK))
        off += nblk
    return jnp.concatenate(outs)[:N]

# --- scband reference (transcript-rebuilt; emitter-appended) ---
"""Pipeline reference for scband-occ-grid-accel-batched-dynamic-ema-21242908246601 (READ-ONLY COPY).

The authoritative reference and input builder live on the scoring server;
editing this copy changes nothing except your own understanding.
"""

import jax, jax.numpy as jnp
import numpy as np

NUM_BATCHES = 8
NUM_FRAMES = 16
RES = 64
N = 2000000


def _nearest1d(kf, ts):
    # torch_consecutive_nearest1d: index of nearest value in sorted 1d keyframes
    idx = jnp.searchsorted(kf, ts)
    idx = jnp.clip(idx, 1, kf.shape[0] - 1)
    left = kf[idx - 1]
    right = kf[idx]
    return jnp.where(jnp.abs(ts - left) <= jnp.abs(right - ts), idx - 1, idx)


def setup_inputs(seed: int = 0) -> dict:
    key = jax.random.key(seed)
    k1, k2, k3, k4 = jax.random.split(key, 4)
    # query points, normalized coords in [-1, 1]
    pts = jax.random.uniform(k1, (N, 3), jnp.float32, minval=-1.0, maxval=1.0)
    # batch index of each query point
    bidx = jax.random.randint(k2, (N,), 0, NUM_BATCHES, dtype=jnp.int32)
    # query timestamps within keyframe range
    ts = jax.random.uniform(k3, (N,), jnp.float32, minval=0.0, maxval=1.0)
    # EMA occupancy value grid, flattened over (num_batches * num_frames)
    occ_grid = jax.random.uniform(k4, (NUM_BATCHES * NUM_FRAMES, RES, RES, RES), jnp.float32)
    # sorted keyframe timestamps (registered buffer in the torch module)
    ts_keyframes = jnp.linspace(0.0, 1.0, NUM_FRAMES, dtype=jnp.float32)
    return {"pts": pts, "bidx": bidx, "ts": ts, "occ_grid": occ_grid, "ts_keyframes": ts_keyframes}


def reference(pts, bidx, ts, occ_grid, ts_keyframes):
    # Faithful translation of cur_batch__query_occupancy:
    # gidx = ((pts / 2 + 0.5) * resolution).long().clamp(0, resolution - 1)
    gidx = ((pts / 2.0 + 0.5) * RES).astype(jnp.int32)
    gidx = jnp.clip(gidx, 0, RES - 1)
    # fidx = torch_consecutive_nearest1d(ts_keyframes, ts)[0]
    fidx = _nearest1d(ts_keyframes, ts)
    # flat_bidx = bidx * num_frames + fidx
    flat_bidx = bidx * NUM_FRAMES + fidx
    # tmp_flat_occ_grid[(flat_bidx,) + tuple(gidx.movedim(-1, 0))]
    return occ_grid[flat_bidx, gidx[:, 0], gidx[:, 1], gidx[:, 2]]

if __name__ == "__main__":
    import jax
    _d = setup_inputs()
    print(jax.jit(kernel)(*tuple(_d.values())))

</pallas_src>

<mosaic_0001>
#map = affine_map<(d0, d1) -> (0)>
module attributes {stable_mosaic.version = 14 : i64} {
  func.func @body(%arg0: i32, %arg1: i32, %arg2: memref<589824xi32, #tpu.memory_space<hbm>>, %arg3: memref<33554432xf32, #tpu.memory_space<hbm>>, %arg4: memref<589824xf32, #tpu.memory_space<hbm>>, %arg5: memref<1024xi32, #tpu.memory_space<vmem>>, %arg6: memref<1024xi32, #tpu.memory_space<vmem>>, %arg7: memref<1024xf32, #tpu.memory_space<vmem>>, %arg8: memref<1024xf32, #tpu.memory_space<vmem>>, %arg9: memref<!tpu.dma_semaphore, #tpu.memory_space<semaphore_mem>>, %arg10: memref<!tpu.dma_semaphore, #tpu.memory_space<semaphore_mem>>, %arg11: memref<!tpu.dma_semaphore, #tpu.memory_space<semaphore_mem>>, %arg12: memref<!tpu.dma_semaphore, #tpu.memory_space<semaphore_mem>>, %arg13: memref<!tpu.dma_semaphore, #tpu.memory_space<semaphore_mem>>) attributes {dimension_semantics = [#tpu.dimension_semantics<core_parallel>, #tpu.dimension_semantics<subcore_parallel>], iteration_bounds = array<i64: 2, 16>, scalar_prefetch = 0 : i64, scratch_operands = 9 : i64, tpu.core_type = #tpu.core_type<sc_vector_subcore>, window_params = [{transform_indices = #map}, {transform_indices = #map}, {transform_indices = #map}]} {
    %mul3A = arith.constant 2 : i32
    %mul3A_0 = arith.muli %arg1, %mul3A : i32
    %add3A = arith.addi %mul3A_0, %arg0 : i32
    %mul3A_1 = arith.constant 18432 : i32
    %mul3A_2 = arith.muli %add3A, %mul3A_1 : i32
    %dma_start3A = tpu.memref_slice %arg2[%mul3A_2] : memref<589824xi32, #tpu.memory_space<hbm>> -> memref<1024xi32, #tpu.memory_space<hbm>>
    %dma_start3A_3 = tpu.memref_slice %arg2[%mul3A_2] : memref<589824xi32, #tpu.memory_space<hbm>> -> memref<1024xi32, #tpu.memory_space<hbm>>
    tpu.enqueue_dma source(%dma_start3A_3 : memref<1024xi32, #tpu.memory_space<hbm>>) target(%arg5 : memref<1024xi32, #tpu.memory_space<vmem>>) target_semaphore(%arg9 : memref<!tpu.dma_semaphore, #tpu.memory_space<semaphore_mem>>)
    %scan3A = arith.constant 0 : i32
    %scan3A_4 = arith.constant 0 : i32
    %scan3A_5 = arith.constant 9 : i32
    %scan3A_6 = arith.addi %scan3A_4, %scan3A_5 : i32
    %scan3A_7 = arith.constant 1 : i32
    scf.for %scan3A_16 = %scan3A_4 to %scan3A_6 step %scan3A_7  : i32 {
      %mul3A_17 = arith.constant 2 : i32
      %mul3A_18 = arith.muli %mul3A_17, %scan3A_16 : i32
      %mul3A_19 = arith.constant 1024 : i32
      %mul3A_20 = arith.muli %mul3A_18, %mul3A_19 : i32
      %add3A_21 = arith.addi %mul3A_2, %mul3A_20 : i32
      %add3A_22 = arith.constant 0 : i32
      %add3A_23 = arith.addi %add3A_21, %add3A_22 : i32
      %add3A_24 = arith.constant 1024 : i32
      %add3A_25 = arith.addi %add3A_23, %add3A_24 : i32
      %dma_start3A_26 = tpu.memref_slice %arg2[%add3A_25] : memref<589824xi32, #tpu.memory_space<hbm>> -> memref<1024xi32, #tpu.memory_space<hbm>>
      %dma_start3A_27 = tpu.memref_slice %arg2[%add3A_25] : memref<589824xi32, #tpu.memory_space<hbm>> -> memref<1024xi32, #tpu.memory_space<hbm>>
      tpu.enqueue_dma source(%dma_start3A_27 : memref<1024xi32, #tpu.memory_space<hbm>>) target(%arg6 : memref<1024xi32, #tpu.memory_space<vmem>>) target_semaphore(%arg10 : memref<!tpu.dma_semaphore, #tpu.memory_space<semaphore_mem>>)
      %dma_wait3A_28 = arith.constant 0 : i32
      %dma_wait3A_29 = tpu.memref_slice %arg2[%dma_wait3A_28] : memref<589824xi32, #tpu.memory_space<hbm>> -> memref<1024xi32, #tpu.memory_space<hbm>>
      %dma_wait3A_30 = arith.constant 0 : i32
      %dma_wait3A_31 = tpu.memref_slice %arg2[%dma_wait3A_30] : memref<589824xi32, #tpu.memory_space<hbm>> -> memref<1024xi32, #tpu.memory_space<hbm>>
      tpu.wait_dma2 semaphore(%arg9 : memref<!tpu.dma_semaphore, #tpu.memory_space<semaphore_mem>>) src(%dma_wait3A_31 : memref<1024xi32, #tpu.memory_space<hbm>>) dst(%arg5 : memref<1024xi32, #tpu.memory_space<vmem>>)
      %gt3A = arith.constant 0 : i32
      %gt3A_32 = arith.cmpi sgt, %scan3A_16, %gt3A : i32
      %convert_element_type3A = arith.extui %gt3A_32 : i1 to i32
      %cond3A = arith.constant 0 : i32
      %cond3A_33 = arith.cmpi ne, %convert_element_type3A, %cond3A : i32
      scf.if %cond3A_33 {
        %dma_wait3A_103 = arith.constant 0 : i32
        %dma_wait3A_104 = tpu.memref_slice %arg4[%dma_wait3A_103] : memref<589824xf32, #tpu.memory_space<hbm>> -> memref<1024xf32, #tpu.memory_space<hbm>>
        %dma_wait3A_105 = arith.constant 0 : i32
        %dma_wait3A_106 = tpu.memref_slice %arg4[%dma_wait3A_105] : memref<589824xf32, #tpu.memory_space<hbm>> -> memref<1024xf32, #tpu.memory_space<hbm>>
        tpu.wait_dma2 semaphore(%arg11 : memref<!tpu.dma_semaphore, #tpu.memory_space<semaphore_mem>>) src(%arg7 : memref<1024xf32, #tpu.memory_space<vmem>>) dst(%dma_wait3A_106 : memref<1024xf32, #tpu.memory_space<hbm>>)
      } else {
      }
      %dma_start3A_34 = arith.constant 0 : i32
      %dma_start3A_35 = tpu.memref_slice %arg7[%dma_start3A_34] : memref<1024xf32, #tpu.memory_space<vmem>> -> memref<512xf32, #tpu.memory_space<vmem>>
      %dma_start3A_36 = arith.constant 0 : i32
      %dma_start3A_37 = tpu.memref_slice %arg5[%dma_start3A_36] : memref<1024xi32, #tpu.memory_space<vmem>> -> memref<512xi32, #tpu.memory_space<vmem>>
      %dma_start3A_38 = arith.constant 0 : i32
      %dma_start3A_39 = tpu.memref_slice %arg3[%dma_start3A_38] : memref<33554432xf32, #tpu.memory_space<hbm>> -> memref<33554432xf32, #tpu.memory_space<hbm>>
      tpu.enqueue_indirect_dma source(%dma_start3A_39 : memref<33554432xf32, #tpu.memory_space<hbm>>) target(%dma_start3A_35 : memref<512xf32, #tpu.memory_space<vmem>>) offsets(%dma_start3A_37 : memref<512xi32, #tpu.memory_space<vmem>>) semaphore(%arg13 : memref<!tpu.dma_semaphore, #tpu.memory_space<semaphore_mem>>)
      %dma_start3A_40 = arith.constant 512 : i32
      %dma_start3A_41 = tpu.memref_slice %arg7[%dma_start3A_40] : memref<1024xf32, #tpu.memory_space<vmem>> -> memref<512xf32, #tpu.memory_space<vmem>>
      %dma_start3A_42 = arith.constant 512 : i32
      %dma_start3A_43 = tpu.memref_slice %arg5[%dma_start3A_42] : memref<1024xi32, #tpu.memory_space<vmem>> -> memref<512xi32, #tpu.memory_space<vmem>>
      %dma_start3A_44 = arith.constant 0 : i32
      %dma_start3A_45 = tpu.memref_slice %arg3[%dma_start3A_44] : memref<33554432xf32, #tpu.memory_space<hbm>> -> memref<33554432xf32, #tpu.memory_space<hbm>>
      tpu.enqueue_indirect_dma source(%dma_start3A_45 : memref<33554432xf32, #tpu.memory_space<hbm>>) target(%dma_start3A_41 : memref<512xf32, #tpu.memory_space<vmem>>) offsets(%dma_start3A_43 : memref<512xi32, #tpu.memory_space<vmem>>) semaphore(%arg13 : memref<!tpu.dma_semaphore, #tpu.memory_space<semaphore_mem>>)
      %dma_wait3A_46 = arith.constant 0 : i32
      %dma_wait3A_47 = tpu.memref_slice %arg7[%dma_wait3A_46] : memref<1024xf32, #tpu.memory_space<vmem>> -> memref<512xf32, #tpu.memory_space<vmem>>
      %dma_wait3A_48 = arith.constant 0 : i32
      %dma_wait3A_49 = tpu.memref_slice %arg5[%dma_wait3A_48] : memref<1024xi32, #tpu.memory_space<vmem>> -> memref<512xi32, #tpu.memory_space<vmem>>
      %dma_wait3A_50 = arith.constant 0 : i32
      %dma_wait3A_51 = tpu.memref_slice %arg3[%dma_wait3A_50] : memref<33554432xf32, #tpu.memory_space<hbm>> -> memref<33554432xf32, #tpu.memory_space<hbm>>
      tpu.wait_indirect_dma semaphore(%arg13 : memref<!tpu.dma_semaphore, #tpu.memory_space<semaphore_mem>>) src(%dma_wait3A_51 : memref<33554432xf32, #tpu.memory_space<hbm>>) dst(%dma_wait3A_47 : memref<512xf32, #tpu.memory_space<vmem>>)
      %dma_wait3A_52 = arith.constant 512 : i32
      %dma_wait3A_53 = tpu.memref_slice %arg7[%dma_wait3A_52] : memref<1024xf32, #tpu.memory_space<vmem>> -> memref<512xf32, #tpu.memory_space<vmem>>
      %dma_wait3A_54 = arith.constant 512 : i32
      %dma_wait3A_55 = tpu.memref_slice %arg5[%dma_wait3A_54] : memref<1024xi32, #tpu.memory_space<vmem>> -> memref<512xi32, #tpu.memory_space<vmem>>
      %dma_wait3A_56 = arith.constant 0 : i32
      %dma_wait3A_57 = tpu.memref_slice %arg3[%dma_wait3A_56] : memref<33554432xf32, #tpu.memory_space<hbm>> -> memref<33554432xf32, #tpu.memory_space<hbm>>
      tpu.wait_indirect_dma semaphore(%arg13 : memref<!tpu.dma_semaphore, #tpu.memory_space<semaphore_mem>>) src(%dma_wait3A_57 : memref<33554432xf32, #tpu.memory_space<hbm>>) dst(%dma_wait3A_53 : memref<512xf32, #tpu.memory_space<vmem>>)
      %dma_start3A_58 = tpu.memref_slice %arg4[%add3A_23] : memref<589824xf32, #tpu.memory_space<hbm>> -> memref<1024xf32, #tpu.memory_space<hbm>>
      %dma_start3A_59 = tpu.memref_slice %arg4[%add3A_23] : memref<589824xf32, #tpu.memory_space<hbm>> -> memref<1024xf32, #tpu.memory_space<hbm>>
      tpu.enqueue_dma source(%arg7 : memref<1024xf32, #tpu.memory_space<vmem>>) target(%dma_start3A_59 : memref<1024xf32, #tpu.memory_space<hbm>>) target_semaphore(%arg11 : memref<!tpu.dma_semaphore, #tpu.memory_space<semaphore_mem>>)
      %add3A_60 = arith.constant 1024 : i32
      %add3A_61 = arith.addi %add3A_21, %add3A_60 : i32
      %add3A_62 = arith.constant 1024 : i32
      %add3A_63 = arith.addi %add3A_61, %add3A_62 : i32
      %lt3A = arith.constant 8 : i32
      %lt3A_64 = arith.cmpi slt, %scan3A_16, %lt3A : i32
      %convert_element_type3A_65 = arith.extui %lt3A_64 : i1 to i32
      %cond3A_66 = arith.constant 0 : i32
      %cond3A_67 = arith.cmpi ne, %convert_element_type3A_65, %cond3A_66 : i32
      scf.if %cond3A_67 {
        %dma_start3A_103 = tpu.memref_slice %arg2[%add3A_63] : memref<589824xi32, #tpu.memory_space<hbm>> -> memref<1024xi32, #tpu.memory_space<hbm>>
        %dma_start3A_104 = tpu.memref_slice %arg2[%add3A_63] : memref<589824xi32, #tpu.memory_space<hbm>> -> memref<1024xi32, #tpu.memory_space<hbm>>
        tpu.enqueue_dma source(%dma_start3A_104 : memref<1024xi32, #tpu.memory_space<hbm>>) target(%arg5 : memref<1024xi32, #tpu.memory_space<vmem>>) target_semaphore(%arg9 : memref<!tpu.dma_semaphore, #tpu.memory_space<semaphore_mem>>)
      } else {
      }
      %dma_wait3A_68 = arith.constant 0 : i32
      %dma_wait3A_69 = tpu.memref_slice %arg2[%dma_wait3A_68] : memref<589824xi32, #tpu.memory_space<hbm>> -> memref<1024xi32, #tpu.memory_space<hbm>>
      %dma_wait3A_70 = arith.constant 0 : i32
      %dma_wait3A_71 = tpu.memref_slice %arg2[%dma_wait3A_70] : memref<589824xi32, #tpu.memory_space<hbm>> -> memref<1024xi32, #tpu.memory_space<hbm>>
      tpu.wait_dma2 semaphore(%arg10 : memref<!tpu.dma_semaphore, #tpu.memory_space<semaphore_mem>>) src(%dma_wait3A_71 : memref<1024xi32, #tpu.memory_space<hbm>>) dst(%arg6 : memref<1024xi32, #tpu.memory_space<vmem>>)
      %gt3A_72 = arith.constant 0 : i32
      %gt3A_73 = arith.cmpi sgt, %scan3A_16, %gt3A_72 : i32
      %convert_element_type3A_74 = arith.extui %gt3A_73 : i1 to i32
      %cond3A_75 = arith.constant 0 : i32
      %cond3A_76 = arith.cmpi ne, %convert_element_type3A_74, %cond3A_75 : i32
      scf.if %cond3A_76 {
        %dma_wait3A_103 = arith.constant 0 : i32
        %dma_wait3A_104 = tpu.memref_slice %arg4[%dma_wait3A_103] : memref<589824xf32, #tpu.memory_space<hbm>> -> memref<1024xf32, #tpu.memory_space<hbm>>
        %dma_wait3A_105 = arith.constant 0 : i32
        %dma_wait3A_106 = tpu.memref_slice %arg4[%dma_wait3A_105] : memref<589824xf32, #tpu.memory_space<hbm>> -> memref<1024xf32, #tpu.memory_space<hbm>>
        tpu.wait_dma2 semaphore(%arg12 : memref<!tpu.dma_semaphore, #tpu.memory_space<semaphore_mem>>) src(%arg8 : memref<1024xf32, #tpu.memory_space<vmem>>) dst(%dma_wait3A_106 : memref<1024xf32, #tpu.memory_space<hbm>>)
      } else {
      }
      %dma_start3A_77 = arith.constant 0 : i32
      %dma_start3A_78 = tpu.memref_slice %arg8[%dma_start3A_77] : memref<1024xf32, #tpu.memory_space<vmem>> -> memref<512xf32, #tpu.memory_space<vmem>>
      %dma_start3A_79 = arith.constant 0 : i32
      %dma_start3A_80 = tpu.memref_slice %arg6[%dma_start3A_79] : memref<1024xi32, #tpu.memory_space<vmem>> -> memref<512xi32, #tpu.memory_space<vmem>>
      %dma_start3A_81 = arith.constant 0 : i32
      %dma_start3A_82 = tpu.memref_slice %arg3[%dma_start3A_81] : memref<33554432xf32, #tpu.memory_space<hbm>> -> memref<33554432xf32, #tpu.memory_space<hbm>>
      tpu.enqueue_indirect_dma source(%dma_start3A_82 : memref<33554432xf32, #tpu.memory_space<hbm>>) target(%dma_start3A_78 : memref<512xf32, #tpu.memory_space<vmem>>) offsets(%dma_start3A_80 : memref<512xi32, #tpu.memory_space<vmem>>) semaphore(%arg13 : memref<!tpu.dma_semaphore, #tpu.memory_space<semaphore_mem>>)
      %dma_start3A_83 = arith.constant 512 : i32
      %dma_start3A_84 = tpu.memref_slice %arg8[%dma_start3A_83] : memref<1024xf32, #tpu.memory_space<vmem>> -> memref<512xf32, #tpu.memory_space<vmem>>
      %dma_start3A_85 = arith.constant 512 : i32
      %dma_start3A_86 = tpu.memref_slice %arg6[%dma_start3A_85] : memref<1024xi32, #tpu.memory_space<vmem>> -> memref<512xi32, #tpu.memory_space<vmem>>
      %dma_start3A_87 = arith.constant 0 : i32
      %dma_start3A_88 = tpu.memref_slice %arg3[%dma_start3A_87] : memref<33554432xf32, #tpu.memory_space<hbm>> -> memref<33554432xf32, #tpu.memory_space<hbm>>
      tpu.enqueue_indirect_dma source(%dma_start3A_88 : memref<33554432xf32, #tpu.memory_space<hbm>>) target(%dma_start3A_84 : memref<512xf32, #tpu.memory_space<vmem>>) offsets(%dma_start3A_86 : memref<512xi32, #tpu.memory_space<vmem>>) semaphore(%arg13 : memref<!tpu.dma_semaphore, #tpu.memory_space<semaphore_mem>>)
      %dma_wait3A_89 = arith.constant 0 : i32
      %dma_wait3A_90 = tpu.memref_slice %arg8[%dma_wait3A_89] : memref<1024xf32, #tpu.memory_space<vmem>> -> memref<512xf32, #tpu.memory_space<vmem>>
      %dma_wait3A_91 = arith.constant 0 : i32
      %dma_wait3A_92 = tpu.memref_slice %arg6[%dma_wait3A_91] : memref<1024xi32, #tpu.memory_space<vmem>> -> memref<512xi32, #tpu.memory_space<vmem>>
      %dma_wait3A_93 = arith.constant 0 : i32
      %dma_wait3A_94 = tpu.memref_slice %arg3[%dma_wait3A_93] : memref<33554432xf32, #tpu.memory_space<hbm>> -> memref<33554432xf32, #tpu.memory_space<hbm>>
      tpu.wait_indirect_dma semaphore(%arg13 : memref<!tpu.dma_semaphore, #tpu.memory_space<semaphore_mem>>) src(%dma_wait3A_94 : memref<33554432xf32, #tpu.memory_space<hbm>>) dst(%dma_wait3A_90 : memref<512xf32, #tpu.memory_space<vmem>>)
      %dma_wait3A_95 = arith.constant 512 : i32
      %dma_wait3A_96 = tpu.memref_slice %arg8[%dma_wait3A_95] : memref<1024xf32, #tpu.memory_space<vmem>> -> memref<512xf32, #tpu.memory_space<vmem>>
      %dma_wait3A_97 = arith.constant 512 : i32
      %dma_wait3A_98 = tpu.memref_slice %arg6[%dma_wait3A_97] : memref<1024xi32, #tpu.memory_space<vmem>> -> memref<512xi32, #tpu.memory_space<vmem>>
      %dma_wait3A_99 = arith.constant 0 : i32
      %dma_wait3A_100 = tpu.memref_slice %arg3[%dma_wait3A_99] : memref<33554432xf32, #tpu.memory_space<hbm>> -> memref<33554432xf32, #tpu.memory_space<hbm>>
      tpu.wait_indirect_dma semaphore(%arg13 : memref<!tpu.dma_semaphore, #tpu.memory_space<semaphore_mem>>) src(%dma_wait3A_100 : memref<33554432xf32, #tpu.memory_space<hbm>>) dst(%dma_wait3A_96 : memref<512xf32, #tpu.memory_space<vmem>>)
      %dma_start3A_101 = tpu.memref_slice %arg4[%add3A_61] : memref<589824xf32, #tpu.memory_space<hbm>> -> memref<1024xf32, #tpu.memory_space<hbm>>
      %dma_start3A_102 = tpu.memref_slice %arg4[%add3A_61] : memref<589824xf32, #tpu.memory_space<hbm>> -> memref<1024xf32, #tpu.memory_space<hbm>>
      tpu.enqueue_dma source(%arg8 : memref<1024xf32, #tpu.memory_space<vmem>>) target(%dma_start3A_102 : memref<1024xf32, #tpu.memory_space<hbm>>) target_semaphore(%arg12 : memref<!tpu.dma_semaphore, #tpu.memory_space<semaphore_mem>>)
    }
    %scan3A_8 = arith.constant 9 : i32
    %dma_wait3A = arith.constant 0 : i32
    %dma_wait3A_9 = tpu.memref_slice %arg4[%dma_wait3A] : memref<589824xf32, #tpu.memory_space<hbm>> -> memref<1024xf32, #tpu.memory_space<hbm>>
    %dma_wait3A_10 = arith.constant 0 : i32
    %dma_wait3A_11 = tpu.memref_slice %arg4[%dma_wait3A_10] : memref<589824xf32, #tpu.memory_space<hbm>> -> memref<1024xf32, #tpu.memory_space<hbm>>
    tpu.wait_dma2 semaphore(%arg11 : memref<!tpu.dma_semaphore, #tpu.memory_space<semaphore_mem>>) src(%arg7 : memref<1024xf32, #tpu.memory_space<vmem>>) dst(%dma_wait3A_11 : memref<1024xf32, #tpu.memory_space<hbm>>)
    %dma_wait3A_12 = arith.constant 0 : i32
    %dma_wait3A_13 = tpu.memref_slice %arg4[%dma_wait3A_12] : memref<589824xf32, #tpu.memory_space<hbm>> -> memref<1024xf32, #tpu.memory_space<hbm>>
    %dma_wait3A_14 = arith.constant 0 : i32
    %dma_wait3A_15 = tpu.memref_slice %arg4[%dma_wait3A_14] : memref<589824xf32, #tpu.memory_space<hbm>> -> memref<1024xf32, #tpu.memory_space<hbm>>
    tpu.wait_dma2 semaphore(%arg12 : memref<!tpu.dma_semaphore, #tpu.memory_space<semaphore_mem>>) src(%arg8 : memref<1024xf32, #tpu.memory_space<vmem>>) dst(%dma_wait3A_15 : memref<1024xf32, #tpu.memory_space<hbm>>)
    return
  }
}

#map = affine_map<(d0, d1) -> (0)>
module attributes {stable_mosaic.version = 14 : i64} {
  func.func @body(%arg0: i32, %arg1: i32, %arg2: memref<589824xi32, #tpu.memory_space<hbm>>, %arg3: memref<33554432xf32, #tpu.memory_space<hbm>>, %arg4: memref<589824xf32, #tpu.memory_space<hbm>>, %arg5: memref<1024xi32, #tpu.memory_space<vmem>>, %arg6: memref<1024xi32, #tpu.memory_space<vmem>>, %arg7: memref<1024xf32, #tpu.memory_space<vmem>>, %arg8: memref<1024xf32, #tpu.memory_space<vmem>>, %arg9: memref<!tpu.dma_semaphore, #tpu.memory_space<semaphore_mem>>, %arg10: memref<!tpu.dma_semaphore, #tpu.memory_space<semaphore_mem>>, %arg11: memref<!tpu.dma_semaphore, #tpu.memory_space<semaphore_mem>>, %arg12: memref<!tpu.dma_semaphore, #tpu.memory_space<semaphore_mem>>, %arg13: memref<!tpu.dma_semaphore, #tpu.memory_space<semaphore_mem>>) attributes {dimension_semantics = [#tpu.dimension_semantics<core_parallel>, #tpu.dimension_semantics<subcore_parallel>], iteration_bounds = array<i64: 2, 16>, scalar_prefetch = 0 : i64, scratch_operands = 9 : i64, tpu.core_type = #tpu.core_type<sc_vector_subcore>, window_params = [{transform_indices = #map}, {transform_indices = #map}, {transform_indices = #map}]} {
    %mul3A = arith.constant 2 : i32
    %mul3A_0 = arith.muli %arg1, %mul3A : i32
    %add3A = arith.addi %mul3A_0, %arg0 : i32
    %mul3A_1 = arith.constant 18432 : i32
    %mul3A_2 = arith.muli %add3A, %mul3A_1 : i32
    %dma_start3A = tpu.memref_slice %arg2[%mul3A_2] : memref<589824xi32, #tpu.memory_space<hbm>> -> memref<1024xi32, #tpu.memory_space<hbm>>
    %dma_start3A_3 = tpu.memref_slice %arg2[%mul3A_2] : memref<589824xi32, #tpu.memory_space<hbm>> -> memref<1024xi32, #tpu.memory_space<hbm>>
    tpu.enqueue_dma source(%dma_start3A_3 : memref<1024xi32, #tpu.memory_space<hbm>>) target(%arg5 : memref<1024xi32, #tpu.memory_space<vmem>>) target_semaphore(%arg9 : memref<!tpu.dma_semaphore, #tpu.memory_space<semaphore_mem>>)
    %scan3A = arith.constant 0 : i32
    %scan3A_4 = arith.constant 0 : i32
    %scan3A_5 = arith.constant 9 : i32
    %scan3A_6 = arith.addi %scan3A_4, %scan3A_5 : i32
    %scan3A_7 = arith.constant 1 : i32
    scf.for %scan3A_16 = %scan3A_4 to %scan3A_6 step %scan3A_7  : i32 {
      %mul3A_17 = arith.constant 2 : i32
      %mul3A_18 = arith.muli %mul3A_17, %scan3A_16 : i32
      %mul3A_19 = arith.constant 1024 : i32
      %mul3A_20 = arith.muli %mul3A_18, %mul3A_19 : i32
      %add3A_21 = arith.addi %mul3A_2, %mul3A_20 : i32
      %add3A_22 = arith.constant 0 : i32
      %add3A_23 = arith.addi %add3A_21, %add3A_22 : i32
      %add3A_24 = arith.constant 1024 : i32
      %add3A_25 = arith.addi %add3A_23, %add3A_24 : i32
      %dma_start3A_26 = tpu.memref_slice %arg2[%add3A_25] : memref<589824xi32, #tpu.memory_space<hbm>> -> memref<1024xi32, #tpu.memory_space<hbm>>
      %dma_start3A_27 = tpu.memref_slice %arg2[%add3A_25] : memref<589824xi32, #tpu.memory_space<hbm>> -> memref<1024xi32, #tpu.memory_space<hbm>>
      tpu.enqueue_dma source(%dma_start3A_27 : memref<1024xi32, #tpu.memory_space<hbm>>) target(%arg6 : memref<1024xi32, #tpu.memory_space<vmem>>) target_semaphore(%arg10 : memref<!tpu.dma_semaphore, #tpu.memory_space<semaphore_mem>>)
      %dma_wait3A_28 = arith.constant 0 : i32
      %dma_wait3A_29 = tpu.memref_slice %arg2[%dma_wait3A_28] : memref<589824xi32, #tpu.memory_space<hbm>> -> memref<1024xi32, #tpu.memory_space<hbm>>
      %dma_wait3A_30 = arith.constant 0 : i32
      %dma_wait3A_31 = tpu.memref_slice %arg2[%dma_wait3A_30] : memref<589824xi32, #tpu.memory_space<hbm>> -> memref<1024xi32, #tpu.memory_space<hbm>>
      tpu.wait_dma2 semaphore(%arg9 : memref<!tpu.dma_semaphore, #tpu.memory_space<semaphore_mem>>) src(%dma_wait3A_31 : memref<1024xi32, #tpu.memory_space<hbm>>) dst(%arg5 : memref<1024xi32, #tpu.memory_space<vmem>>)
      %gt3A = arith.constant 0 : i32
      %gt3A_32 = arith.cmpi sgt, %scan3A_16, %gt3A : i32
      %convert_element_type3A = arith.extui %gt3A_32 : i1 to i32
      %cond3A = arith.constant 0 : i32
      %cond3A_33 = arith.cmpi ne, %convert_element_type3A, %cond3A : i32
      scf.if %cond3A_33 {
        %dma_wait3A_103 = arith.constant 0 : i32
        %dma_wait3A_104 = tpu.memref_slice %arg4[%dma_wait3A_103] : memref<589824xf32, #tpu.memory_space<hbm>> -> memref<1024xf32, #tpu.memory_space<hbm>>
        %dma_wait3A_105 = arith.constant 0 : i32
        %dma_wait3A_106 = tpu.memref_slice %arg4[%dma_wait3A_105] : memref<589824xf32, #tpu.memory_space<hbm>> -> memref<1024xf32, #tpu.memory_space<hbm>>
        tpu.wait_dma2 semaphore(%arg11 : memref<!tpu.dma_semaphore, #tpu.memory_space<semaphore_mem>>) src(%arg7 : memref<1024xf32, #tpu.memory_space<vmem>>) dst(%dma_wait3A_106 : memref<1024xf32, #tpu.memory_space<hbm>>)
      } else {
      }
      %dma_start3A_34 = arith.constant 0 : i32
      %dma_start3A_35 = tpu.memref_slice %arg7[%dma_start3A_34] : memref<1024xf32, #tpu.memory_space<vmem>> -> memref<512xf32, #tpu.memory_space<vmem>>
      %dma_start3A_36 = arith.constant 0 : i32
      %dma_start3A_37 = tpu.memref_slice %arg5[%dma_start3A_36] : memref<1024xi32, #tpu.memory_space<vmem>> -> memref<512xi32, #tpu.memory_space<vmem>>
      %dma_start3A_38 = arith.constant 0 : i32
      %dma_start3A_39 = tpu.memref_slice %arg3[%dma_start3A_38] : memref<33554432xf32, #tpu.memory_space<hbm>> -> memref<33554432xf32, #tpu.memory_space<hbm>>
      tpu.enqueue_indirect_dma source(%dma_start3A_39 : memref<33554432xf32, #tpu.memory_space<hbm>>) target(%dma_start3A_35 : memref<512xf32, #tpu.memory_space<vmem>>) offsets(%dma_start3A_37 : memref<512xi32, #tpu.memory_space<vmem>>) semaphore(%arg13 : memref<!tpu.dma_semaphore, #tpu.memory_space<semaphore_mem>>)
      %dma_start3A_40 = arith.constant 512 : i32
      %dma_start3A_41 = tpu.memref_slice %arg7[%dma_start3A_40] : memref<1024xf32, #tpu.memory_space<vmem>> -> memref<512xf32, #tpu.memory_space<vmem>>
      %dma_start3A_42 = arith.constant 512 : i32
      %dma_start3A_43 = tpu.memref_slice %arg5[%dma_start3A_42] : memref<1024xi32, #tpu.memory_space<vmem>> -> memref<512xi32, #tpu.memory_space<vmem>>
      %dma_start3A_44 = arith.constant 0 : i32
      %dma_start3A_45 = tpu.memref_slice %arg3[%dma_start3A_44] : memref<33554432xf32, #tpu.memory_space<hbm>> -> memref<33554432xf32, #tpu.memory_space<hbm>>
      tpu.enqueue_indirect_dma source(%dma_start3A_45 : memref<33554432xf32, #tpu.memory_space<hbm>>) target(%dma_start3A_41 : memref<512xf32, #tpu.memory_space<vmem>>) offsets(%dma_start3A_43 : memref<512xi32, #tpu.memory_space<vmem>>) semaphore(%arg13 : memref<!tpu.dma_semaphore, #tpu.memory_space<semaphore_mem>>)
      %dma_wait3A_46 = arith.constant 0 : i32
      %dma_wait3A_47 = tpu.memref_slice %arg7[%dma_wait3A_46] : memref<1024xf32, #tpu.memory_space<vmem>> -> memref<512xf32, #tpu.memory_space<vmem>>
      %dma_wait3A_48 = arith.constant 0 : i32
      %dma_wait3A_49 = tpu.memref_slice %arg5[%dma_wait3A_48] : memref<1024xi32, #tpu.memory_space<vmem>> -> memref<512xi32, #tpu.memory_space<vmem>>
      %dma_wait3A_50 = arith.constant 0 : i32
      %dma_wait3A_51 = tpu.memref_slice %arg3[%dma_wait3A_50] : memref<33554432xf32, #tpu.memory_space<hbm>> -> memref<33554432xf32, #tpu.memory_space<hbm>>
      tpu.wait_indirect_dma semaphore(%arg13 : memref<!tpu.dma_semaphore, #tpu.memory_space<semaphore_mem>>) src(%dma_wait3A_51 : memref<33554432xf32, #tpu.memory_space<hbm>>) dst(%dma_wait3A_47 : memref<512xf32, #tpu.memory_space<vmem>>)
      %dma_wait3A_52 = arith.constant 512 : i32
      %dma_wait3A_53 = tpu.memref_slice %arg7[%dma_wait3A_52] : memref<1024xf32, #tpu.memory_space<vmem>> -> memref<512xf32, #tpu.memory_space<vmem>>
      %dma_wait3A_54 = arith.constant 512 : i32
      %dma_wait3A_55 = tpu.memref_slice %arg5[%dma_wait3A_54] : memref<1024xi32, #tpu.memory_space<vmem>> -> memref<512xi32, #tpu.memory_space<vmem>>
      %dma_wait3A_56 = arith.constant 0 : i32
      %dma_wait3A_57 = tpu.memref_slice %arg3[%dma_wait3A_56] : memref<33554432xf32, #tpu.memory_space<hbm>> -> memref<33554432xf32, #tpu.memory_space<hbm>>
      tpu.wait_indirect_dma semaphore(%arg13 : memref<!tpu.dma_semaphore, #tpu.memory_space<semaphore_mem>>) src(%dma_wait3A_57 : memref<33554432xf32, #tpu.memory_space<hbm>>) dst(%dma_wait3A_53 : memref<512xf32, #tpu.memory_space<vmem>>)
      %dma_start3A_58 = tpu.memref_slice %arg4[%add3A_23] : memref<589824xf32, #tpu.memory_space<hbm>> -> memref<1024xf32, #tpu.memory_space<hbm>>
      %dma_start3A_59 = tpu.memref_slice %arg4[%add3A_23] : memref<589824xf32, #tpu.memory_space<hbm>> -> memref<1024xf32, #tpu.memory_space<hbm>>
      tpu.enqueue_dma source(%arg7 : memref<1024xf32, #tpu.memory_space<vmem>>) target(%dma_start3A_59 : memref<1024xf32, #tpu.memory_space<hbm>>) target_semaphore(%arg11 : memref<!tpu.dma_semaphore, #tpu.memory_space<semaphore_mem>>)
      %add3A_60 = arith.constant 1024 : i32
      %add3A_61 = arith.addi %add3A_21, %add3A_60 : i32
      %add3A_62 = arith.constant 1024 : i32
      %add3A_63 = arith.addi %add3A_61, %add3A_62 : i32
      %lt3A = arith.constant 8 : i32
      %lt3A_64 = arith.cmpi slt, %scan3A_16, %lt3A : i32
      %convert_element_type3A_65 = arith.extui %lt3A_64 : i1 to i32
      %cond3A_66 = arith.constant 0 : i32
      %cond3A_67 = arith.cmpi ne, %convert_element_type3A_65, %cond3A_66 : i32
      scf.if %cond3A_67 {
        %dma_start3A_103 = tpu.memref_slice %arg2[%add3A_63] : memref<589824xi32, #tpu.memory_space<hbm>> -> memref<1024xi32, #tpu.memory_space<hbm>>
        %dma_start3A_104 = tpu.memref_slice %arg2[%add3A_63] : memref<589824xi32, #tpu.memory_space<hbm>> -> memref<1024xi32, #tpu.memory_space<hbm>>
        tpu.enqueue_dma source(%dma_start3A_104 : memref<1024xi32, #tpu.memory_space<hbm>>) target(%arg5 : memref<1024xi32, #tpu.memory_space<vmem>>) target_semaphore(%arg9 : memref<!tpu.dma_semaphore, #tpu.memory_space<semaphore_mem>>)
      } else {
      }
      %dma_wait3A_68 = arith.constant 0 : i32
      %dma_wait3A_69 = tpu.memref_slice %arg2[%dma_wait3A_68] : memref<589824xi32, #tpu.memory_space<hbm>> -> memref<1024xi32, #tpu.memory_space<hbm>>
      %dma_wait3A_70 = arith.constant 0 : i32
      %dma_wait3A_71 = tpu.memref_slice %arg2[%dma_wait3A_70] : memref<589824xi32, #tpu.memory_space<hbm>> -> memref<1024xi32, #tpu.memory_space<hbm>>
      tpu.wait_dma2 semaphore(%arg10 : memref<!tpu.dma_semaphore, #tpu.memory_space<semaphore_mem>>) src(%dma_wait3A_71 : memref<1024xi32, #tpu.memory_space<hbm>>) dst(%arg6 : memref<1024xi32, #tpu.memory_space<vmem>>)
      %gt3A_72 = arith.constant 0 : i32
      %gt3A_73 = arith.cmpi sgt, %scan3A_16, %gt3A_72 : i32
      %convert_element_type3A_74 = arith.extui %gt3A_73 : i1 to i32
      %cond3A_75 = arith.constant 0 : i32
      %cond3A_76 = arith.cmpi ne, %convert_element_type3A_74, %cond3A_75 : i32
      scf.if %cond3A_76 {
        %dma_wait3A_103 = arith.constant 0 : i32
        %dma_wait3A_104 = tpu.memref_slice %arg4[%dma_wait3A_103] : memref<589824xf32, #tpu.memory_space<hbm>> -> memref<1024xf32, #tpu.memory_space<hbm>>
        %dma_wait3A_105 = arith.constant 0 : i32
        %dma_wait3A_106 = tpu.memref_slice %arg4[%dma_wait3A_105] : memref<589824xf32, #tpu.memory_space<hbm>> -> memref<1024xf32, #tpu.memory_space<hbm>>
        tpu.wait_dma2 semaphore(%arg12 : memref<!tpu.dma_semaphore, #tpu.memory_space<semaphore_mem>>) src(%arg8 : memref<1024xf32, #tpu.memory_space<vmem>>) dst(%dma_wait3A_106 : memref<1024xf32, #tpu.memory_space<hbm>>)
      } else {
      }
      %dma_start3A_77 = arith.constant 0 : i32
      %dma_start3A_78 = tpu.memref_slice %arg8[%dma_start3A_77] : memref<1024xf32, #tpu.memory_space<vmem>> -> memref<512xf32, #tpu.memory_space<vmem>>
      %dma_start3A_79 = arith.constant 0 : i32
      %dma_start3A_80 = tpu.memref_slice %arg6[%dma_start3A_79] : memref<1024xi32, #tpu.memory_space<vmem>> -> memref<512xi32, #tpu.memory_space<vmem>>
      %dma_start3A_81 = arith.constant 0 : i32
      %dma_start3A_82 = tpu.memref_slice %arg3[%dma_start3A_81] : memref<33554432xf32, #tpu.memory_space<hbm>> -> memref<33554432xf32, #tpu.memory_space<hbm>>
      tpu.enqueue_indirect_dma source(%dma_start3A_82 : memref<33554432xf32, #tpu.memory_space<hbm>>) target(%dma_start3A_78 : memref<512xf32, #tpu.memory_space<vmem>>) offsets(%dma_start3A_80 : memref<512xi32, #tpu.memory_space<vmem>>) semaphore(%arg13 : memref<!tpu.dma_semaphore, #tpu.memory_space<semaphore_mem>>)
      %dma_start3A_83 = arith.constant 512 : i32
      %dma_start3A_84 = tpu.memref_slice %arg8[%dma_start3A_83] : memref<1024xf32, #tpu.memory_space<vmem>> -> memref<512xf32, #tpu.memory_space<vmem>>
      %dma_start3A_85 = arith.constant 512 : i32
      %dma_start3A_86 = tpu.memref_slice %arg6[%dma_start3A_85] : memref<1024xi32, #tpu.memory_space<vmem>> -> memref<512xi32, #tpu.memory_space<vmem>>
      %dma_start3A_87 = arith.constant 0 : i32
      %dma_start3A_88 = tpu.memref_slice %arg3[%dma_start3A_87] : memref<33554432xf32, #tpu.memory_space<hbm>> -> memref<33554432xf32, #tpu.memory_space<hbm>>
      tpu.enqueue_indirect_dma source(%dma_start3A_88 : memref<33554432xf32, #tpu.memory_space<hbm>>) target(%dma_start3A_84 : memref<512xf32, #tpu.memory_space<vmem>>) offsets(%dma_start3A_86 : memref<512xi32, #tpu.memory_space<vmem>>) semaphore(%arg13 : memref<!tpu.dma_semaphore, #tpu.memory_space<semaphore_mem>>)
      %dma_wait3A_89 = arith.constant 0 : i32
      %dma_wait3A_90 = tpu.memref_slice %arg8[%dma_wait3A_89] : memref<1024xf32, #tpu.memory_space<vmem>> -> memref<512xf32, #tpu.memory_space<vmem>>
      %dma_wait3A_91 = arith.constant 0 : i32
      %dma_wait3A_92 = tpu.memref_slice %arg6[%dma_wait3A_91] : memref<1024xi32, #tpu.memory_space<vmem>> -> memref<512xi32, #tpu.memory_space<vmem>>
      %dma_wait3A_93 = arith.constant 0 : i32
      %dma_wait3A_94 = tpu.memref_slice %arg3[%dma_wait3A_93] : memref<33554432xf32, #tpu.memory_space<hbm>> -> memref<33554432xf32, #tpu.memory_space<hbm>>
      tpu.wait_indirect_dma semaphore(%arg13 : memref<!tpu.dma_semaphore, #tpu.memory_space<semaphore_mem>>) src(%dma_wait3A_94 : memref<33554432xf32, #tpu.memory_space<hbm>>) dst(%dma_wait3A_90 : memref<512xf32, #tpu.memory_space<vmem>>)
      %dma_wait3A_95 = arith.constant 512 : i32
      %dma_wait3A_96 = tpu.memref_slice %arg8[%dma_wait3A_95] : memref<1024xf32, #tpu.memory_space<vmem>> -> memref<512xf32, #tpu.memory_space<vmem>>
      %dma_wait3A_97 = arith.constant 512 : i32
      %dma_wait3A_98 = tpu.memref_slice %arg6[%dma_wait3A_97] : memref<1024xi32, #tpu.memory_space<vmem>> -> memref<512xi32, #tpu.memory_space<vmem>>
      %dma_wait3A_99 = arith.constant 0 : i32
      %dma_wait3A_100 = tpu.memref_slice %arg3[%dma_wait3A_99] : memref<33554432xf32, #tpu.memory_space<hbm>> -> memref<33554432xf32, #tpu.memory_space<hbm>>
      tpu.wait_indirect_dma semaphore(%arg13 : memref<!tpu.dma_semaphore, #tpu.memory_space<semaphore_mem>>) src(%dma_wait3A_100 : memref<33554432xf32, #tpu.memory_space<hbm>>) dst(%dma_wait3A_96 : memref<512xf32, #tpu.memory_space<vmem>>)
      %dma_start3A_101 = tpu.memref_slice %arg4[%add3A_61] : memref<589824xf32, #tpu.memory_space<hbm>> -> memref<1024xf32, #tpu.memory_space<hbm>>
      %dma_start3A_102 = tpu.memref_slice %arg4[%add3A_61] : memref<589824xf32, #tpu.memory_space<hbm>> -> memref<1024xf32, #tpu.memory_space<hbm>>
      tpu.enqueue_dma source(%arg8 : memref<1024xf32, #tpu.memory_space<vmem>>) target(%dma_start3A_102 : memref<1024xf32, #tpu.memory_space<hbm>>) target_semaphore(%arg12 : memref<!tpu.dma_semaphore, #tpu.memory_space<semaphore_mem>>)
    }
    %scan3A_8 = arith.constant 9 : i32
    %dma_wait3A = arith.constant 0 : i32
    %dma_wait3A_9 = tpu.memref_slice %arg4[%dma_wait3A] : memref<589824xf32, #tpu.memory_space<hbm>> -> memref<1024xf32, #tpu.memory_space<hbm>>
    %dma_wait3A_10 = arith.constant 0 : i32
    %dma_wait3A_11 = tpu.memref_slice %arg4[%dma_wait3A_10] : memref<589824xf32, #tpu.memory_space<hbm>> -> memref<1024xf32, #tpu.memory_space<hbm>>
    tpu.wait_dma2 semaphore(%arg11 : memref<!tpu.dma_semaphore, #tpu.memory_space<semaphore_mem>>) src(%arg7 : memref<1024xf32, #tpu.memory_space<vmem>>) dst(%dma_wait3A_11 : memref<1024xf32, #tpu.memory_space<hbm>>)
    %dma_wait3A_12 = arith.constant 0 : i32
    %dma_wait3A_13 = tpu.memref_slice %arg4[%dma_wait3A_12] : memref<589824xf32, #tpu.memory_space<hbm>> -> memref<1024xf32, #tpu.memory_space<hbm>>
    %dma_wait3A_14 = arith.constant 0 : i32
    %dma_wait3A_15 = tpu.memref_slice %arg4[%dma_wait3A_14] : memref<589824xf32, #tpu.memory_space<hbm>> -> memref<1024xf32, #tpu.memory_space<hbm>>
    tpu.wait_dma2 semaphore(%arg12 : memref<!tpu.dma_semaphore, #tpu.memory_space<semaphore_mem>>) src(%arg8 : memref<1024xf32, #tpu.memory_space<vmem>>) dst(%dma_wait3A_15 : memref<1024xf32, #tpu.memory_space<hbm>>)
    return
  }
}

#map = affine_map<(d0, d1) -> (0)>
module attributes {stable_mosaic.version = 14 : i64} {
  func.func @body(%arg0: i32, %arg1: i32, %arg2: memref<589824xi32, #tpu.memory_space<hbm>>, %arg3: memref<33554432xf32, #tpu.memory_space<hbm>>, %arg4: memref<589824xf32, #tpu.memory_space<hbm>>, %arg5: memref<1024xi32, #tpu.memory_space<vmem>>, %arg6: memref<1024xi32, #tpu.memory_space<vmem>>, %arg7: memref<1024xf32, #tpu.memory_space<vmem>>, %arg8: memref<1024xf32, #tpu.memory_space<vmem>>, %arg9: memref<!tpu.dma_semaphore, #tpu.memory_space<semaphore_mem>>, %arg10: memref<!tpu.dma_semaphore, #tpu.memory_space<semaphore_mem>>, %arg11: memref<!tpu.dma_semaphore, #tpu.memory_space<semaphore_mem>>, %arg12: memref<!tpu.dma_semaphore, #tpu.memory_space<semaphore_mem>>, %arg13: memref<!tpu.dma_semaphore, #tpu.memory_space<semaphore_mem>>) attributes {dimension_semantics = [#tpu.dimension_semantics<core_parallel>, #tpu.dimension_semantics<subcore_parallel>], iteration_bounds = array<i64: 2, 16>, scalar_prefetch = 0 : i64, scratch_operands = 9 : i64, tpu.core_type = #tpu.core_type<sc_vector_subcore>, window_params = [{transform_indices = #map}, {transform_indices = #map}, {transform_indices = #map}]} {
    %mul3A = arith.constant 2 : i32
    %mul3A_0 = arith.muli %arg1, %mul3A : i32
    %add3A = arith.addi %mul3A_0, %arg0 : i32
    %mul3A_1 = arith.constant 18432 : i32
    %mul3A_2 = arith.muli %add3A, %mul3A_1 : i32
    %dma_start3A = tpu.memref_slice %arg2[%mul3A_2] : memref<589824xi32, #tpu.memory_space<hbm>> -> memref<1024xi32, #tpu.memory_space<hbm>>
    %dma_start3A_3 = tpu.memref_slice %arg2[%mul3A_2] : memref<589824xi32, #tpu.memory_space<hbm>> -> memref<1024xi32, #tpu.memory_space<hbm>>
    tpu.enqueue_dma source(%dma_start3A_3 : memref<1024xi32, #tpu.memory_space<hbm>>) target(%arg5 : memref<1024xi32, #tpu.memory_space<vmem>>) target_semaphore(%arg9 : memref<!tpu.dma_semaphore, #tpu.memory_space<semaphore_mem>>)
    %scan3A = arith.constant 0 : i32
    %scan3A_4 = arith.constant 0 : i32
    %scan3A_5 = arith.constant 9 : i32
    %scan3A_6 = arith.addi %scan3A_4, %scan3A_5 : i32
    %scan3A_7 = arith.constant 1 : i32
    scf.for %scan3A_16 = %scan3A_4 to %scan3A_6 step %scan3A_7  : i32 {
      %mul3A_17 = arith.constant 2 : i32
      %mul3A_18 = arith.muli %mul3A_17, %scan3A_16 : i32
      %mul3A_19 = arith.constant 1024 : i32
      %mul3A_20 = arith.muli %mul3A_18, %mul3A_19 : i32
      %add3A_21 = arith.addi %mul3A_2, %mul3A_20 : i32
      %add3A_22 = arith.constant 0 : i32
      %add3A_23 = arith.addi %add3A_21, %add3A_22 : i32
      %add3A_24 = arith.constant 1024 : i32
      %add3A_25 = arith.addi %add3A_23, %add3A_24 : i32
      %dma_start3A_26 = tpu.memref_slice %arg2[%add3A_25] : memref<589824xi32, #tpu.memory_space<hbm>> -> memref<1024xi32, #tpu.memory_space<hbm>>
      %dma_start3A_27 = tpu.memref_slice %arg2[%add3A_25] : memref<589824xi32, #tpu.memory_space<hbm>> -> memref<1024xi32, #tpu.memory_space<hbm>>
      tpu.enqueue_dma source(%dma_start3A_27 : memref<1024xi32, #tpu.memory_space<hbm>>) target(%arg6 : memref<1024xi32, #tpu.memory_space<vmem>>) target_semaphore(%arg10 : memref<!tpu.dma_semaphore, #tpu.memory_space<semaphore_mem>>)
      %dma_wait3A_28 = arith.constant 0 : i32
      %dma_wait3A_29 = tpu.memref_slice %arg2[%dma_wait3A_28] : memref<589824xi32, #tpu.memory_space<hbm>> -> memref<1024xi32, #tpu.memory_space<hbm>>
      %dma_wait3A_30 = arith.constant 0 : i32
      %dma_wait3A_31 = tpu.memref_slice %arg2[%dma_wait3A_30] : memref<589824xi32, #tpu.memory_space<hbm>> -> memref<1024xi32, #tpu.memory_space<hbm>>
      tpu.wait_dma2 semaphore(%arg9 : memref<!tpu.dma_semaphore, #tpu.memory_space<semaphore_mem>>) src(%dma_wait3A_31 : memref<1024xi32, #tpu.memory_space<hbm>>) dst(%arg5 : memref<1024xi32, #tpu.memory_space<vmem>>)
      %gt3A = arith.constant 0 : i32
      %gt3A_32 = arith.cmpi sgt, %scan3A_16, %gt3A : i32
      %convert_element_type3A = arith.extui %gt3A_32 : i1 to i32
      %cond3A = arith.constant 0 : i32
      %cond3A_33 = arith.cmpi ne, %convert_element_type3A, %cond3A : i32
      scf.if %cond3A_33 {
        %dma_wait3A_103 = arith.constant 0 : i32
        %dma_wait3A_104 = tpu.memref_slice %arg4[%dma_wait3A_103] : memref<589824xf32, #tpu.memory_space<hbm>> -> memref<1024xf32, #tpu.memory_space<hbm>>
        %dma_wait3A_105 = arith.constant 0 : i32
        %dma_wait3A_106 = tpu.memref_slice %arg4[%dma_wait3A_105] : memref<589824xf32, #tpu.memory_space<hbm>> -> memref<1024xf32, #tpu.memory_space<hbm>>
        tpu.wait_dma2 semaphore(%arg11 : memref<!tpu.dma_semaphore, #tpu.memory_space<semaphore_mem>>) src(%arg7 : memref<1024xf32, #tpu.memory_space<vmem>>) dst(%dma_wait3A_106 : memref<1024xf32, #tpu.memory_space<hbm>>)
      } else {
      }
      %dma_start3A_34 = arith.constant 0 : i32
      %dma_start3A_35 = tpu.memref_slice %arg7[%dma_start3A_34] : memref<1024xf32, #tpu.memory_space<vmem>> -> memref<512xf32, #tpu.memory_space<vmem>>
      %dma_start3A_36 = arith.constant 0 : i32
      %dma_start3A_37 = tpu.memref_slice %arg5[%dma_start3A_36] : memref<1024xi32, #tpu.memory_space<vmem>> -> memref<512xi32, #tpu.memory_space<vmem>>
      %dma_start3A_38 = arith.constant 0 : i32
      %dma_start3A_39 = tpu.memref_slice %arg3[%dma_start3A_38] : memref<33554432xf32, #tpu.memory_space<hbm>> -> memref<33554432xf32, #tpu.memory_space<hbm>>
      tpu.enqueue_indirect_dma source(%dma_start3A_39 : memref<33554432xf32, #tpu.memory_space<hbm>>) target(%dma_start3A_35 : memref<512xf32, #tpu.memory_space<vmem>>) offsets(%dma_start3A_37 : memref<512xi32, #tpu.memory_space<vmem>>) semaphore(%arg13 : memref<!tpu.dma_semaphore, #tpu.memory_space<semaphore_mem>>)
      %dma_start3A_40 = arith.constant 512 : i32
      %dma_start3A_41 = tpu.memref_slice %arg7[%dma_start3A_40] : memref<1024xf32, #tpu.memory_space<vmem>> -> memref<512xf32, #tpu.memory_space<vmem>>
      %dma_start3A_42 = arith.constant 512 : i32
      %dma_start3A_43 = tpu.memref_slice %arg5[%dma_start3A_42] : memref<1024xi32, #tpu.memory_space<vmem>> -> memref<512xi32, #tpu.memory_space<vmem>>
      %dma_start3A_44 = arith.constant 0 : i32
      %dma_start3A_45 = tpu.memref_slice %arg3[%dma_start3A_44] : memref<33554432xf32, #tpu.memory_space<hbm>> -> memref<33554432xf32, #tpu.memory_space<hbm>>
      tpu.enqueue_indirect_dma source(%dma_start3A_45 : memref<33554432xf32, #tpu.memory_space<hbm>>) target(%dma_start3A_41 : memref<512xf32, #tpu.memory_space<vmem>>) offsets(%dma_start3A_43 : memref<512xi32, #tpu.memory_space<vmem>>) semaphore(%arg13 : memref<!tpu.dma_semaphore, #tpu.memory_space<semaphore_mem>>)
      %dma_wait3A_46 = arith.constant 0 : i32
      %dma_wait3A_47 = tpu.memref_slice %arg7[%dma_wait3A_46] : memref<1024xf32, #tpu.memory_space<vmem>> -> memref<512xf32, #tpu.memory_space<vmem>>
      %dma_wait3A_48 = arith.constant 0 : i32
      %dma_wait3A_49 = tpu.memref_slice %arg5[%dma_wait3A_48] : memref<1024xi32, #tpu.memory_space<vmem>> -> memref<512xi32, #tpu.memory_space<vmem>>
      %dma_wait3A_50 = arith.constant 0 : i32
      %dma_wait3A_51 = tpu.memref_slice %arg3[%dma_wait3A_50] : memref<33554432xf32, #tpu.memory_space<hbm>> -> memref<33554432xf32, #tpu.memory_space<hbm>>
      tpu.wait_indirect_dma semaphore(%arg13 : memref<!tpu.dma_semaphore, #tpu.memory_space<semaphore_mem>>) src(%dma_wait3A_51 : memref<33554432xf32, #tpu.memory_space<hbm>>) dst(%dma_wait3A_47 : memref<512xf32, #tpu.memory_space<vmem>>)
      %dma_wait3A_52 = arith.constant 512 : i32
      %dma_wait3A_53 = tpu.memref_slice %arg7[%dma_wait3A_52] : memref<1024xf32, #tpu.memory_space<vmem>> -> memref<512xf32, #tpu.memory_space<vmem>>
      %dma_wait3A_54 = arith.constant 512 : i32
      %dma_wait3A_55 = tpu.memref_slice %arg5[%dma_wait3A_54] : memref<1024xi32, #tpu.memory_space<vmem>> -> memref<512xi32, #tpu.memory_space<vmem>>
      %dma_wait3A_56 = arith.constant 0 : i32
      %dma_wait3A_57 = tpu.memref_slice %arg3[%dma_wait3A_56] : memref<33554432xf32, #tpu.memory_space<hbm>> -> memref<33554432xf32, #tpu.memory_space<hbm>>
      tpu.wait_indirect_dma semaphore(%arg13 : memref<!tpu.dma_semaphore, #tpu.memory_space<semaphore_mem>>) src(%dma_wait3A_57 : memref<33554432xf32, #tpu.memory_space<hbm>>) dst(%dma_wait3A_53 : memref<512xf32, #tpu.memory_space<vmem>>)
      %dma_start3A_58 = tpu.memref_slice %arg4[%add3A_23] : memref<589824xf32, #tpu.memory_space<hbm>> -> memref<1024xf32, #tpu.memory_space<hbm>>
      %dma_start3A_59 = tpu.memref_slice %arg4[%add3A_23] : memref<589824xf32, #tpu.memory_space<hbm>> -> memref<1024xf32, #tpu.memory_space<hbm>>
      tpu.enqueue_dma source(%arg7 : memref<1024xf32, #tpu.memory_space<vmem>>) target(%dma_start3A_59 : memref<1024xf32, #tpu.memory_space<hbm>>) target_semaphore(%arg11 : memref<!tpu.dma_semaphore, #tpu.memory_space<semaphore_mem>>)
      %add3A_60 = arith.constant 1024 : i32
      %add3A_61 = arith.addi %add3A_21, %add3A_60 : i32
      %add3A_62 = arith.constant 1024 : i32
      %add3A_63 = arith.addi %add3A_61, %add3A_62 : i32
      %lt3A = arith.constant 8 : i32
      %lt3A_64 = arith.cmpi slt, %scan3A_16, %lt3A : i32
      %convert_element_type3A_65 = arith.extui %lt3A_64 : i1 to i32
      %cond3A_66 = arith.constant 0 : i32
      %cond3A_67 = arith.cmpi ne, %convert_element_type3A_65, %cond3A_66 : i32
      scf.if %cond3A_67 {
        %dma_start3A_103 = tpu.memref_slice %arg2[%add3A_63] : memref<589824xi32, #tpu.memory_space<hbm>> -> memref<1024xi32, #tpu.memory_space<hbm>>
        %dma_start3A_104 = tpu.memref_slice %arg2[%add3A_63] : memref<589824xi32, #tpu.memory_space<hbm>> -> memref<1024xi32, #tpu.memory_space<hbm>>
        tpu.enqueue_dma source(%dma_start3A_104 : memref<1024xi32, #tpu.memory_space<hbm>>) target(%arg5 : memref<1024xi32, #tpu.memory_space<vmem>>) target_semaphore(%arg9 : memref<!tpu.dma_semaphore, #tpu.memory_space<semaphore_mem>>)
      } else {
      }
      %dma_wait3A_68 = arith.constant 0 : i32
      %dma_wait3A_69 = tpu.memref_slice %arg2[%dma_wait3A_68] : memref<589824xi32, #tpu.memory_space<hbm>> -> memref<1024xi32, #tpu.memory_space<hbm>>
      %dma_wait3A_70 = arith.constant 0 : i32
      %dma_wait3A_71 = tpu.memref_slice %arg2[%dma_wait3A_70] : memref<589824xi32, #tpu.memory_space<hbm>> -> memref<1024xi32, #tpu.memory_space<hbm>>
      tpu.wait_dma2 semaphore(%arg10 : memref<!tpu.dma_semaphore, #tpu.memory_space<semaphore_mem>>) src(%dma_wait3A_71 : memref<1024xi32, #tpu.memory_space<hbm>>) dst(%arg6 : memref<1024xi32, #tpu.memory_space<vmem>>)
      %gt3A_72 = arith.constant 0 : i32
      %gt3A_73 = arith.cmpi sgt, %scan3A_16, %gt3A_72 : i32
      %convert_element_type3A_74 = arith.extui %gt3A_73 : i1 to i32
      %cond3A_75 = arith.constant 0 : i32
      %cond3A_76 = arith.cmpi ne, %convert_element_type3A_74, %cond3A_75 : i32
      scf.if %cond3A_76 {
        %dma_wait3A_103 = arith.constant 0 : i32
        %dma_wait3A_104 = tpu.memref_slice %arg4[%dma_wait3A_103] : memref<589824xf32, #tpu.memory_space<hbm>> -> memref<1024xf32, #tpu.memory_space<hbm>>
        %dma_wait3A_105 = arith.constant 0 : i32
        %dma_wait3A_106 = tpu.memref_slice %arg4[%dma_wait3A_105] : memref<589824xf32, #tpu.memory_space<hbm>> -> memref<1024xf32, #tpu.memory_space<hbm>>
        tpu.wait_dma2 semaphore(%arg12 : memref<!tpu.dma_semaphore, #tpu.memory_space<semaphore_mem>>) src(%arg8 : memref<1024xf32, #tpu.memory_space<vmem>>) dst(%dma_wait3A_106 : memref<1024xf32, #tpu.memory_space<hbm>>)
      } else {
      }
      %dma_start3A_77 = arith.constant 0 : i32
      %dma_start3A_78 = tpu.memref_slice %arg8[%dma_start3A_77] : memref<1024xf32, #tpu.memory_space<vmem>> -> memref<512xf32, #tpu.memory_space<vmem>>
      %dma_start3A_79 = arith.constant 0 : i32
      %dma_start3A_80 = tpu.memref_slice %arg6[%dma_start3A_79] : memref<1024xi32, #tpu.memory_space<vmem>> -> memref<512xi32, #tpu.memory_space<vmem>>
      %dma_start3A_81 = arith.constant 0 : i32
      %dma_start3A_82 = tpu.memref_slice %arg3[%dma_start3A_81] : memref<33554432xf32, #tpu.memory_space<hbm>> -> memref<33554432xf32, #tpu.memory_space<hbm>>
      tpu.enqueue_indirect_dma source(%dma_start3A_82 : memref<33554432xf32, #tpu.memory_space<hbm>>) target(%dma_start3A_78 : memref<512xf32, #tpu.memory_space<vmem>>) offsets(%dma_start3A_80 : memref<512xi32, #tpu.memory_space<vmem>>) semaphore(%arg13 : memref<!tpu.dma_semaphore, #tpu.memory_space<semaphore_mem>>)
      %dma_start3A_83 = arith.constant 512 : i32
      %dma_start3A_84 = tpu.memref_slice %arg8[%dma_start3A_83] : memref<1024xf32, #tpu.memory_space<vmem>> -> memref<512xf32, #tpu.memory_space<vmem>>
      %dma_start3A_85 = arith.constant 512 : i32
      %dma_start3A_86 = tpu.memref_slice %arg6[%dma_start3A_85] : memref<1024xi32, #tpu.memory_space<vmem>> -> memref<512xi32, #tpu.memory_space<vmem>>
      %dma_start3A_87 = arith.constant 0 : i32
      %dma_start3A_88 = tpu.memref_slice %arg3[%dma_start3A_87] : memref<33554432xf32, #tpu.memory_space<hbm>> -> memref<33554432xf32, #tpu.memory_space<hbm>>
      tpu.enqueue_indirect_dma source(%dma_start3A_88 : memref<33554432xf32, #tpu.memory_space<hbm>>) target(%dma_start3A_84 : memref<512xf32, #tpu.memory_space<vmem>>) offsets(%dma_start3A_86 : memref<512xi32, #tpu.memory_space<vmem>>) semaphore(%arg13 : memref<!tpu.dma_semaphore, #tpu.memory_space<semaphore_mem>>)
      %dma_wait3A_89 = arith.constant 0 : i32
      %dma_wait3A_90 = tpu.memref_slice %arg8[%dma_wait3A_89] : memref<1024xf32, #tpu.memory_space<vmem>> -> memref<512xf32, #tpu.memory_space<vmem>>
      %dma_wait3A_91 = arith.constant 0 : i32
      %dma_wait3A_92 = tpu.memref_slice %arg6[%dma_wait3A_91] : memref<1024xi32, #tpu.memory_space<vmem>> -> memref<512xi32, #tpu.memory_space<vmem>>
      %dma_wait3A_93 = arith.constant 0 : i32
      %dma_wait3A_94 = tpu.memref_slice %arg3[%dma_wait3A_93] : memref<33554432xf32, #tpu.memory_space<hbm>> -> memref<33554432xf32, #tpu.memory_space<hbm>>
      tpu.wait_indirect_dma semaphore(%arg13 : memref<!tpu.dma_semaphore, #tpu.memory_space<semaphore_mem>>) src(%dma_wait3A_94 : memref<33554432xf32, #tpu.memory_space<hbm>>) dst(%dma_wait3A_90 : memref<512xf32, #tpu.memory_space<vmem>>)
      %dma_wait3A_95 = arith.constant 512 : i32
      %dma_wait3A_96 = tpu.memref_slice %arg8[%dma_wait3A_95] : memref<1024xf32, #tpu.memory_space<vmem>> -> memref<512xf32, #tpu.memory_space<vmem>>
      %dma_wait3A_97 = arith.constant 512 : i32
      %dma_wait3A_98 = tpu.memref_slice %arg6[%dma_wait3A_97] : memref<1024xi32, #tpu.memory_space<vmem>> -> memref<512xi32, #tpu.memory_space<vmem>>
      %dma_wait3A_99 = arith.constant 0 : i32
      %dma_wait3A_100 = tpu.memref_slice %arg3[%dma_wait3A_99] : memref<33554432xf32, #tpu.memory_space<hbm>> -> memref<33554432xf32, #tpu.memory_space<hbm>>
      tpu.wait_indirect_dma semaphore(%arg13 : memref<!tpu.dma_semaphore, #tpu.memory_space<semaphore_mem>>) src(%dma_wait3A_100 : memref<33554432xf32, #tpu.memory_space<hbm>>) dst(%dma_wait3A_96 : memref<512xf32, #tpu.memory_space<vmem>>)
      %dma_start3A_101 = tpu.memref_slice %arg4[%add3A_61] : memref<589824xf32, #tpu.memory_space<hbm>> -> memref<1024xf32, #tpu.memory_space<hbm>>
      %dma_start3A_102 = tpu.memref_slice %arg4[%add3A_61] : memref<589824xf32, #tpu.memory_space<hbm>> -> memref<1024xf32, #tpu.memory_space<hbm>>
      tpu.enqueue_dma source(%arg8 : memref<1024xf32, #tpu.memory_space<vmem>>) target(%dma_start3A_102 : memref<1024xf32, #tpu.memory_space<hbm>>) target_semaphore(%arg12 : memref<!tpu.dma_semaphore, #tpu.memory_space<semaphore_mem>>)
    }
    %scan3A_8 = arith.constant 9 : i32
    %dma_wait3A = arith.constant 0 : i32
    %dma_wait3A_9 = tpu.memref_slice %arg4[%dma_wait3A] : memref<589824xf32, #tpu.memory_space<hbm>> -> memref<1024xf32, #tpu.memory_space<hbm>>
    %dma_wait3A_10 = arith.constant 0 : i32
    %dma_wait3A_11 = tpu.memref_slice %arg4[%dma_wait3A_10] : memref<589824xf32, #tpu.memory_space<hbm>> -> memref<1024xf32, #tpu.memory_space<hbm>>
    tpu.wait_dma2 semaphore(%arg11 : memref<!tpu.dma_semaphore, #tpu.memory_space<semaphore_mem>>) src(%arg7 : memref<1024xf32, #tpu.memory_space<vmem>>) dst(%dma_wait3A_11 : memref<1024xf32, #tpu.memory_space<hbm>>)
    %dma_wait3A_12 = arith.constant 0 : i32
    %dma_wait3A_13 = tpu.memref_slice %arg4[%dma_wait3A_12] : memref<589824xf32, #tpu.memory_space<hbm>> -> memref<1024xf32, #tpu.memory_space<hbm>>
    %dma_wait3A_14 = arith.constant 0 : i32
    %dma_wait3A_15 = tpu.memref_slice %arg4[%dma_wait3A_14] : memref<589824xf32, #tpu.memory_space<hbm>> -> memref<1024xf32, #tpu.memory_space<hbm>>
    tpu.wait_dma2 semaphore(%arg12 : memref<!tpu.dma_semaphore, #tpu.memory_space<semaphore_mem>>) src(%arg8 : memref<1024xf32, #tpu.memory_space<vmem>>) dst(%dma_wait3A_15 : memref<1024xf32, #tpu.memory_space<hbm>>)
    return
  }
}

#map = affine_map<(d0, d1) -> (0)>
module attributes {stable_mosaic.version = 14 : i64} {
  func.func @body(%arg0: i32, %arg1: i32, %arg2: memref<262144xi32, #tpu.memory_space<hbm>>, %arg3: memref<33554432xf32, #tpu.memory_space<hbm>>, %arg4: memref<262144xf32, #tpu.memory_space<hbm>>, %arg5: memref<1024xi32, #tpu.memory_space<vmem>>, %arg6: memref<1024xi32, #tpu.memory_space<vmem>>, %arg7: memref<1024xf32, #tpu.memory_space<vmem>>, %arg8: memref<1024xf32, #tpu.memory_space<vmem>>, %arg9: memref<!tpu.dma_semaphore, #tpu.memory_space<semaphore_mem>>, %arg10: memref<!tpu.dma_semaphore, #tpu.memory_space<semaphore_mem>>, %arg11: memref<!tpu.dma_semaphore, #tpu.memory_space<semaphore_mem>>, %arg12: memref<!tpu.dma_semaphore, #tpu.memory_space<semaphore_mem>>, %arg13: memref<!tpu.dma_semaphore, #tpu.memory_space<semaphore_mem>>) attributes {dimension_semantics = [#tpu.dimension_semantics<core_parallel>, #tpu.dimension_semantics<subcore_parallel>], iteration_bounds = array<i64: 2, 16>, scalar_prefetch = 0 : i64, scratch_operands = 9 : i64, tpu.core_type = #tpu.core_type<sc_vector_subcore>, window_params = [{transform_indices = #map}, {transform_indices = #map}, {transform_indices = #map}]} {
    %mul3A = arith.constant 2 : i32
    %mul3A_0 = arith.muli %arg1, %mul3A : i32
    %add3A = arith.addi %mul3A_0, %arg0 : i32
    %mul3A_1 = arith.constant 8192 : i32
    %mul3A_2 = arith.muli %add3A, %mul3A_1 : i32
    %dma_start3A = tpu.memref_slice %arg2[%mul3A_2] : memref<262144xi32, #tpu.memory_space<hbm>> -> memref<1024xi32, #tpu.memory_space<hbm>>
    %dma_start3A_3 = tpu.memref_slice %arg2[%mul3A_2] : memref<262144xi32, #tpu.memory_space<hbm>> -> memref<1024xi32, #tpu.memory_space<hbm>>
    tpu.enqueue_dma source(%dma_start3A_3 : memref<1024xi32, #tpu.memory_space<hbm>>) target(%arg5 : memref<1024xi32, #tpu.memory_space<vmem>>) target_semaphore(%arg9 : memref<!tpu.dma_semaphore, #tpu.memory_space<semaphore_mem>>)
    %scan3A = arith.constant 0 : i32
    %scan3A_4 = arith.constant 0 : i32
    %scan3A_5 = arith.constant 4 : i32
    %scan3A_6 = arith.addi %scan3A_4, %scan3A_5 : i32
    %scan3A_7 = arith.constant 1 : i32
    scf.for %scan3A_16 = %scan3A_4 to %scan3A_6 step %scan3A_7  : i32 {
      %mul3A_17 = arith.constant 2 : i32
      %mul3A_18 = arith.muli %mul3A_17, %scan3A_16 : i32
      %mul3A_19 = arith.constant 1024 : i32
      %mul3A_20 = arith.muli %mul3A_18, %mul3A_19 : i32
      %add3A_21 = arith.addi %mul3A_2, %mul3A_20 : i32
      %add3A_22 = arith.constant 0 : i32
      %add3A_23 = arith.addi %add3A_21, %add3A_22 : i32
      %add3A_24 = arith.constant 1024 : i32
      %add3A_25 = arith.addi %add3A_23, %add3A_24 : i32
      %dma_start3A_26 = tpu.memref_slice %arg2[%add3A_25] : memref<262144xi32, #tpu.memory_space<hbm>> -> memref<1024xi32, #tpu.memory_space<hbm>>
      %dma_start3A_27 = tpu.memref_slice %arg2[%add3A_25] : memref<262144xi32, #tpu.memory_space<hbm>> -> memref<1024xi32, #tpu.memory_space<hbm>>
      tpu.enqueue_dma source(%dma_start3A_27 : memref<1024xi32, #tpu.memory_space<hbm>>) target(%arg6 : memref<1024xi32, #tpu.memory_space<vmem>>) target_semaphore(%arg10 : memref<!tpu.dma_semaphore, #tpu.memory_space<semaphore_mem>>)
      %dma_wait3A_28 = arith.constant 0 : i32
      %dma_wait3A_29 = tpu.memref_slice %arg2[%dma_wait3A_28] : memref<262144xi32, #tpu.memory_space<hbm>> -> memref<1024xi32, #tpu.memory_space<hbm>>
      %dma_wait3A_30 = arith.constant 0 : i32
      %dma_wait3A_31 = tpu.memref_slice %arg2[%dma_wait3A_30] : memref<262144xi32, #tpu.memory_space<hbm>> -> memref<1024xi32, #tpu.memory_space<hbm>>
      tpu.wait_dma2 semaphore(%arg9 : memref<!tpu.dma_semaphore, #tpu.memory_space<semaphore_mem>>) src(%dma_wait3A_31 : memref<1024xi32, #tpu.memory_space<hbm>>) dst(%arg5 : memref<1024xi32, #tpu.memory_space<vmem>>)
      %gt3A = arith.constant 0 : i32
      %gt3A_32 = arith.cmpi sgt, %scan3A_16, %gt3A : i32
      %convert_element_type3A = arith.extui %gt3A_32 : i1 to i32
      %cond3A = arith.constant 0 : i32
      %cond3A_33 = arith.cmpi ne, %convert_element_type3A, %cond3A : i32
      scf.if %cond3A_33 {
        %dma_wait3A_103 = arith.constant 0 : i32
        %dma_wait3A_104 = tpu.memref_slice %arg4[%dma_wait3A_103] : memref<262144xf32, #tpu.memory_space<hbm>> -> memref<1024xf32, #tpu.memory_space<hbm>>
        %dma_wait3A_105 = arith.constant 0 : i32
        %dma_wait3A_106 = tpu.memref_slice %arg4[%dma_wait3A_105] : memref<262144xf32, #tpu.memory_space<hbm>> -> memref<1024xf32, #tpu.memory_space<hbm>>
        tpu.wait_dma2 semaphore(%arg11 : memref<!tpu.dma_semaphore, #tpu.memory_space<semaphore_mem>>) src(%arg7 : memref<1024xf32, #tpu.memory_space<vmem>>) dst(%dma_wait3A_106 : memref<1024xf32, #tpu.memory_space<hbm>>)
      } else {
      }
      %dma_start3A_34 = arith.constant 0 : i32
      %dma_start3A_35 = tpu.memref_slice %arg7[%dma_start3A_34] : memref<1024xf32, #tpu.memory_space<vmem>> -> memref<512xf32, #tpu.memory_space<vmem>>
      %dma_start3A_36 = arith.constant 0 : i32
      %dma_start3A_37 = tpu.memref_slice %arg5[%dma_start3A_36] : memref<1024xi32, #tpu.memory_space<vmem>> -> memref<512xi32, #tpu.memory_space<vmem>>
      %dma_start3A_38 = arith.constant 0 : i32
      %dma_start3A_39 = tpu.memref_slice %arg3[%dma_start3A_38] : memref<33554432xf32, #tpu.memory_space<hbm>> -> memref<33554432xf32, #tpu.memory_space<hbm>>
      tpu.enqueue_indirect_dma source(%dma_start3A_39 : memref<33554432xf32, #tpu.memory_space<hbm>>) target(%dma_start3A_35 : memref<512xf32, #tpu.memory_space<vmem>>) offsets(%dma_start3A_37 : memref<512xi32, #tpu.memory_space<vmem>>) semaphore(%arg13 : memref<!tpu.dma_semaphore, #tpu.memory_space<semaphore_mem>>)
      %dma_start3A_40 = arith.constant 512 : i32
      %dma_start3A_41 = tpu.memref_slice %arg7[%dma_start3A_40] : memref<1024xf32, #tpu.memory_space<vmem>> -> memref<512xf32, #tpu.memory_space<vmem>>
      %dma_start3A_42 = arith.constant 512 : i32
      %dma_start3A_43 = tpu.memref_slice %arg5[%dma_start3A_42] : memref<1024xi32, #tpu.memory_space<vmem>> -> memref<512xi32, #tpu.memory_space<vmem>>
      %dma_start3A_44 = arith.constant 0 : i32
      %dma_start3A_45 = tpu.memref_slice %arg3[%dma_start3A_44] : memref<33554432xf32, #tpu.memory_space<hbm>> -> memref<33554432xf32, #tpu.memory_space<hbm>>
      tpu.enqueue_indirect_dma source(%dma_start3A_45 : memref<33554432xf32, #tpu.memory_space<hbm>>) target(%dma_start3A_41 : memref<512xf32, #tpu.memory_space<vmem>>) offsets(%dma_start3A_43 : memref<512xi32, #tpu.memory_space<vmem>>) semaphore(%arg13 : memref<!tpu.dma_semaphore, #tpu.memory_space<semaphore_mem>>)
      %dma_wait3A_46 = arith.constant 0 : i32
      %dma_wait3A_47 = tpu.memref_slice %arg7[%dma_wait3A_46] : memref<1024xf32, #tpu.memory_space<vmem>> -> memref<512xf32, #tpu.memory_space<vmem>>
      %dma_wait3A_48 = arith.constant 0 : i32
      %dma_wait3A_49 = tpu.memref_slice %arg5[%dma_wait3A_48] : memref<1024xi32, #tpu.memory_space<vmem>> -> memref<512xi32, #tpu.memory_space<vmem>>
      %dma_wait3A_50 = arith.constant 0 : i32
      %dma_wait3A_51 = tpu.memref_slice %arg3[%dma_wait3A_50] : memref<33554432xf32, #tpu.memory_space<hbm>> -> memref<33554432xf32, #tpu.memory_space<hbm>>
      tpu.wait_indirect_dma semaphore(%arg13 : memref<!tpu.dma_semaphore, #tpu.memory_space<semaphore_mem>>) src(%dma_wait3A_51 : memref<33554432xf32, #tpu.memory_space<hbm>>) dst(%dma_wait3A_47 : memref<512xf32, #tpu.memory_space<vmem>>)
      %dma_wait3A_52 = arith.constant 512 : i32
      %dma_wait3A_53 = tpu.memref_slice %arg7[%dma_wait3A_52] : memref<1024xf32, #tpu.memory_space<vmem>> -> memref<512xf32, #tpu.memory_space<vmem>>
      %dma_wait3A_54 = arith.constant 512 : i32
      %dma_wait3A_55 = tpu.memref_slice %arg5[%dma_wait3A_54] : memref<1024xi32, #tpu.memory_space<vmem>> -> memref<512xi32, #tpu.memory_space<vmem>>
      %dma_wait3A_56 = arith.constant 0 : i32
      %dma_wait3A_57 = tpu.memref_slice %arg3[%dma_wait3A_56] : memref<33554432xf32, #tpu.memory_space<hbm>> -> memref<33554432xf32, #tpu.memory_space<hbm>>
      tpu.wait_indirect_dma semaphore(%arg13 : memref<!tpu.dma_semaphore, #tpu.memory_space<semaphore_mem>>) src(%dma_wait3A_57 : memref<33554432xf32, #tpu.memory_space<hbm>>) dst(%dma_wait3A_53 : memref<512xf32, #tpu.memory_space<vmem>>)
      %dma_start3A_58 = tpu.memref_slice %arg4[%add3A_23] : memref<262144xf32, #tpu.memory_space<hbm>> -> memref<1024xf32, #tpu.memory_space<hbm>>
      %dma_start3A_59 = tpu.memref_slice %arg4[%add3A_23] : memref<262144xf32, #tpu.memory_space<hbm>> -> memref<1024xf32, #tpu.memory_space<hbm>>
      tpu.enqueue_dma source(%arg7 : memref<1024xf32, #tpu.memory_space<vmem>>) target(%dma_start3A_59 : memref<1024xf32, #tpu.memory_space<hbm>>) target_semaphore(%arg11 : memref<!tpu.dma_semaphore, #tpu.memory_space<semaphore_mem>>)
      %add3A_60 = arith.constant 1024 : i32
      %add3A_61 = arith.addi %add3A_21, %add3A_60 : i32
      %add3A_62 = arith.constant 1024 : i32
      %add3A_63 = arith.addi %add3A_61, %add3A_62 : i32
      %lt3A = arith.constant 3 : i32
      %lt3A_64 = arith.cmpi slt, %scan3A_16, %lt3A : i32
      %convert_element_type3A_65 = arith.extui %lt3A_64 : i1 to i32
      %cond3A_66 = arith.constant 0 : i32
      %cond3A_67 = arith.cmpi ne, %convert_element_type3A_65, %cond3A_66 : i32
      scf.if %cond3A_67 {
        %dma_start3A_103 = tpu.memref_slice %arg2[%add3A_63] : memref<262144xi32, #tpu.memory_space<hbm>> -> memref<1024xi32, #tpu.memory_space<hbm>>
        %dma_start3A_104 = tpu.memref_slice %arg2[%add3A_63] : memref<262144xi32, #tpu.memory_space<hbm>> -> memref<1024xi32, #tpu.memory_space<hbm>>
        tpu.enqueue_dma source(%dma_start3A_104 : memref<1024xi32, #tpu.memory_space<hbm>>) target(%arg5 : memref<1024xi32, #tpu.memory_space<vmem>>) target_semaphore(%arg9 : memref<!tpu.dma_semaphore, #tpu.memory_space<semaphore_mem>>)
      } else {
      }
      %dma_wait3A_68 = arith.constant 0 : i32
      %dma_wait3A_69 = tpu.memref_slice %arg2[%dma_wait3A_68] : memref<262144xi32, #tpu.memory_space<hbm>> -> memref<1024xi32, #tpu.memory_space<hbm>>
      %dma_wait3A_70 = arith.constant 0 : i32
      %dma_wait3A_71 = tpu.memref_slice %arg2[%dma_wait3A_70] : memref<262144xi32, #tpu.memory_space<hbm>> -> memref<1024xi32, #tpu.memory_space<hbm>>
      tpu.wait_dma2 semaphore(%arg10 : memref<!tpu.dma_semaphore, #tpu.memory_space<semaphore_mem>>) src(%dma_wait3A_71 : memref<1024xi32, #tpu.memory_space<hbm>>) dst(%arg6 : memref<1024xi32, #tpu.memory_space<vmem>>)
      %gt3A_72 = arith.constant 0 : i32
      %gt3A_73 = arith.cmpi sgt, %scan3A_16, %gt3A_72 : i32
      %convert_element_type3A_74 = arith.extui %gt3A_73 : i1 to i32
      %cond3A_75 = arith.constant 0 : i32
      %cond3A_76 = arith.cmpi ne, %convert_element_type3A_74, %cond3A_75 : i32
      scf.if %cond3A_76 {
        %dma_wait3A_103 = arith.constant 0 : i32
        %dma_wait3A_104 = tpu.memref_slice %arg4[%dma_wait3A_103] : memref<262144xf32, #tpu.memory_space<hbm>> -> memref<1024xf32, #tpu.memory_space<hbm>>
        %dma_wait3A_105 = arith.constant 0 : i32
        %dma_wait3A_106 = tpu.memref_slice %arg4[%dma_wait3A_105] : memref<262144xf32, #tpu.memory_space<hbm>> -> memref<1024xf32, #tpu.memory_space<hbm>>
        tpu.wait_dma2 semaphore(%arg12 : memref<!tpu.dma_semaphore, #tpu.memory_space<semaphore_mem>>) src(%arg8 : memref<1024xf32, #tpu.memory_space<vmem>>) dst(%dma_wait3A_106 : memref<1024xf32, #tpu.memory_space<hbm>>)
      } else {
      }
      %dma_start3A_77 = arith.constant 0 : i32
      %dma_start3A_78 = tpu.memref_slice %arg8[%dma_start3A_77] : memref<1024xf32, #tpu.memory_space<vmem>> -> memref<512xf32, #tpu.memory_space<vmem>>
      %dma_start3A_79 = arith.constant 0 : i32
      %dma_start3A_80 = tpu.memref_slice %arg6[%dma_start3A_79] : memref<1024xi32, #tpu.memory_space<vmem>> -> memref<512xi32, #tpu.memory_space<vmem>>
      %dma_start3A_81 = arith.constant 0 : i32
      %dma_start3A_82 = tpu.memref_slice %arg3[%dma_start3A_81] : memref<33554432xf32, #tpu.memory_space<hbm>> -> memref<33554432xf32, #tpu.memory_space<hbm>>
      tpu.enqueue_indirect_dma source(%dma_start3A_82 : memref<33554432xf32, #tpu.memory_space<hbm>>) target(%dma_start3A_78 : memref<512xf32, #tpu.memory_space<vmem>>) offsets(%dma_start3A_80 : memref<512xi32, #tpu.memory_space<vmem>>) semaphore(%arg13 : memref<!tpu.dma_semaphore, #tpu.memory_space<semaphore_mem>>)
      %dma_start3A_83 = arith.constant 512 : i32
      %dma_start3A_84 = tpu.memref_slice %arg8[%dma_start3A_83] : memref<1024xf32, #tpu.memory_space<vmem>> -> memref<512xf32, #tpu.memory_space<vmem>>
      %dma_start3A_85 = arith.constant 512 : i32
      %dma_start3A_86 = tpu.memref_slice %arg6[%dma_start3A_85] : memref<1024xi32, #tpu.memory_space<vmem>> -> memref<512xi32, #tpu.memory_space<vmem>>
      %dma_start3A_87 = arith.constant 0 : i32
      %dma_start3A_88 = tpu.memref_slice %arg3[%dma_start3A_87] : memref<33554432xf32, #tpu.memory_space<hbm>> -> memref<33554432xf32, #tpu.memory_space<hbm>>
      tpu.enqueue_indirect_dma source(%dma_start3A_88 : memref<33554432xf32, #tpu.memory_space<hbm>>) target(%dma_start3A_84 : memref<512xf32, #tpu.memory_space<vmem>>) offsets(%dma_start3A_86 : memref<512xi32, #tpu.memory_space<vmem>>) semaphore(%arg13 : memref<!tpu.dma_semaphore, #tpu.memory_space<semaphore_mem>>)
      %dma_wait3A_89 = arith.constant 0 : i32
      %dma_wait3A_90 = tpu.memref_slice %arg8[%dma_wait3A_89] : memref<1024xf32, #tpu.memory_space<vmem>> -> memref<512xf32, #tpu.memory_space<vmem>>
      %dma_wait3A_91 = arith.constant 0 : i32
      %dma_wait3A_92 = tpu.memref_slice %arg6[%dma_wait3A_91] : memref<1024xi32, #tpu.memory_space<vmem>> -> memref<512xi32, #tpu.memory_space<vmem>>
      %dma_wait3A_93 = arith.constant 0 : i32
      %dma_wait3A_94 = tpu.memref_slice %arg3[%dma_wait3A_93] : memref<33554432xf32, #tpu.memory_space<hbm>> -> memref<33554432xf32, #tpu.memory_space<hbm>>
      tpu.wait_indirect_dma semaphore(%arg13 : memref<!tpu.dma_semaphore, #tpu.memory_space<semaphore_mem>>) src(%dma_wait3A_94 : memref<33554432xf32, #tpu.memory_space<hbm>>) dst(%dma_wait3A_90 : memref<512xf32, #tpu.memory_space<vmem>>)
      %dma_wait3A_95 = arith.constant 512 : i32
      %dma_wait3A_96 = tpu.memref_slice %arg8[%dma_wait3A_95] : memref<1024xf32, #tpu.memory_space<vmem>> -> memref<512xf32, #tpu.memory_space<vmem>>
      %dma_wait3A_97 = arith.constant 512 : i32
      %dma_wait3A_98 = tpu.memref_slice %arg6[%dma_wait3A_97] : memref<1024xi32, #tpu.memory_space<vmem>> -> memref<512xi32, #tpu.memory_space<vmem>>
      %dma_wait3A_99 = arith.constant 0 : i32
      %dma_wait3A_100 = tpu.memref_slice %arg3[%dma_wait3A_99] : memref<33554432xf32, #tpu.memory_space<hbm>> -> memref<33554432xf32, #tpu.memory_space<hbm>>
      tpu.wait_indirect_dma semaphore(%arg13 : memref<!tpu.dma_semaphore, #tpu.memory_space<semaphore_mem>>) src(%dma_wait3A_100 : memref<33554432xf32, #tpu.memory_space<hbm>>) dst(%dma_wait3A_96 : memref<512xf32, #tpu.memory_space<vmem>>)
      %dma_start3A_101 = tpu.memref_slice %arg4[%add3A_61] : memref<262144xf32, #tpu.memory_space<hbm>> -> memref<1024xf32, #tpu.memory_space<hbm>>
      %dma_start3A_102 = tpu.memref_slice %arg4[%add3A_61] : memref<262144xf32, #tpu.memory_space<hbm>> -> memref<1024xf32, #tpu.memory_space<hbm>>
      tpu.enqueue_dma source(%arg8 : memref<1024xf32, #tpu.memory_space<vmem>>) target(%dma_start3A_102 : memref<1024xf32, #tpu.memory_space<hbm>>) target_semaphore(%arg12 : memref<!tpu.dma_semaphore, #tpu.memory_space<semaphore_mem>>)
    }
    %scan3A_8 = arith.constant 4 : i32
    %dma_wait3A = arith.constant 0 : i32
    %dma_wait3A_9 = tpu.memref_slice %arg4[%dma_wait3A] : memref<262144xf32, #tpu.memory_space<hbm>> -> memref<1024xf32, #tpu.memory_space<hbm>>
    %dma_wait3A_10 = arith.constant 0 : i32
    %dma_wait3A_11 = tpu.memref_slice %arg4[%dma_wait3A_10] : memref<262144xf32, #tpu.memory_space<hbm>> -> memref<1024xf32, #tpu.memory_space<hbm>>
    tpu.wait_dma2 semaphore(%arg11 : memref<!tpu.dma_semaphore, #tpu.memory_space<semaphore_mem>>) src(%arg7 : memref<1024xf32, #tpu.memory_space<vmem>>) dst(%dma_wait3A_11 : memref<1024xf32, #tpu.memory_space<hbm>>)
    %dma_wait3A_12 = arith.constant 0 : i32
    %dma_wait3A_13 = tpu.memref_slice %arg4[%dma_wait3A_12] : memref<262144xf32, #tpu.memory_space<hbm>> -> memref<1024xf32, #tpu.memory_space<hbm>>
    %dma_wait3A_14 = arith.constant 0 : i32
    %dma_wait3A_15 = tpu.memref_slice %arg4[%dma_wait3A_14] : memref<262144xf32, #tpu.memory_space<hbm>> -> memref<1024xf32, #tpu.memory_space<hbm>>
    tpu.wait_dma2 semaphore(%arg12 : memref<!tpu.dma_semaphore, #tpu.memory_space<semaphore_mem>>) src(%arg8 : memref<1024xf32, #tpu.memory_space<vmem>>) dst(%dma_wait3A_15 : memref<1024xf32, #tpu.memory_space<hbm>>)
    return
  }
}

module attributes {stable_mosaic.version = 14 : i64} {
  func.func @_phase1_body(%arg0: i32, %arg1: memref<16xf32, #tpu.memory_space<smem>>, %arg2: memref<3x256x128xf32, #tpu.memory_space<vmem>>, %arg3: memref<32768xi32, #tpu.memory_space<vmem>>, %arg4: memref<32768xf32, #tpu.memory_space<vmem>>, %arg5: memref<32768xi32, #tpu.memory_space<vmem>>) attributes {dimension_semantics = [#tpu.dimension_semantics<arbitrary>], iteration_bounds = array<i64: 8>, scalar_prefetch = 0 : i64, scratch_operands = 0 : i64, tpu.core_type = #tpu.core_type<tc>, window_params = [{transform_indices = @transform_0, window_bounds = array<i64: 16>}, {transform_indices = @transform_1, window_bounds = array<i64: 3, 256, 128>}, {transform_indices = @transform_2, window_bounds = array<i64: 32768>}, {transform_indices = @transform_3, window_bounds = array<i64: 32768>}, {transform_indices = @transform_4, window_bounds = array<i64: 32768>}]} {
    %get3A = arith.constant 0 : index
    %get3A_0 = arith.constant 0 : index
    %get3A_1 = arith.constant 0 : index
    %get3A_2 = vector.load %arg2[%get3A, %get3A_0, %get3A_1] : memref<3x256x128xf32, #tpu.memory_space<vmem>>, vector<1x256x128xf32>
    %get3A_3 = vector.shape_cast %get3A_2 : vector<1x256x128xf32> to vector<256x128xf32>
    %div3A = arith.constant 2.000000e+00 : f32
    %div3A_4 = vector.broadcast %div3A : f32 to vector<256x128xf32>
    %div3A_5 = arith.divf %get3A_3, %div3A_4 : vector<256x128xf32>
    %add3A = arith.constant 5.000000e-01 : f32
    %add3A_6 = vector.broadcast %add3A : f32 to vector<256x128xf32>
    %add3A_7 = arith.addf %div3A_5, %add3A_6 : vector<256x128xf32>
    %mul3A = arith.constant 6.400000e+01 : f32
    %mul3A_8 = vector.broadcast %mul3A : f32 to vector<256x128xf32>
    %mul3A_9 = arith.mulf %add3A_7, %mul3A_8 : vector<256x128xf32>
    %convert_element_type3A = arith.fptosi %mul3A_9 : vector<256x128xf32> to vector<256x128xi32>
    %jit3A = arith.constant 0 : i32
    %jit3A_10 = arith.constant 63 : i32
    %max3A = vector.broadcast %jit3A : i32 to vector<256x128xi32>
    %max3A_11 = arith.maxsi %max3A, %convert_element_type3A : vector<256x128xi32>
    %min3A = vector.broadcast %jit3A_10 : i32 to vector<256x128xi32>
    %min3A_12 = arith.minsi %min3A, %max3A_11 : vector<256x128xi32>
    %get3A_13 = arith.constant 1 : index
    %get3A_14 = arith.constant 0 : index
    %get3A_15 = arith.constant 0 : index
    %get3A_16 = vector.load %arg2[%get3A_13, %get3A_14, %get3A_15] : memref<3x256x128xf32, #tpu.memory_space<vmem>>, vector<1x256x128xf32>
    %get3A_17 = vector.shape_cast %get3A_16 : vector<1x256x128xf32> to vector<256x128xf32>
    %div3A_18 = arith.constant 2.000000e+00 : f32
    %div3A_19 = vector.broadcast %div3A_18 : f32 to vector<256x128xf32>
    %div3A_20 = arith.divf %get3A_17, %div3A_19 : vector<256x128xf32>
    %add3A_21 = arith.constant 5.000000e-01 : f32
    %add3A_22 = vector.broadcast %add3A_21 : f32 to vector<256x128xf32>
    %add3A_23 = arith.addf %div3A_20, %add3A_22 : vector<256x128xf32>
    %mul3A_24 = arith.constant 6.400000e+01 : f32
    %mul3A_25 = vector.broadcast %mul3A_24 : f32 to vector<256x128xf32>
    %mul3A_26 = arith.mulf %add3A_23, %mul3A_25 : vector<256x128xf32>
    %convert_element_type3A_27 = arith.fptosi %mul3A_26 : vector<256x128xf32> to vector<256x128xi32>
    %jit3A_28 = arith.constant 0 : i32
    %jit3A_29 = arith.constant 63 : i32
    %max3A_30 = vector.broadcast %jit3A_28 : i32 to vector<256x128xi32>
    %max3A_31 = arith.maxsi %max3A_30, %convert_element_type3A_27 : vector<256x128xi32>
    %min3A_32 = vector.broadcast %jit3A_29 : i32 to vector<256x128xi32>
    %min3A_33 = arith.minsi %min3A_32, %max3A_31 : vector<256x128xi32>
    %get3A_34 = arith.constant 2 : index
    %get3A_35 = arith.constant 0 : index
    %get3A_36 = arith.constant 0 : index
    %get3A_37 = vector.load %arg2[%get3A_34, %get3A_35, %get3A_36] : memref<3x256x128xf32, #tpu.memory_space<vmem>>, vector<1x256x128xf32>
    %get3A_38 = vector.shape_cast %get3A_37 : vector<1x256x128xf32> to vector<256x128xf32>
    %div3A_39 = arith.constant 2.000000e+00 : f32
    %div3A_40 = vector.broadcast %div3A_39 : f32 to vector<256x128xf32>
    %div3A_41 = arith.divf %get3A_38, %div3A_40 : vector<256x128xf32>
    %add3A_42 = arith.constant 5.000000e-01 : f32
    %add3A_43 = vector.broadcast %add3A_42 : f32 to vector<256x128xf32>
    %add3A_44 = arith.addf %div3A_41, %add3A_43 : vector<256x128xf32>
    %mul3A_45 = arith.constant 6.400000e+01 : f32
    %mul3A_46 = vector.broadcast %mul3A_45 : f32 to vector<256x128xf32>
    %mul3A_47 = arith.mulf %add3A_44, %mul3A_46 : vector<256x128xf32>
    %convert_element_type3A_48 = arith.fptosi %mul3A_47 : vector<256x128xf32> to vector<256x128xi32>
    %jit3A_49 = arith.constant 0 : i32
    %jit3A_50 = arith.constant 63 : i32
    %max3A_51 = vector.broadcast %jit3A_49 : i32 to vector<256x128xi32>
    %max3A_52 = arith.maxsi %max3A_51, %convert_element_type3A_48 : vector<256x128xi32>
    %min3A_53 = vector.broadcast %jit3A_50 : i32 to vector<256x128xi32>
    %min3A_54 = arith.minsi %min3A_53, %max3A_52 : vector<256x128xi32>
    %mul3A_55 = arith.constant 4096 : i32
    %mul3A_56 = vector.broadcast %mul3A_55 : i32 to vector<256x128xi32>
    %mul3A_57 = arith.muli %min3A_12, %mul3A_56 : vector<256x128xi32>
    %mul3A_58 = arith.constant 64 : i32
    %mul3A_59 = vector.broadcast %mul3A_58 : i32 to vector<256x128xi32>
    %mul3A_60 = arith.muli %min3A_33, %mul3A_59 : vector<256x128xi32>
    %add3A_61 = arith.addi %mul3A_57, %mul3A_60 : vector<256x128xi32>
    %add3A_62 = arith.addi %add3A_61, %min3A_54 : vector<256x128xi32>
    %reshape3A = vector.shape_cast %add3A_62 : vector<256x128xi32> to vector<32768xi32>
    %get3A_63 = arith.constant 0 : index
    %get3A_64 = vector.load %arg4[%get3A_63] : memref<32768xf32, #tpu.memory_space<vmem>>, vector<32768xf32>
    %mul3A_65 = arith.constant 1.500000e+01 : f32
    %mul3A_66 = vector.broadcast %mul3A_65 : f32 to vector<32768xf32>
    %mul3A_67 = arith.mulf %get3A_64, %mul3A_66 : vector<32768xf32>
    %convert_element_type3A_68 = arith.fptosi %mul3A_67 : vector<32768xf32> to vector<32768xi32>
    %jit3A_69 = arith.constant 0 : i32
    %jit3A_70 = arith.constant 14 : i32
    %max3A_71 = vector.broadcast %jit3A_69 : i32 to vector<32768xi32>
    %max3A_72 = arith.maxsi %max3A_71, %convert_element_type3A_68 : vector<32768xi32>
    %min3A_73 = vector.broadcast %jit3A_70 : i32 to vector<32768xi32>
    %min3A_74 = arith.minsi %min3A_73, %max3A_72 : vector<32768xi32>
    %broadcast_in_dim3A = arith.constant 0.000000e+00 : f32
    %broadcast_in_dim3A_75 = vector.broadcast %broadcast_in_dim3A : f32 to vector<32768xf32>
    %broadcast_in_dim3A_76 = arith.constant 0.000000e+00 : f32
    %broadcast_in_dim3A_77 = vector.broadcast %broadcast_in_dim3A_76 : f32 to vector<32768xf32>
    %get3A_78 = arith.constant 0 : index
    %get3A_79 = memref.load %arg1[%get3A_78] : memref<16xf32, #tpu.memory_space<smem>>
    %eq3A = arith.constant 0 : i32
    %eq3A_80 = vector.broadcast %eq3A : i32 to vector<32768xi32>
    %eq3A_81 = arith.cmpi eq, %min3A_74, %eq3A_80 : vector<32768xi32>
    %broadcast_in_dim3A_82 = vector.broadcast %get3A_79 : f32 to vector<32768xf32>
    %select_n3A = arith.select %eq3A_81, %broadcast_in_dim3A_82, %broadcast_in_dim3A_75 : vector<32768xi1>, vector<32768xf32>
    %get3A_83 = arith.constant 1 : index
    %get3A_84 = memref.load %arg1[%get3A_83] : memref<16xf32, #tpu.memory_space<smem>>
    %eq3A_85 = arith.constant 1 : i32
    %eq3A_86 = vector.broadcast %eq3A_85 : i32 to vector<32768xi32>
    %eq3A_87 = arith.cmpi eq, %min3A_74, %eq3A_86 : vector<32768xi32>
    %broadcast_in_dim3A_88 = vector.broadcast %get3A_84 : f32 to vector<32768xf32>
    %select_n3A_89 = arith.select %eq3A_87, %broadcast_in_dim3A_88, %select_n3A : vector<32768xi1>, vector<32768xf32>
    %eq3A_90 = arith.constant 0 : i32
    %eq3A_91 = vector.broadcast %eq3A_90 : i32 to vector<32768xi32>
    %eq3A_92 = arith.cmpi eq, %min3A_74, %eq3A_91 : vector<32768xi32>
    %broadcast_in_dim3A_93 = vector.broadcast %get3A_84 : f32 to vector<32768xf32>
    %select_n3A_94 = arith.select %eq3A_92, %broadcast_in_dim3A_93, %broadcast_in_dim3A_77 : vector<32768xi1>, vector<32768xf32>
    %get3A_95 = arith.constant 2 : index
    %get3A_96 = memref.load %arg1[%get3A_95] : memref<16xf32, #tpu.memory_space<smem>>
    %eq3A_97 = arith.constant 2 : i32
    %eq3A_98 = vector.broadcast %eq3A_97 : i32 to vector<32768xi32>
    %eq3A_99 = arith.cmpi eq, %min3A_74, %eq3A_98 : vector<32768xi32>
    %broadcast_in_dim3A_100 = vector.broadcast %get3A_96 : f32 to vector<32768xf32>
    %select_n3A_101 = arith.select %eq3A_99, %broadcast_in_dim3A_100, %select_n3A_89 : vector<32768xi1>, vector<32768xf32>
    %eq3A_102 = arith.constant 1 : i32
    %eq3A_103 = vector.broadcast %eq3A_102 : i32 to vector<32768xi32>
    %eq3A_104 = arith.cmpi eq, %min3A_74, %eq3A_103 : vector<32768xi32>
    %broadcast_in_dim3A_105 = vector.broadcast %get3A_96 : f32 to vector<32768xf32>
    %select_n3A_106 = arith.select %eq3A_104, %broadcast_in_dim3A_105, %select_n3A_94 : vector<32768xi1>, vector<32768xf32>
    %get3A_107 = arith.constant 3 : index
    %get3A_108 = memref.load %arg1[%get3A_107] : memref<16xf32, #tpu.memory_space<smem>>
    %eq3A_109 = arith.constant 3 : i32
    %eq3A_110 = vector.broadcast %eq3A_109 : i32 to vector<32768xi32>
    %eq3A_111 = arith.cmpi eq, %min3A_74, %eq3A_110 : vector<32768xi32>
    %broadcast_in_dim3A_112 = vector.broadcast %get3A_108 : f32 to vector<32768xf32>
    %select_n3A_113 = arith.select %eq3A_111, %broadcast_in_dim3A_112, %select_n3A_101 : vector<32768xi1>, vector<32768xf32>
    %eq3A_114 = arith.constant 2 : i32
    %eq3A_115 = vector.broadcast %eq3A_114 : i32 to vector<32768xi32>
    %eq3A_116 = arith.cmpi eq, %min3A_74, %eq3A_115 : vector<32768xi32>
    %broadcast_in_dim3A_117 = vector.broadcast %get3A_108 : f32 to vector<32768xf32>
    %select_n3A_118 = arith.select %eq3A_116, %broadcast_in_dim3A_117, %select_n3A_106 : vector<32768xi1>, vector<32768xf32>
    %get3A_119 = arith.constant 4 : index
    %get3A_120 = memref.load %arg1[%get3A_119] : memref<16xf32, #tpu.memory_space<smem>>
    %eq3A_121 = arith.constant 4 : i32
    %eq3A_122 = vector.broadcast %eq3A_121 : i32 to vector<32768xi32>
    %eq3A_123 = arith.cmpi eq, %min3A_74, %eq3A_122 : vector<32768xi32>
    %broadcast_in_dim3A_124 = vector.broadcast %get3A_120 : f32 to vector<32768xf32>
    %select_n3A_125 = arith.select %eq3A_123, %broadcast_in_dim3A_124, %select_n3A_113 : vector<32768xi1>, vector<32768xf32>
    %eq3A_126 = arith.constant 3 : i32
    %eq3A_127 = vector.broadcast %eq3A_126 : i32 to vector<32768xi32>
    %eq3A_128 = arith.cmpi eq, %min3A_74, %eq3A_127 : vector<32768xi32>
    %broadcast_in_dim3A_129 = vector.broadcast %get3A_120 : f32 to vector<32768xf32>
    %select_n3A_130 = arith.select %eq3A_128, %broadcast_in_dim3A_129, %select_n3A_118 : vector<32768xi1>, vector<32768xf32>
    %get3A_131 = arith.constant 5 : index
    %get3A_132 = memref.load %arg1[%get3A_131] : memref<16xf32, #tpu.memory_space<smem>>
    %eq3A_133 = arith.constant 5 : i32
    %eq3A_134 = vector.broadcast %eq3A_133 : i32 to vector<32768xi32>
    %eq3A_135 = arith.cmpi eq, %min3A_74, %eq3A_134 : vector<32768xi32>
    %broadcast_in_dim3A_136 = vector.broadcast %get3A_132 : f32 to vector<32768xf32>
    %select_n3A_137 = arith.select %eq3A_135, %broadcast_in_dim3A_136, %select_n3A_125 : vector<32768xi1>, vector<32768xf32>
    %eq3A_138 = arith.constant 4 : i32
    %eq3A_139 = vector.broadcast %eq3A_138 : i32 to vector<32768xi32>
    %eq3A_140 = arith.cmpi eq, %min3A_74, %eq3A_139 : vector<32768xi32>
    %broadcast_in_dim3A_141 = vector.broadcast %get3A_132 : f32 to vector<32768xf32>
    %select_n3A_142 = arith.select %eq3A_140, %broadcast_in_dim3A_141, %select_n3A_130 : vector<32768xi1>, vector<32768xf32>
    %get3A_143 = arith.constant 6 : index
    %get3A_144 = memref.load %arg1[%get3A_143] : memref<16xf32, #tpu.memory_space<smem>>
    %eq3A_145 = arith.constant 6 : i32
    %eq3A_146 = vector.broadcast %eq3A_145 : i32 to vector<32768xi32>
    %eq3A_147 = arith.cmpi eq, %min3A_74, %eq3A_146 : vector<32768xi32>
    %broadcast_in_dim3A_148 = vector.broadcast %get3A_144 : f32 to vector<32768xf32>
    %select_n3A_149 = arith.select %eq3A_147, %broadcast_in_dim3A_148, %select_n3A_137 : vector<32768xi1>, vector<32768xf32>
    %eq3A_150 = arith.constant 5 : i32
    %eq3A_151 = vector.broadcast %eq3A_150 : i32 to vector<32768xi32>
    %eq3A_152 = arith.cmpi eq, %min3A_74, %eq3A_151 : vector<32768xi32>
    %broadcast_in_dim3A_153 = vector.broadcast %get3A_144 : f32 to vector<32768xf32>
    %select_n3A_154 = arith.select %eq3A_152, %broadcast_in_dim3A_153, %select_n3A_142 : vector<32768xi1>, vector<32768xf32>
    %get3A_155 = arith.constant 7 : index
    %get3A_156 = memref.load %arg1[%get3A_155] : memref<16xf32, #tpu.memory_space<smem>>
    %eq3A_157 = arith.constant 7 : i32
    %eq3A_158 = vector.broadcast %eq3A_157 : i32 to vector<32768xi32>
    %eq3A_159 = arith.cmpi eq, %min3A_74, %eq3A_158 : vector<32768xi32>
    %broadcast_in_dim3A_160 = vector.broadcast %get3A_156 : f32 to vector<32768xf32>
    %select_n3A_161 = arith.select %eq3A_159, %broadcast_in_dim3A_160, %select_n3A_149 : vector<32768xi1>, vector<32768xf32>
    %eq3A_162 = arith.constant 6 : i32
    %eq3A_163 = vector.broadcast %eq3A_162 : i32 to vector<32768xi32>
    %eq3A_164 = arith.cmpi eq, %min3A_74, %eq3A_163 : vector<32768xi32>
    %broadcast_in_dim3A_165 = vector.broadcast %get3A_156 : f32 to vector<32768xf32>
    %select_n3A_166 = arith.select %eq3A_164, %broadcast_in_dim3A_165, %select_n3A_154 : vector<32768xi1>, vector<32768xf32>
    %get3A_167 = arith.constant 8 : index
    %get3A_168 = memref.load %arg1[%get3A_167] : memref<16xf32, #tpu.memory_space<smem>>
    %eq3A_169 = arith.constant 8 : i32
    %eq3A_170 = vector.broadcast %eq3A_169 : i32 to vector<32768xi32>
    %eq3A_171 = arith.cmpi eq, %min3A_74, %eq3A_170 : vector<32768xi32>
    %broadcast_in_dim3A_172 = vector.broadcast %get3A_168 : f32 to vector<32768xf32>
    %select_n3A_173 = arith.select %eq3A_171, %broadcast_in_dim3A_172, %select_n3A_161 : vector<32768xi1>, vector<32768xf32>
    %eq3A_174 = arith.constant 7 : i32
    %eq3A_175 = vector.broadcast %eq3A_174 : i32 to vector<32768xi32>
    %eq3A_176 = arith.cmpi eq, %min3A_74, %eq3A_175 : vector<32768xi32>
    %broadcast_in_dim3A_177 = vector.broadcast %get3A_168 : f32 to vector<32768xf32>
    %select_n3A_178 = arith.select %eq3A_176, %broadcast_in_dim3A_177, %select_n3A_166 : vector<32768xi1>, vector<32768xf32>
    %get3A_179 = arith.constant 9 : index
    %get3A_180 = memref.load %arg1[%get3A_179] : memref<16xf32, #tpu.memory_space<smem>>
    %eq3A_181 = arith.constant 9 : i32
    %eq3A_182 = vector.broadcast %eq3A_181 : i32 to vector<32768xi32>
    %eq3A_183 = arith.cmpi eq, %min3A_74, %eq3A_182 : vector<32768xi32>
    %broadcast_in_dim3A_184 = vector.broadcast %get3A_180 : f32 to vector<32768xf32>
    %select_n3A_185 = arith.select %eq3A_183, %broadcast_in_dim3A_184, %select_n3A_173 : vector<32768xi1>, vector<32768xf32>
    %eq3A_186 = arith.constant 8 : i32
    %eq3A_187 = vector.broadcast %eq3A_186 : i32 to vector<32768xi32>
    %eq3A_188 = arith.cmpi eq, %min3A_74, %eq3A_187 : vector<32768xi32>
    %broadcast_in_dim3A_189 = vector.broadcast %get3A_180 : f32 to vector<32768xf32>
    %select_n3A_190 = arith.select %eq3A_188, %broadcast_in_dim3A_189, %select_n3A_178 : vector<32768xi1>, vector<32768xf32>
    %get3A_191 = arith.constant 10 : index
    %get3A_192 = memref.load %arg1[%get3A_191] : memref<16xf32, #tpu.memory_space<smem>>
    %eq3A_193 = arith.constant 10 : i32
    %eq3A_194 = vector.broadcast %eq3A_193 : i32 to vector<32768xi32>
    %eq3A_195 = arith.cmpi eq, %min3A_74, %eq3A_194 : vector<32768xi32>
    %broadcast_in_dim3A_196 = vector.broadcast %get3A_192 : f32 to vector<32768xf32>
    %select_n3A_197 = arith.select %eq3A_195, %broadcast_in_dim3A_196, %select_n3A_185 : vector<32768xi1>, vector<32768xf32>
    %eq3A_198 = arith.constant 9 : i32
    %eq3A_199 = vector.broadcast %eq3A_198 : i32 to vector<32768xi32>
    %eq3A_200 = arith.cmpi eq, %min3A_74, %eq3A_199 : vector<32768xi32>
    %broadcast_in_dim3A_201 = vector.broadcast %get3A_192 : f32 to vector<32768xf32>
    %select_n3A_202 = arith.select %eq3A_200, %broadcast_in_dim3A_201, %select_n3A_190 : vector<32768xi1>, vector<32768xf32>
    %get3A_203 = arith.constant 11 : index
    %get3A_204 = memref.load %arg1[%get3A_203] : memref<16xf32, #tpu.memory_space<smem>>
    %eq3A_205 = arith.constant 11 : i32
    %eq3A_206 = vector.broadcast %eq3A_205 : i32 to vector<32768xi32>
    %eq3A_207 = arith.cmpi eq, %min3A_74, %eq3A_206 : vector<32768xi32>
    %broadcast_in_dim3A_208 = vector.broadcast %get3A_204 : f32 to vector<32768xf32>
    %select_n3A_209 = arith.select %eq3A_207, %broadcast_in_dim3A_208, %select_n3A_197 : vector<32768xi1>, vector<32768xf32>
    %eq3A_210 = arith.constant 10 : i32
    %eq3A_211 = vector.broadcast %eq3A_210 : i32 to vector<32768xi32>
    %eq3A_212 = arith.cmpi eq, %min3A_74, %eq3A_211 : vector<32768xi32>
    %broadcast_in_dim3A_213 = vector.broadcast %get3A_204 : f32 to vector<32768xf32>
    %select_n3A_214 = arith.select %eq3A_212, %broadcast_in_dim3A_213, %select_n3A_202 : vector<32768xi1>, vector<32768xf32>
    %get3A_215 = arith.constant 12 : index
    %get3A_216 = memref.load %arg1[%get3A_215] : memref<16xf32, #tpu.memory_space<smem>>
    %eq3A_217 = arith.constant 12 : i32
    %eq3A_218 = vector.broadcast %eq3A_217 : i32 to vector<32768xi32>
    %eq3A_219 = arith.cmpi eq, %min3A_74, %eq3A_218 : vector<32768xi32>
    %broadcast_in_dim3A_220 = vector.broadcast %get3A_216 : f32 to vector<32768xf32>
    %select_n3A_221 = arith.select %eq3A_219, %broadcast_in_dim3A_220, %select_n3A_209 : vector<32768xi1>, vector<32768xf32>
    %eq3A_222 = arith.constant 11 : i32
    %eq3A_223 = vector.broadcast %eq3A_222 : i32 to vector<32768xi32>
    %eq3A_224 = arith.cmpi eq, %min3A_74, %eq3A_223 : vector<32768xi32>
    %broadcast_in_dim3A_225 = vector.broadcast %get3A_216 : f32 to vector<32768xf32>
    %select_n3A_226 = arith.select %eq3A_224, %broadcast_in_dim3A_225, %select_n3A_214 : vector<32768xi1>, vector<32768xf32>
    %get3A_227 = arith.constant 13 : index
    %get3A_228 = memref.load %arg1[%get3A_227] : memref<16xf32, #tpu.memory_space<smem>>
    %eq3A_229 = arith.constant 13 : i32
    %eq3A_230 = vector.broadcast %eq3A_229 : i32 to vector<32768xi32>
    %eq3A_231 = arith.cmpi eq, %min3A_74, %eq3A_230 : vector<32768xi32>
    %broadcast_in_dim3A_232 = vector.broadcast %get3A_228 : f32 to vector<32768xf32>
    %select_n3A_233 = arith.select %eq3A_231, %broadcast_in_dim3A_232, %select_n3A_221 : vector<32768xi1>, vector<32768xf32>
    %eq3A_234 = arith.constant 12 : i32
    %eq3A_235 = vector.broadcast %eq3A_234 : i32 to vector<32768xi32>
    %eq3A_236 = arith.cmpi eq, %min3A_74, %eq3A_235 : vector<32768xi32>
    %broadcast_in_dim3A_237 = vector.broadcast %get3A_228 : f32 to vector<32768xf32>
    %select_n3A_238 = arith.select %eq3A_236, %broadcast_in_dim3A_237, %select_n3A_226 : vector<32768xi1>, vector<32768xf32>
    %get3A_239 = arith.constant 14 : index
    %get3A_240 = memref.load %arg1[%get3A_239] : memref<16xf32, #tpu.memory_space<smem>>
    %eq3A_241 = arith.constant 14 : i32
    %eq3A_242 = vector.broadcast %eq3A_241 : i32 to vector<32768xi32>
    %eq3A_243 = arith.cmpi eq, %min3A_74, %eq3A_242 : vector<32768xi32>
    %broadcast_in_dim3A_244 = vector.broadcast %get3A_240 : f32 to vector<32768xf32>
    %select_n3A_245 = arith.select %eq3A_243, %broadcast_in_dim3A_244, %select_n3A_233 : vector<32768xi1>, vector<32768xf32>
    %eq3A_246 = arith.constant 13 : i32
    %eq3A_247 = vector.broadcast %eq3A_246 : i32 to vector<32768xi32>
    %eq3A_248 = arith.cmpi eq, %min3A_74, %eq3A_247 : vector<32768xi32>
    %broadcast_in_dim3A_249 = vector.broadcast %get3A_240 : f32 to vector<32768xf32>
    %select_n3A_250 = arith.select %eq3A_248, %broadcast_in_dim3A_249, %select_n3A_238 : vector<32768xi1>, vector<32768xf32>
    %get3A_251 = arith.constant 15 : index
    %get3A_252 = memref.load %arg1[%get3A_251] : memref<16xf32, #tpu.memory_space<smem>>
    %eq3A_253 = arith.constant 14 : i32
    %eq3A_254 = vector.broadcast %eq3A_253 : i32 to vector<32768xi32>
    %eq3A_255 = arith.cmpi eq, %min3A_74, %eq3A_254 : vector<32768xi32>
    %broadcast_in_dim3A_256 = vector.broadcast %get3A_252 : f32 to vector<32768xf32>
    %select_n3A_257 = arith.select %eq3A_255, %broadcast_in_dim3A_256, %select_n3A_250 : vector<32768xi1>, vector<32768xf32>
    %sub3A = arith.subf %get3A_64, %select_n3A_245 : vector<32768xf32>
    %abs3A = math.absf %sub3A : vector<32768xf32>
    %sub3A_258 = arith.subf %select_n3A_257, %get3A_64 : vector<32768xf32>
    %abs3A_259 = math.absf %sub3A_258 : vector<32768xf32>
    %le3A = arith.cmpf ole, %abs3A, %abs3A_259 : vector<32768xf32>
    %jit3A_260 = arith.constant 0 : i32
    %jit3A_261 = arith.constant 1 : i32
    %broadcast_in_dim3A_262 = vector.broadcast %jit3A_260 : i32 to vector<32768xi32>
    %broadcast_in_dim3A_263 = vector.broadcast %jit3A_261 : i32 to vector<32768xi32>
    %select_n3A_264 = arith.select %le3A, %broadcast_in_dim3A_262, %broadcast_in_dim3A_263 : vector<32768xi1>, vector<32768xi32>
    %add3A_265 = arith.addi %min3A_74, %select_n3A_264 : vector<32768xi32>
    %mul3A_266 = arith.constant 128 : i32
    %mul3A_267 = vector.broadcast %mul3A_266 : i32 to vector<32768xi32>
    %mul3A_268 = arith.muli %reshape3A, %mul3A_267 : vector<32768xi32>
    %get3A_269 = arith.constant 0 : index
    %get3A_270 = vector.load %arg3[%get3A_269] : memref<32768xi32, #tpu.memory_space<vmem>>, vector<32768xi32>
    %mul3A_271 = arith.constant 16 : i32
    %mul3A_272 = vector.broadcast %mul3A_271 : i32 to vector<32768xi32>
    %mul3A_273 = arith.muli %get3A_270, %mul3A_272 : vector<32768xi32>
    %add3A_274 = arith.addi %mul3A_268, %mul3A_273 : vector<32768xi32>
    %add3A_275 = arith.addi %add3A_274, %add3A_265 : vector<32768xi32>
    %jit3A_276 = arith.constant 0 : i32
    %jit3A_277 = arith.constant 33554431 : i32
    %max3A_278 = vector.broadcast %jit3A_276 : i32 to vector<32768xi32>
    %max3A_279 = arith.maxsi %max3A_278, %add3A_275 : vector<32768xi32>
    %min3A_280 = vector.broadcast %jit3A_277 : i32 to vector<32768xi32>
    %min3A_281 = arith.minsi %min3A_280, %max3A_279 : vector<32768xi32>
    %swap3A = arith.constant 0 : index
    %swap3A_282 = vector.load %arg5[%swap3A] : memref<32768xi32, #tpu.memory_space<vmem>>, vector<32768xi32>
    tpu.vector_store %arg5[%swap3A], %min3A_281 {strides = array<i32>} : memref<32768xi32, #tpu.memory_space<vmem>>, vector<32768xi32>,
    return
  }
  func.func @transform_0(%arg0: i32) -> i32 {
    %c0_i32 = arith.constant 0 : i32
    %c0_i32_0 = arith.constant 0 : i32
    return %c0_i32 : i32
  }
  func.func @transform_1(%arg0: i32) -> (i32, i32, i32) {
    %c0_i32 = arith.constant 0 : i32
    %c0_i32_0 = arith.constant 0 : i32
    %c0_i32_1 = arith.constant 0 : i32
    return %c0_i32, %arg0, %c0_i32_0 : i32, i32, i32
  }
  func.func @transform_2(%arg0: i32) -> i32 {
    %add3A = arith.constant 54 : i32
    %add3A_0 = arith.addi %arg0, %add3A : i32
    %c0_i32 = arith.constant 0 : i32
    return %add3A_0 : i32
  }
  func.func @transform_3(%arg0: i32) -> i32 {
    %add3A = arith.constant 54 : i32
    %add3A_0 = arith.addi %arg0, %add3A : i32
    %c0_i32 = arith.constant 0 : i32
    return %add3A_0 : i32
  }
  func.func @transform_4(%arg0: i32) -> i32 {
    %c0_i32 = arith.constant 0 : i32
    return %arg0 : i32
  }
}

module attributes {stable_mosaic.version = 14 : i64} {
  func.func @_phase1_body(%arg0: i32, %arg1: memref<16xf32, #tpu.memory_space<smem>>, %arg2: memref<3x256x128xf32, #tpu.memory_space<vmem>>, %arg3: memref<32768xi32, #tpu.memory_space<vmem>>, %arg4: memref<32768xf32, #tpu.memory_space<vmem>>, %arg5: memref<32768xi32, #tpu.memory_space<vmem>>) attributes {dimension_semantics = [#tpu.dimension_semantics<arbitrary>], iteration_bounds = array<i64: 18>, scalar_prefetch = 0 : i64, scratch_operands = 0 : i64, tpu.core_type = #tpu.core_type<tc>, window_params = [{transform_indices = @transform_0, window_bounds = array<i64: 16>}, {transform_indices = @transform_1, window_bounds = array<i64: 3, 256, 128>}, {transform_indices = @transform_2, window_bounds = array<i64: 32768>}, {transform_indices = @transform_3, window_bounds = array<i64: 32768>}, {transform_indices = @transform_4, window_bounds = array<i64: 32768>}]} {
    %get3A = arith.constant 0 : index
    %get3A_0 = arith.constant 0 : index
    %get3A_1 = arith.constant 0 : index
    %get3A_2 = vector.load %arg2[%get3A, %get3A_0, %get3A_1] : memref<3x256x128xf32, #tpu.memory_space<vmem>>, vector<1x256x128xf32>
    %get3A_3 = vector.shape_cast %get3A_2 : vector<1x256x128xf32> to vector<256x128xf32>
    %div3A = arith.constant 2.000000e+00 : f32
    %div3A_4 = vector.broadcast %div3A : f32 to vector<256x128xf32>
    %div3A_5 = arith.divf %get3A_3, %div3A_4 : vector<256x128xf32>
    %add3A = arith.constant 5.000000e-01 : f32
    %add3A_6 = vector.broadcast %add3A : f32 to vector<256x128xf32>
    %add3A_7 = arith.addf %div3A_5, %add3A_6 : vector<256x128xf32>
    %mul3A = arith.constant 6.400000e+01 : f32
    %mul3A_8 = vector.broadcast %mul3A : f32 to vector<256x128xf32>
    %mul3A_9 = arith.mulf %add3A_7, %mul3A_8 : vector<256x128xf32>
    %convert_element_type3A = arith.fptosi %mul3A_9 : vector<256x128xf32> to vector<256x128xi32>
    %jit3A = arith.constant 0 : i32
    %jit3A_10 = arith.constant 63 : i32
    %max3A = vector.broadcast %jit3A : i32 to vector<256x128xi32>
    %max3A_11 = arith.maxsi %max3A, %convert_element_type3A : vector<256x128xi32>
    %min3A = vector.broadcast %jit3A_10 : i32 to vector<256x128xi32>
    %min3A_12 = arith.minsi %min3A, %max3A_11 : vector<256x128xi32>
    %get3A_13 = arith.constant 1 : index
    %get3A_14 = arith.constant 0 : index
    %get3A_15 = arith.constant 0 : index
    %get3A_16 = vector.load %arg2[%get3A_13, %get3A_14, %get3A_15] : memref<3x256x128xf32, #tpu.memory_space<vmem>>, vector<1x256x128xf32>
    %get3A_17 = vector.shape_cast %get3A_16 : vector<1x256x128xf32> to vector<256x128xf32>
    %div3A_18 = arith.constant 2.000000e+00 : f32
    %div3A_19 = vector.broadcast %div3A_18 : f32 to vector<256x128xf32>
    %div3A_20 = arith.divf %get3A_17, %div3A_19 : vector<256x128xf32>
    %add3A_21 = arith.constant 5.000000e-01 : f32
    %add3A_22 = vector.broadcast %add3A_21 : f32 to vector<256x128xf32>
    %add3A_23 = arith.addf %div3A_20, %add3A_22 : vector<256x128xf32>
    %mul3A_24 = arith.constant 6.400000e+01 : f32
    %mul3A_25 = vector.broadcast %mul3A_24 : f32 to vector<256x128xf32>
    %mul3A_26 = arith.mulf %add3A_23, %mul3A_25 : vector<256x128xf32>
    %convert_element_type3A_27 = arith.fptosi %mul3A_26 : vector<256x128xf32> to vector<256x128xi32>
    %jit3A_28 = arith.constant 0 : i32
    %jit3A_29 = arith.constant 63 : i32
    %max3A_30 = vector.broadcast %jit3A_28 : i32 to vector<256x128xi32>
    %max3A_31 = arith.maxsi %max3A_30, %convert_element_type3A_27 : vector<256x128xi32>
    %min3A_32 = vector.broadcast %jit3A_29 : i32 to vector<256x128xi32>
    %min3A_33 = arith.minsi %min3A_32, %max3A_31 : vector<256x128xi32>
    %get3A_34 = arith.constant 2 : index
    %get3A_35 = arith.constant 0 : index
    %get3A_36 = arith.constant 0 : index
    %get3A_37 = vector.load %arg2[%get3A_34, %get3A_35, %get3A_36] : memref<3x256x128xf32, #tpu.memory_space<vmem>>, vector<1x256x128xf32>
    %get3A_38 = vector.shape_cast %get3A_37 : vector<1x256x128xf32> to vector<256x128xf32>
    %div3A_39 = arith.constant 2.000000e+00 : f32
    %div3A_40 = vector.broadcast %div3A_39 : f32 to vector<256x128xf32>
    %div3A_41 = arith.divf %get3A_38, %div3A_40 : vector<256x128xf32>
    %add3A_42 = arith.constant 5.000000e-01 : f32
    %add3A_43 = vector.broadcast %add3A_42 : f32 to vector<256x128xf32>
    %add3A_44 = arith.addf %div3A_41, %add3A_43 : vector<256x128xf32>
    %mul3A_45 = arith.constant 6.400000e+01 : f32
    %mul3A_46 = vector.broadcast %mul3A_45 : f32 to vector<256x128xf32>
    %mul3A_47 = arith.mulf %add3A_44, %mul3A_46 : vector<256x128xf32>
    %convert_element_type3A_48 = arith.fptosi %mul3A_47 : vector<256x128xf32> to vector<256x128xi32>
    %jit3A_49 = arith.constant 0 : i32
    %jit3A_50 = arith.constant 63 : i32
    %max3A_51 = vector.broadcast %jit3A_49 : i32 to vector<256x128xi32>
    %max3A_52 = arith.maxsi %max3A_51, %convert_element_type3A_48 : vector<256x128xi32>
    %min3A_53 = vector.broadcast %jit3A_50 : i32 to vector<256x128xi32>
    %min3A_54 = arith.minsi %min3A_53, %max3A_52 : vector<256x128xi32>
    %mul3A_55 = arith.constant 4096 : i32
    %mul3A_56 = vector.broadcast %mul3A_55 : i32 to vector<256x128xi32>
    %mul3A_57 = arith.muli %min3A_12, %mul3A_56 : vector<256x128xi32>
    %mul3A_58 = arith.constant 64 : i32
    %mul3A_59 = vector.broadcast %mul3A_58 : i32 to vector<256x128xi32>
    %mul3A_60 = arith.muli %min3A_33, %mul3A_59 : vector<256x128xi32>
    %add3A_61 = arith.addi %mul3A_57, %mul3A_60 : vector<256x128xi32>
    %add3A_62 = arith.addi %add3A_61, %min3A_54 : vector<256x128xi32>
    %reshape3A = vector.shape_cast %add3A_62 : vector<256x128xi32> to vector<32768xi32>
    %get3A_63 = arith.constant 0 : index
    %get3A_64 = vector.load %arg4[%get3A_63] : memref<32768xf32, #tpu.memory_space<vmem>>, vector<32768xf32>
    %mul3A_65 = arith.constant 1.500000e+01 : f32
    %mul3A_66 = vector.broadcast %mul3A_65 : f32 to vector<32768xf32>
    %mul3A_67 = arith.mulf %get3A_64, %mul3A_66 : vector<32768xf32>
    %convert_element_type3A_68 = arith.fptosi %mul3A_67 : vector<32768xf32> to vector<32768xi32>
    %jit3A_69 = arith.constant 0 : i32
    %jit3A_70 = arith.constant 14 : i32
    %max3A_71 = vector.broadcast %jit3A_69 : i32 to vector<32768xi32>
    %max3A_72 = arith.maxsi %max3A_71, %convert_element_type3A_68 : vector<32768xi32>
    %min3A_73 = vector.broadcast %jit3A_70 : i32 to vector<32768xi32>
    %min3A_74 = arith.minsi %min3A_73, %max3A_72 : vector<32768xi32>
    %broadcast_in_dim3A = arith.constant 0.000000e+00 : f32
    %broadcast_in_dim3A_75 = vector.broadcast %broadcast_in_dim3A : f32 to vector<32768xf32>
    %broadcast_in_dim3A_76 = arith.constant 0.000000e+00 : f32
    %broadcast_in_dim3A_77 = vector.broadcast %broadcast_in_dim3A_76 : f32 to vector<32768xf32>
    %get3A_78 = arith.constant 0 : index
    %get3A_79 = memref.load %arg1[%get3A_78] : memref<16xf32, #tpu.memory_space<smem>>
    %eq3A = arith.constant 0 : i32
    %eq3A_80 = vector.broadcast %eq3A : i32 to vector<32768xi32>
    %eq3A_81 = arith.cmpi eq, %min3A_74, %eq3A_80 : vector<32768xi32>
    %broadcast_in_dim3A_82 = vector.broadcast %get3A_79 : f32 to vector<32768xf32>
    %select_n3A = arith.select %eq3A_81, %broadcast_in_dim3A_82, %broadcast_in_dim3A_75 : vector<32768xi1>, vector<32768xf32>
    %get3A_83 = arith.constant 1 : index
    %get3A_84 = memref.load %arg1[%get3A_83] : memref<16xf32, #tpu.memory_space<smem>>
    %eq3A_85 = arith.constant 1 : i32
    %eq3A_86 = vector.broadcast %eq3A_85 : i32 to vector<32768xi32>
    %eq3A_87 = arith.cmpi eq, %min3A_74, %eq3A_86 : vector<32768xi32>
    %broadcast_in_dim3A_88 = vector.broadcast %get3A_84 : f32 to vector<32768xf32>
    %select_n3A_89 = arith.select %eq3A_87, %broadcast_in_dim3A_88, %select_n3A : vector<32768xi1>, vector<32768xf32>
    %eq3A_90 = arith.constant 0 : i32
    %eq3A_91 = vector.broadcast %eq3A_90 : i32 to vector<32768xi32>
    %eq3A_92 = arith.cmpi eq, %min3A_74, %eq3A_91 : vector<32768xi32>
    %broadcast_in_dim3A_93 = vector.broadcast %get3A_84 : f32 to vector<32768xf32>
    %select_n3A_94 = arith.select %eq3A_92, %broadcast_in_dim3A_93, %broadcast_in_dim3A_77 : vector<32768xi1>, vector<32768xf32>
    %get3A_95 = arith.constant 2 : index
    %get3A_96 = memref.load %arg1[%get3A_95] : memref<16xf32, #tpu.memory_space<smem>>
    %eq3A_97 = arith.constant 2 : i32
    %eq3A_98 = vector.broadcast %eq3A_97 : i32 to vector<32768xi32>
    %eq3A_99 = arith.cmpi eq, %min3A_74, %eq3A_98 : vector<32768xi32>
    %broadcast_in_dim3A_100 = vector.broadcast %get3A_96 : f32 to vector<32768xf32>
    %select_n3A_101 = arith.select %eq3A_99, %broadcast_in_dim3A_100, %select_n3A_89 : vector<32768xi1>, vector<32768xf32>
    %eq3A_102 = arith.constant 1 : i32
    %eq3A_103 = vector.broadcast %eq3A_102 : i32 to vector<32768xi32>
    %eq3A_104 = arith.cmpi eq, %min3A_74, %eq3A_103 : vector<32768xi32>
    %broadcast_in_dim3A_105 = vector.broadcast %get3A_96 : f32 to vector<32768xf32>
    %select_n3A_106 = arith.select %eq3A_104, %broadcast_in_dim3A_105, %select_n3A_94 : vector<32768xi1>, vector<32768xf32>
    %get3A_107 = arith.constant 3 : index
    %get3A_108 = memref.load %arg1[%get3A_107] : memref<16xf32, #tpu.memory_space<smem>>
    %eq3A_109 = arith.constant 3 : i32
    %eq3A_110 = vector.broadcast %eq3A_109 : i32 to vector<32768xi32>
    %eq3A_111 = arith.cmpi eq, %min3A_74, %eq3A_110 : vector<32768xi32>
    %broadcast_in_dim3A_112 = vector.broadcast %get3A_108 : f32 to vector<32768xf32>
    %select_n3A_113 = arith.select %eq3A_111, %broadcast_in_dim3A_112, %select_n3A_101 : vector<32768xi1>, vector<32768xf32>
    %eq3A_114 = arith.constant 2 : i32
    %eq3A_115 = vector.broadcast %eq3A_114 : i32 to vector<32768xi32>
    %eq3A_116 = arith.cmpi eq, %min3A_74, %eq3A_115 : vector<32768xi32>
    %broadcast_in_dim3A_117 = vector.broadcast %get3A_108 : f32 to vector<32768xf32>
    %select_n3A_118 = arith.select %eq3A_116, %broadcast_in_dim3A_117, %select_n3A_106 : vector<32768xi1>, vector<32768xf32>
    %get3A_119 = arith.constant 4 : index
    %get3A_120 = memref.load %arg1[%get3A_119] : memref<16xf32, #tpu.memory_space<smem>>
    %eq3A_121 = arith.constant 4 : i32
    %eq3A_122 = vector.broadcast %eq3A_121 : i32 to vector<32768xi32>
    %eq3A_123 = arith.cmpi eq, %min3A_74, %eq3A_122 : vector<32768xi32>
    %broadcast_in_dim3A_124 = vector.broadcast %get3A_120 : f32 to vector<32768xf32>
    %select_n3A_125 = arith.select %eq3A_123, %broadcast_in_dim3A_124, %select_n3A_113 : vector<32768xi1>, vector<32768xf32>
    %eq3A_126 = arith.constant 3 : i32
    %eq3A_127 = vector.broadcast %eq3A_126 : i32 to vector<32768xi32>
    %eq3A_128 = arith.cmpi eq, %min3A_74, %eq3A_127 : vector<32768xi32>
    %broadcast_in_dim3A_129 = vector.broadcast %get3A_120 : f32 to vector<32768xf32>
    %select_n3A_130 = arith.select %eq3A_128, %broadcast_in_dim3A_129, %select_n3A_118 : vector<32768xi1>, vector<32768xf32>
    %get3A_131 = arith.constant 5 : index
    %get3A_132 = memref.load %arg1[%get3A_131] : memref<16xf32, #tpu.memory_space<smem>>
    %eq3A_133 = arith.constant 5 : i32
    %eq3A_134 = vector.broadcast %eq3A_133 : i32 to vector<32768xi32>
    %eq3A_135 = arith.cmpi eq, %min3A_74, %eq3A_134 : vector<32768xi32>
    %broadcast_in_dim3A_136 = vector.broadcast %get3A_132 : f32 to vector<32768xf32>
    %select_n3A_137 = arith.select %eq3A_135, %broadcast_in_dim3A_136, %select_n3A_125 : vector<32768xi1>, vector<32768xf32>
    %eq3A_138 = arith.constant 4 : i32
    %eq3A_139 = vector.broadcast %eq3A_138 : i32 to vector<32768xi32>
    %eq3A_140 = arith.cmpi eq, %min3A_74, %eq3A_139 : vector<32768xi32>
    %broadcast_in_dim3A_141 = vector.broadcast %get3A_132 : f32 to vector<32768xf32>
    %select_n3A_142 = arith.select %eq3A_140, %broadcast_in_dim3A_141, %select_n3A_130 : vector<32768xi1>, vector<32768xf32>
    %get3A_143 = arith.constant 6 : index
    %get3A_144 = memref.load %arg1[%get3A_143] : memref<16xf32, #tpu.memory_space<smem>>
    %eq3A_145 = arith.constant 6 : i32
    %eq3A_146 = vector.broadcast %eq3A_145 : i32 to vector<32768xi32>
    %eq3A_147 = arith.cmpi eq, %min3A_74, %eq3A_146 : vector<32768xi32>
    %broadcast_in_dim3A_148 = vector.broadcast %get3A_144 : f32 to vector<32768xf32>
    %select_n3A_149 = arith.select %eq3A_147, %broadcast_in_dim3A_148, %select_n3A_137 : vector<32768xi1>, vector<32768xf32>
    %eq3A_150 = arith.constant 5 : i32
    %eq3A_151 = vector.broadcast %eq3A_150 : i32 to vector<32768xi32>
    %eq3A_152 = arith.cmpi eq, %min3A_74, %eq3A_151 : vector<32768xi32>
    %broadcast_in_dim3A_153 = vector.broadcast %get3A_144 : f32 to vector<32768xf32>
    %select_n3A_154 = arith.select %eq3A_152, %broadcast_in_dim3A_153, %select_n3A_142 : vector<32768xi1>, vector<32768xf32>
    %get3A_155 = arith.constant 7 : index
    %get3A_156 = memref.load %arg1[%get3A_155] : memref<16xf32, #tpu.memory_space<smem>>
    %eq3A_157 = arith.constant 7 : i32
    %eq3A_158 = vector.broadcast %eq3A_157 : i32 to vector<32768xi32>
    %eq3A_159 = arith.cmpi eq, %min3A_74, %eq3A_158 : vector<32768xi32>
    %broadcast_in_dim3A_160 = vector.broadcast %get3A_156 : f32 to vector<32768xf32>
    %select_n3A_161 = arith.select %eq3A_159, %broadcast_in_dim3A_160, %select_n3A_149 : vector<32768xi1>, vector<32768xf32>
    %eq3A_162 = arith.constant 6 : i32
    %eq3A_163 = vector.broadcast %eq3A_162 : i32 to vector<32768xi32>
    %eq3A_164 = arith.cmpi eq, %min3A_74, %eq3A_163 : vector<32768xi32>
    %broadcast_in_dim3A_165 = vector.broadcast %get3A_156 : f32 to vector<32768xf32>
    %select_n3A_166 = arith.select %eq3A_164, %broadcast_in_dim3A_165, %select_n3A_154 : vector<32768xi1>, vector<32768xf32>
    %get3A_167 = arith.constant 8 : index
    %get3A_168 = memref.load %arg1[%get3A_167] : memref<16xf32, #tpu.memory_space<smem>>
    %eq3A_169 = arith.constant 8 : i32
    %eq3A_170 = vector.broadcast %eq3A_169 : i32 to vector<32768xi32>
    %eq3A_171 = arith.cmpi eq, %min3A_74, %eq3A_170 : vector<32768xi32>
    %broadcast_in_dim3A_172 = vector.broadcast %get3A_168 : f32 to vector<32768xf32>
    %select_n3A_173 = arith.select %eq3A_171, %broadcast_in_dim3A_172, %select_n3A_161 : vector<32768xi1>, vector<32768xf32>
    %eq3A_174 = arith.constant 7 : i32
    %eq3A_175 = vector.broadcast %eq3A_174 : i32 to vector<32768xi32>
    %eq3A_176 = arith.cmpi eq, %min3A_74, %eq3A_175 : vector<32768xi32>
    %broadcast_in_dim3A_177 = vector.broadcast %get3A_168 : f32 to vector<32768xf32>
    %select_n3A_178 = arith.select %eq3A_176, %broadcast_in_dim3A_177, %select_n3A_166 : vector<32768xi1>, vector<32768xf32>
    %get3A_179 = arith.constant 9 : index
    %get3A_180 = memref.load %arg1[%get3A_179] : memref<16xf32, #tpu.memory_space<smem>>
    %eq3A_181 = arith.constant 9 : i32
    %eq3A_182 = vector.broadcast %eq3A_181 : i32 to vector<32768xi32>
    %eq3A_183 = arith.cmpi eq, %min3A_74, %eq3A_182 : vector<32768xi32>
    %broadcast_in_dim3A_184 = vector.broadcast %get3A_180 : f32 to vector<32768xf32>
    %select_n3A_185 = arith.select %eq3A_183, %broadcast_in_dim3A_184, %select_n3A_173 : vector<32768xi1>, vector<32768xf32>
    %eq3A_186 = arith.constant 8 : i32
    %eq3A_187 = vector.broadcast %eq3A_186 : i32 to vector<32768xi32>
    %eq3A_188 = arith.cmpi eq, %min3A_74, %eq3A_187 : vector<32768xi32>
    %broadcast_in_dim3A_189 = vector.broadcast %get3A_180 : f32 to vector<32768xf32>
    %select_n3A_190 = arith.select %eq3A_188, %broadcast_in_dim3A_189, %select_n3A_178 : vector<32768xi1>, vector<32768xf32>
    %get3A_191 = arith.constant 10 : index
    %get3A_192 = memref.load %arg1[%get3A_191] : memref<16xf32, #tpu.memory_space<smem>>
    %eq3A_193 = arith.constant 10 : i32
    %eq3A_194 = vector.broadcast %eq3A_193 : i32 to vector<32768xi32>
    %eq3A_195 = arith.cmpi eq, %min3A_74, %eq3A_194 : vector<32768xi32>
    %broadcast_in_dim3A_196 = vector.broadcast %get3A_192 : f32 to vector<32768xf32>
    %select_n3A_197 = arith.select %eq3A_195, %broadcast_in_dim3A_196, %select_n3A_185 : vector<32768xi1>, vector<32768xf32>
    %eq3A_198 = arith.constant 9 : i32
    %eq3A_199 = vector.broadcast %eq3A_198 : i32 to vector<32768xi32>
    %eq3A_200 = arith.cmpi eq, %min3A_74, %eq3A_199 : vector<32768xi32>
    %broadcast_in_dim3A_201 = vector.broadcast %get3A_192 : f32 to vector<32768xf32>
    %select_n3A_202 = arith.select %eq3A_200, %broadcast_in_dim3A_201, %select_n3A_190 : vector<32768xi1>, vector<32768xf32>
    %get3A_203 = arith.constant 11 : index
    %get3A_204 = memref.load %arg1[%get3A_203] : memref<16xf32, #tpu.memory_space<smem>>
    %eq3A_205 = arith.constant 11 : i32
    %eq3A_206 = vector.broadcast %eq3A_205 : i32 to vector<32768xi32>
    %eq3A_207 = arith.cmpi eq, %min3A_74, %eq3A_206 : vector<32768xi32>
    %broadcast_in_dim3A_208 = vector.broadcast %get3A_204 : f32 to vector<32768xf32>
    %select_n3A_209 = arith.select %eq3A_207, %broadcast_in_dim3A_208, %select_n3A_197 : vector<32768xi1>, vector<32768xf32>
    %eq3A_210 = arith.constant 10 : i32
    %eq3A_211 = vector.broadcast %eq3A_210 : i32 to vector<32768xi32>
    %eq3A_212 = arith.cmpi eq, %min3A_74, %eq3A_211 : vector<32768xi32>
    %broadcast_in_dim3A_213 = vector.broadcast %get3A_204 : f32 to vector<32768xf32>
    %select_n3A_214 = arith.select %eq3A_212, %broadcast_in_dim3A_213, %select_n3A_202 : vector<32768xi1>, vector<32768xf32>
    %get3A_215 = arith.constant 12 : index
    %get3A_216 = memref.load %arg1[%get3A_215] : memref<16xf32, #tpu.memory_space<smem>>
    %eq3A_217 = arith.constant 12 : i32
    %eq3A_218 = vector.broadcast %eq3A_217 : i32 to vector<32768xi32>
    %eq3A_219 = arith.cmpi eq, %min3A_74, %eq3A_218 : vector<32768xi32>
    %broadcast_in_dim3A_220 = vector.broadcast %get3A_216 : f32 to vector<32768xf32>
    %select_n3A_221 = arith.select %eq3A_219, %broadcast_in_dim3A_220, %select_n3A_209 : vector<32768xi1>, vector<32768xf32>
    %eq3A_222 = arith.constant 11 : i32
    %eq3A_223 = vector.broadcast %eq3A_222 : i32 to vector<32768xi32>
    %eq3A_224 = arith.cmpi eq, %min3A_74, %eq3A_223 : vector<32768xi32>
    %broadcast_in_dim3A_225 = vector.broadcast %get3A_216 : f32 to vector<32768xf32>
    %select_n3A_226 = arith.select %eq3A_224, %broadcast_in_dim3A_225, %select_n3A_214 : vector<32768xi1>, vector<32768xf32>
    %get3A_227 = arith.constant 13 : index
    %get3A_228 = memref.load %arg1[%get3A_227] : memref<16xf32, #tpu.memory_space<smem>>
    %eq3A_229 = arith.constant 13 : i32
    %eq3A_230 = vector.broadcast %eq3A_229 : i32 to vector<32768xi32>
    %eq3A_231 = arith.cmpi eq, %min3A_74, %eq3A_230 : vector<32768xi32>
    %broadcast_in_dim3A_232 = vector.broadcast %get3A_228 : f32 to vector<32768xf32>
    %select_n3A_233 = arith.select %eq3A_231, %broadcast_in_dim3A_232, %select_n3A_221 : vector<32768xi1>, vector<32768xf32>
    %eq3A_234 = arith.constant 12 : i32
    %eq3A_235 = vector.broadcast %eq3A_234 : i32 to vector<32768xi32>
    %eq3A_236 = arith.cmpi eq, %min3A_74, %eq3A_235 : vector<32768xi32>
    %broadcast_in_dim3A_237 = vector.broadcast %get3A_228 : f32 to vector<32768xf32>
    %select_n3A_238 = arith.select %eq3A_236, %broadcast_in_dim3A_237, %select_n3A_226 : vector<32768xi1>, vector<32768xf32>
    %get3A_239 = arith.constant 14 : index
    %get3A_240 = memref.load %arg1[%get3A_239] : memref<16xf32, #tpu.memory_space<smem>>
    %eq3A_241 = arith.constant 14 : i32
    %eq3A_242 = vector.broadcast %eq3A_241 : i32 to vector<32768xi32>
    %eq3A_243 = arith.cmpi eq, %min3A_74, %eq3A_242 : vector<32768xi32>
    %broadcast_in_dim3A_244 = vector.broadcast %get3A_240 : f32 to vector<32768xf32>
    %select_n3A_245 = arith.select %eq3A_243, %broadcast_in_dim3A_244, %select_n3A_233 : vector<32768xi1>, vector<32768xf32>
    %eq3A_246 = arith.constant 13 : i32
    %eq3A_247 = vector.broadcast %eq3A_246 : i32 to vector<32768xi32>
    %eq3A_248 = arith.cmpi eq, %min3A_74, %eq3A_247 : vector<32768xi32>
    %broadcast_in_dim3A_249 = vector.broadcast %get3A_240 : f32 to vector<32768xf32>
    %select_n3A_250 = arith.select %eq3A_248, %broadcast_in_dim3A_249, %select_n3A_238 : vector<32768xi1>, vector<32768xf32>
    %get3A_251 = arith.constant 15 : index
    %get3A_252 = memref.load %arg1[%get3A_251] : memref<16xf32, #tpu.memory_space<smem>>
    %eq3A_253 = arith.constant 14 : i32
    %eq3A_254 = vector.broadcast %eq3A_253 : i32 to vector<32768xi32>
    %eq3A_255 = arith.cmpi eq, %min3A_74, %eq3A_254 : vector<32768xi32>
    %broadcast_in_dim3A_256 = vector.broadcast %get3A_252 : f32 to vector<32768xf32>
    %select_n3A_257 = arith.select %eq3A_255, %broadcast_in_dim3A_256, %select_n3A_250 : vector<32768xi1>, vector<32768xf32>
    %sub3A = arith.subf %get3A_64, %select_n3A_245 : vector<32768xf32>
    %abs3A = math.absf %sub3A : vector<32768xf32>
    %sub3A_258 = arith.subf %select_n3A_257, %get3A_64 : vector<32768xf32>
    %abs3A_259 = math.absf %sub3A_258 : vector<32768xf32>
    %le3A = arith.cmpf ole, %abs3A, %abs3A_259 : vector<32768xf32>
    %jit3A_260 = arith.constant 0 : i32
    %jit3A_261 = arith.constant 1 : i32
    %broadcast_in_dim3A_262 = vector.broadcast %jit3A_260 : i32 to vector<32768xi32>
    %broadcast_in_dim3A_263 = vector.broadcast %jit3A_261 : i32 to vector<32768xi32>
    %select_n3A_264 = arith.select %le3A, %broadcast_in_dim3A_262, %broadcast_in_dim3A_263 : vector<32768xi1>, vector<32768xi32>
    %add3A_265 = arith.addi %min3A_74, %select_n3A_264 : vector<32768xi32>
    %mul3A_266 = arith.constant 128 : i32
    %mul3A_267 = vector.broadcast %mul3A_266 : i32 to vector<32768xi32>
    %mul3A_268 = arith.muli %reshape3A, %mul3A_267 : vector<32768xi32>
    %get3A_269 = arith.constant 0 : index
    %get3A_270 = vector.load %arg3[%get3A_269] : memref<32768xi32, #tpu.memory_space<vmem>>, vector<32768xi32>
    %mul3A_271 = arith.constant 16 : i32
    %mul3A_272 = vector.broadcast %mul3A_271 : i32 to vector<32768xi32>
    %mul3A_273 = arith.muli %get3A_270, %mul3A_272 : vector<32768xi32>
    %add3A_274 = arith.addi %mul3A_268, %mul3A_273 : vector<32768xi32>
    %add3A_275 = arith.addi %add3A_274, %add3A_265 : vector<32768xi32>
    %jit3A_276 = arith.constant 0 : i32
    %jit3A_277 = arith.constant 33554431 : i32
    %max3A_278 = vector.broadcast %jit3A_276 : i32 to vector<32768xi32>
    %max3A_279 = arith.maxsi %max3A_278, %add3A_275 : vector<32768xi32>
    %min3A_280 = vector.broadcast %jit3A_277 : i32 to vector<32768xi32>
    %min3A_281 = arith.minsi %min3A_280, %max3A_279 : vector<32768xi32>
    %swap3A = arith.constant 0 : index
    %swap3A_282 = vector.load %arg5[%swap3A] : memref<32768xi32, #tpu.memory_space<vmem>>, vector<32768xi32>
    tpu.vector_store %arg5[%swap3A], %min3A_281 {strides = array<i32>} : memref<32768xi32, #tpu.memory_space<vmem>>, vector<32768xi32>,
    return
  }
  func.func @transform_0(%arg0: i32) -> i32 {
    %c0_i32 = arith.constant 0 : i32
    %c0_i32_0 = arith.constant 0 : i32
    return %c0_i32 : i32
  }
  func.func @transform_1(%arg0: i32) -> (i32, i32, i32) {
    %c0_i32 = arith.constant 0 : i32
    %c0_i32_0 = arith.constant 0 : i32
    %c0_i32_1 = arith.constant 0 : i32
    return %c0_i32, %arg0, %c0_i32_0 : i32, i32, i32
  }
  func.func @transform_2(%arg0: i32) -> i32 {
    %add3A = arith.constant 0 : i32
    %add3A_0 = arith.addi %arg0, %add3A : i32
    %c0_i32 = arith.constant 0 : i32
    return %add3A_0 : i32
  }
  func.func @transform_3(%arg0: i32) -> i32 {
    %add3A = arith.constant 0 : i32
    %add3A_0 = arith.addi %arg0, %add3A : i32
    %c0_i32 = arith.constant 0 : i32
    return %add3A_0 : i32
  }
  func.func @transform_4(%arg0: i32) -> i32 {
    %c0_i32 = arith.constant 0 : i32
    return %arg0 : i32
  }
}

module attributes {stable_mosaic.version = 14 : i64} {
  func.func @_phase1_body(%arg0: i32, %arg1: memref<16xf32, #tpu.memory_space<smem>>, %arg2: memref<3x256x128xf32, #tpu.memory_space<vmem>>, %arg3: memref<32768xi32, #tpu.memory_space<vmem>>, %arg4: memref<32768xf32, #tpu.memory_space<vmem>>, %arg5: memref<32768xi32, #tpu.memory_space<vmem>>) attributes {dimension_semantics = [#tpu.dimension_semantics<arbitrary>], iteration_bounds = array<i64: 18>, scalar_prefetch = 0 : i64, scratch_operands = 0 : i64, tpu.core_type = #tpu.core_type<tc>, window_params = [{transform_indices = @transform_0, window_bounds = array<i64: 16>}, {transform_indices = @transform_1, window_bounds = array<i64: 3, 256, 128>}, {transform_indices = @transform_2, window_bounds = array<i64: 32768>}, {transform_indices = @transform_3, window_bounds = array<i64: 32768>}, {transform_indices = @transform_4, window_bounds = array<i64: 32768>}]} {
    %get3A = arith.constant 0 : index
    %get3A_0 = arith.constant 0 : index
    %get3A_1 = arith.constant 0 : index
    %get3A_2 = vector.load %arg2[%get3A, %get3A_0, %get3A_1] : memref<3x256x128xf32, #tpu.memory_space<vmem>>, vector<1x256x128xf32>
    %get3A_3 = vector.shape_cast %get3A_2 : vector<1x256x128xf32> to vector<256x128xf32>
    %div3A = arith.constant 2.000000e+00 : f32
    %div3A_4 = vector.broadcast %div3A : f32 to vector<256x128xf32>
    %div3A_5 = arith.divf %get3A_3, %div3A_4 : vector<256x128xf32>
    %add3A = arith.constant 5.000000e-01 : f32
    %add3A_6 = vector.broadcast %add3A : f32 to vector<256x128xf32>
    %add3A_7 = arith.addf %div3A_5, %add3A_6 : vector<256x128xf32>
    %mul3A = arith.constant 6.400000e+01 : f32
    %mul3A_8 = vector.broadcast %mul3A : f32 to vector<256x128xf32>
    %mul3A_9 = arith.mulf %add3A_7, %mul3A_8 : vector<256x128xf32>
    %convert_element_type3A = arith.fptosi %mul3A_9 : vector<256x128xf32> to vector<256x128xi32>
    %jit3A = arith.constant 0 : i32
    %jit3A_10 = arith.constant 63 : i32
    %max3A = vector.broadcast %jit3A : i32 to vector<256x128xi32>
    %max3A_11 = arith.maxsi %max3A, %convert_element_type3A : vector<256x128xi32>
    %min3A = vector.broadcast %jit3A_10 : i32 to vector<256x128xi32>
    %min3A_12 = arith.minsi %min3A, %max3A_11 : vector<256x128xi32>
    %get3A_13 = arith.constant 1 : index
    %get3A_14 = arith.constant 0 : index
    %get3A_15 = arith.constant 0 : index
    %get3A_16 = vector.load %arg2[%get3A_13, %get3A_14, %get3A_15] : memref<3x256x128xf32, #tpu.memory_space<vmem>>, vector<1x256x128xf32>
    %get3A_17 = vector.shape_cast %get3A_16 : vector<1x256x128xf32> to vector<256x128xf32>
    %div3A_18 = arith.constant 2.000000e+00 : f32
    %div3A_19 = vector.broadcast %div3A_18 : f32 to vector<256x128xf32>
    %div3A_20 = arith.divf %get3A_17, %div3A_19 : vector<256x128xf32>
    %add3A_21 = arith.constant 5.000000e-01 : f32
    %add3A_22 = vector.broadcast %add3A_21 : f32 to vector<256x128xf32>
    %add3A_23 = arith.addf %div3A_20, %add3A_22 : vector<256x128xf32>
    %mul3A_24 = arith.constant 6.400000e+01 : f32
    %mul3A_25 = vector.broadcast %mul3A_24 : f32 to vector<256x128xf32>
    %mul3A_26 = arith.mulf %add3A_23, %mul3A_25 : vector<256x128xf32>
    %convert_element_type3A_27 = arith.fptosi %mul3A_26 : vector<256x128xf32> to vector<256x128xi32>
    %jit3A_28 = arith.constant 0 : i32
    %jit3A_29 = arith.constant 63 : i32
    %max3A_30 = vector.broadcast %jit3A_28 : i32 to vector<256x128xi32>
    %max3A_31 = arith.maxsi %max3A_30, %convert_element_type3A_27 : vector<256x128xi32>
    %min3A_32 = vector.broadcast %jit3A_29 : i32 to vector<256x128xi32>
    %min3A_33 = arith.minsi %min3A_32, %max3A_31 : vector<256x128xi32>
    %get3A_34 = arith.constant 2 : index
    %get3A_35 = arith.constant 0 : index
    %get3A_36 = arith.constant 0 : index
    %get3A_37 = vector.load %arg2[%get3A_34, %get3A_35, %get3A_36] : memref<3x256x128xf32, #tpu.memory_space<vmem>>, vector<1x256x128xf32>
    %get3A_38 = vector.shape_cast %get3A_37 : vector<1x256x128xf32> to vector<256x128xf32>
    %div3A_39 = arith.constant 2.000000e+00 : f32
    %div3A_40 = vector.broadcast %div3A_39 : f32 to vector<256x128xf32>
    %div3A_41 = arith.divf %get3A_38, %div3A_40 : vector<256x128xf32>
    %add3A_42 = arith.constant 5.000000e-01 : f32
    %add3A_43 = vector.broadcast %add3A_42 : f32 to vector<256x128xf32>
    %add3A_44 = arith.addf %div3A_41, %add3A_43 : vector<256x128xf32>
    %mul3A_45 = arith.constant 6.400000e+01 : f32
    %mul3A_46 = vector.broadcast %mul3A_45 : f32 to vector<256x128xf32>
    %mul3A_47 = arith.mulf %add3A_44, %mul3A_46 : vector<256x128xf32>
    %convert_element_type3A_48 = arith.fptosi %mul3A_47 : vector<256x128xf32> to vector<256x128xi32>
    %jit3A_49 = arith.constant 0 : i32
    %jit3A_50 = arith.constant 63 : i32
    %max3A_51 = vector.broadcast %jit3A_49 : i32 to vector<256x128xi32>
    %max3A_52 = arith.maxsi %max3A_51, %convert_element_type3A_48 : vector<256x128xi32>
    %min3A_53 = vector.broadcast %jit3A_50 : i32 to vector<256x128xi32>
    %min3A_54 = arith.minsi %min3A_53, %max3A_52 : vector<256x128xi32>
    %mul3A_55 = arith.constant 4096 : i32
    %mul3A_56 = vector.broadcast %mul3A_55 : i32 to vector<256x128xi32>
    %mul3A_57 = arith.muli %min3A_12, %mul3A_56 : vector<256x128xi32>
    %mul3A_58 = arith.constant 64 : i32
    %mul3A_59 = vector.broadcast %mul3A_58 : i32 to vector<256x128xi32>
    %mul3A_60 = arith.muli %min3A_33, %mul3A_59 : vector<256x128xi32>
    %add3A_61 = arith.addi %mul3A_57, %mul3A_60 : vector<256x128xi32>
    %add3A_62 = arith.addi %add3A_61, %min3A_54 : vector<256x128xi32>
    %reshape3A = vector.shape_cast %add3A_62 : vector<256x128xi32> to vector<32768xi32>
    %get3A_63 = arith.constant 0 : index
    %get3A_64 = vector.load %arg4[%get3A_63] : memref<32768xf32, #tpu.memory_space<vmem>>, vector<32768xf32>
    %mul3A_65 = arith.constant 1.500000e+01 : f32
    %mul3A_66 = vector.broadcast %mul3A_65 : f32 to vector<32768xf32>
    %mul3A_67 = arith.mulf %get3A_64, %mul3A_66 : vector<32768xf32>
    %convert_element_type3A_68 = arith.fptosi %mul3A_67 : vector<32768xf32> to vector<32768xi32>
    %jit3A_69 = arith.constant 0 : i32
    %jit3A_70 = arith.constant 14 : i32
    %max3A_71 = vector.broadcast %jit3A_69 : i32 to vector<32768xi32>
    %max3A_72 = arith.maxsi %max3A_71, %convert_element_type3A_68 : vector<32768xi32>
    %min3A_73 = vector.broadcast %jit3A_70 : i32 to vector<32768xi32>
    %min3A_74 = arith.minsi %min3A_73, %max3A_72 : vector<32768xi32>
    %broadcast_in_dim3A = arith.constant 0.000000e+00 : f32
    %broadcast_in_dim3A_75 = vector.broadcast %broadcast_in_dim3A : f32 to vector<32768xf32>
    %broadcast_in_dim3A_76 = arith.constant 0.000000e+00 : f32
    %broadcast_in_dim3A_77 = vector.broadcast %broadcast_in_dim3A_76 : f32 to vector<32768xf32>
    %get3A_78 = arith.constant 0 : index
    %get3A_79 = memref.load %arg1[%get3A_78] : memref<16xf32, #tpu.memory_space<smem>>
    %eq3A = arith.constant 0 : i32
    %eq3A_80 = vector.broadcast %eq3A : i32 to vector<32768xi32>
    %eq3A_81 = arith.cmpi eq, %min3A_74, %eq3A_80 : vector<32768xi32>
    %broadcast_in_dim3A_82 = vector.broadcast %get3A_79 : f32 to vector<32768xf32>
    %select_n3A = arith.select %eq3A_81, %broadcast_in_dim3A_82, %broadcast_in_dim3A_75 : vector<32768xi1>, vector<32768xf32>
    %get3A_83 = arith.constant 1 : index
    %get3A_84 = memref.load %arg1[%get3A_83] : memref<16xf32, #tpu.memory_space<smem>>
    %eq3A_85 = arith.constant 1 : i32
    %eq3A_86 = vector.broadcast %eq3A_85 : i32 to vector<32768xi32>
    %eq3A_87 = arith.cmpi eq, %min3A_74, %eq3A_86 : vector<32768xi32>
    %broadcast_in_dim3A_88 = vector.broadcast %get3A_84 : f32 to vector<32768xf32>
    %select_n3A_89 = arith.select %eq3A_87, %broadcast_in_dim3A_88, %select_n3A : vector<32768xi1>, vector<32768xf32>
    %eq3A_90 = arith.constant 0 : i32
    %eq3A_91 = vector.broadcast %eq3A_90 : i32 to vector<32768xi32>
    %eq3A_92 = arith.cmpi eq, %min3A_74, %eq3A_91 : vector<32768xi32>
    %broadcast_in_dim3A_93 = vector.broadcast %get3A_84 : f32 to vector<32768xf32>
    %select_n3A_94 = arith.select %eq3A_92, %broadcast_in_dim3A_93, %broadcast_in_dim3A_77 : vector<32768xi1>, vector<32768xf32>
    %get3A_95 = arith.constant 2 : index
    %get3A_96 = memref.load %arg1[%get3A_95] : memref<16xf32, #tpu.memory_space<smem>>
    %eq3A_97 = arith.constant 2 : i32
    %eq3A_98 = vector.broadcast %eq3A_97 : i32 to vector<32768xi32>
    %eq3A_99 = arith.cmpi eq, %min3A_74, %eq3A_98 : vector<32768xi32>
    %broadcast_in_dim3A_100 = vector.broadcast %get3A_96 : f32 to vector<32768xf32>
    %select_n3A_101 = arith.select %eq3A_99, %broadcast_in_dim3A_100, %select_n3A_89 : vector<32768xi1>, vector<32768xf32>
    %eq3A_102 = arith.constant 1 : i32
    %eq3A_103 = vector.broadcast %eq3A_102 : i32 to vector<32768xi32>
    %eq3A_104 = arith.cmpi eq, %min3A_74, %eq3A_103 : vector<32768xi32>
    %broadcast_in_dim3A_105 = vector.broadcast %get3A_96 : f32 to vector<32768xf32>
    %select_n3A_106 = arith.select %eq3A_104, %broadcast_in_dim3A_105, %select_n3A_94 : vector<32768xi1>, vector<32768xf32>
    %get3A_107 = arith.constant 3 : index
    %get3A_108 = memref.load %arg1[%get3A_107] : memref<16xf32, #tpu.memory_space<smem>>
    %eq3A_109 = arith.constant 3 : i32
    %eq3A_110 = vector.broadcast %eq3A_109 : i32 to vector<32768xi32>
    %eq3A_111 = arith.cmpi eq, %min3A_74, %eq3A_110 : vector<32768xi32>
    %broadcast_in_dim3A_112 = vector.broadcast %get3A_108 : f32 to vector<32768xf32>
    %select_n3A_113 = arith.select %eq3A_111, %broadcast_in_dim3A_112, %select_n3A_101 : vector<32768xi1>, vector<32768xf32>
    %eq3A_114 = arith.constant 2 : i32
    %eq3A_115 = vector.broadcast %eq3A_114 : i32 to vector<32768xi32>
    %eq3A_116 = arith.cmpi eq, %min3A_74, %eq3A_115 : vector<32768xi32>
    %broadcast_in_dim3A_117 = vector.broadcast %get3A_108 : f32 to vector<32768xf32>
    %select_n3A_118 = arith.select %eq3A_116, %broadcast_in_dim3A_117, %select_n3A_106 : vector<32768xi1>, vector<32768xf32>
    %get3A_119 = arith.constant 4 : index
    %get3A_120 = memref.load %arg1[%get3A_119] : memref<16xf32, #tpu.memory_space<smem>>
    %eq3A_121 = arith.constant 4 : i32
    %eq3A_122 = vector.broadcast %eq3A_121 : i32 to vector<32768xi32>
    %eq3A_123 = arith.cmpi eq, %min3A_74, %eq3A_122 : vector<32768xi32>
    %broadcast_in_dim3A_124 = vector.broadcast %get3A_120 : f32 to vector<32768xf32>
    %select_n3A_125 = arith.select %eq3A_123, %broadcast_in_dim3A_124, %select_n3A_113 : vector<32768xi1>, vector<32768xf32>
    %eq3A_126 = arith.constant 3 : i32
    %eq3A_127 = vector.broadcast %eq3A_126 : i32 to vector<32768xi32>
    %eq3A_128 = arith.cmpi eq, %min3A_74, %eq3A_127 : vector<32768xi32>
    %broadcast_in_dim3A_129 = vector.broadcast %get3A_120 : f32 to vector<32768xf32>
    %select_n3A_130 = arith.select %eq3A_128, %broadcast_in_dim3A_129, %select_n3A_118 : vector<32768xi1>, vector<32768xf32>
    %get3A_131 = arith.constant 5 : index
    %get3A_132 = memref.load %arg1[%get3A_131] : memref<16xf32, #tpu.memory_space<smem>>
    %eq3A_133 = arith.constant 5 : i32
    %eq3A_134 = vector.broadcast %eq3A_133 : i32 to vector<32768xi32>
    %eq3A_135 = arith.cmpi eq, %min3A_74, %eq3A_134 : vector<32768xi32>
    %broadcast_in_dim3A_136 = vector.broadcast %get3A_132 : f32 to vector<32768xf32>
    %select_n3A_137 = arith.select %eq3A_135, %broadcast_in_dim3A_136, %select_n3A_125 : vector<32768xi1>, vector<32768xf32>
    %eq3A_138 = arith.constant 4 : i32
    %eq3A_139 = vector.broadcast %eq3A_138 : i32 to vector<32768xi32>
    %eq3A_140 = arith.cmpi eq, %min3A_74, %eq3A_139 : vector<32768xi32>
    %broadcast_in_dim3A_141 = vector.broadcast %get3A_132 : f32 to vector<32768xf32>
    %select_n3A_142 = arith.select %eq3A_140, %broadcast_in_dim3A_141, %select_n3A_130 : vector<32768xi1>, vector<32768xf32>
    %get3A_143 = arith.constant 6 : index
    %get3A_144 = memref.load %arg1[%get3A_143] : memref<16xf32, #tpu.memory_space<smem>>
    %eq3A_145 = arith.constant 6 : i32
    %eq3A_146 = vector.broadcast %eq3A_145 : i32 to vector<32768xi32>
    %eq3A_147 = arith.cmpi eq, %min3A_74, %eq3A_146 : vector<32768xi32>
    %broadcast_in_dim3A_148 = vector.broadcast %get3A_144 : f32 to vector<32768xf32>
    %select_n3A_149 = arith.select %eq3A_147, %broadcast_in_dim3A_148, %select_n3A_137 : vector<32768xi1>, vector<32768xf32>
    %eq3A_150 = arith.constant 5 : i32
    %eq3A_151 = vector.broadcast %eq3A_150 : i32 to vector<32768xi32>
    %eq3A_152 = arith.cmpi eq, %min3A_74, %eq3A_151 : vector<32768xi32>
    %broadcast_in_dim3A_153 = vector.broadcast %get3A_144 : f32 to vector<32768xf32>
    %select_n3A_154 = arith.select %eq3A_152, %broadcast_in_dim3A_153, %select_n3A_142 : vector<32768xi1>, vector<32768xf32>
    %get3A_155 = arith.constant 7 : index
    %get3A_156 = memref.load %arg1[%get3A_155] : memref<16xf32, #tpu.memory_space<smem>>
    %eq3A_157 = arith.constant 7 : i32
    %eq3A_158 = vector.broadcast %eq3A_157 : i32 to vector<32768xi32>
    %eq3A_159 = arith.cmpi eq, %min3A_74, %eq3A_158 : vector<32768xi32>
    %broadcast_in_dim3A_160 = vector.broadcast %get3A_156 : f32 to vector<32768xf32>
    %select_n3A_161 = arith.select %eq3A_159, %broadcast_in_dim3A_160, %select_n3A_149 : vector<32768xi1>, vector<32768xf32>
    %eq3A_162 = arith.constant 6 : i32
    %eq3A_163 = vector.broadcast %eq3A_162 : i32 to vector<32768xi32>
    %eq3A_164 = arith.cmpi eq, %min3A_74, %eq3A_163 : vector<32768xi32>
    %broadcast_in_dim3A_165 = vector.broadcast %get3A_156 : f32 to vector<32768xf32>
    %select_n3A_166 = arith.select %eq3A_164, %broadcast_in_dim3A_165, %select_n3A_154 : vector<32768xi1>, vector<32768xf32>
    %get3A_167 = arith.constant 8 : index
    %get3A_168 = memref.load %arg1[%get3A_167] : memref<16xf32, #tpu.memory_space<smem>>
    %eq3A_169 = arith.constant 8 : i32
    %eq3A_170 = vector.broadcast %eq3A_169 : i32 to vector<32768xi32>
    %eq3A_171 = arith.cmpi eq, %min3A_74, %eq3A_170 : vector<32768xi32>
    %broadcast_in_dim3A_172 = vector.broadcast %get3A_168 : f32 to vector<32768xf32>
    %select_n3A_173 = arith.select %eq3A_171, %broadcast_in_dim3A_172, %select_n3A_161 : vector<32768xi1>, vector<32768xf32>
    %eq3A_174 = arith.constant 7 : i32
    %eq3A_175 = vector.broadcast %eq3A_174 : i32 to vector<32768xi32>
    %eq3A_176 = arith.cmpi eq, %min3A_74, %eq3A_175 : vector<32768xi32>
    %broadcast_in_dim3A_177 = vector.broadcast %get3A_168 : f32 to vector<32768xf32>
    %select_n3A_178 = arith.select %eq3A_176, %broadcast_in_dim3A_177, %select_n3A_166 : vector<32768xi1>, vector<32768xf32>
    %get3A_179 = arith.constant 9 : index
    %get3A_180 = memref.load %arg1[%get3A_179] : memref<16xf32, #tpu.memory_space<smem>>
    %eq3A_181 = arith.constant 9 : i32
    %eq3A_182 = vector.broadcast %eq3A_181 : i32 to vector<32768xi32>
    %eq3A_183 = arith.cmpi eq, %min3A_74, %eq3A_182 : vector<32768xi32>
    %broadcast_in_dim3A_184 = vector.broadcast %get3A_180 : f32 to vector<32768xf32>
    %select_n3A_185 = arith.select %eq3A_183, %broadcast_in_dim3A_184, %select_n3A_173 : vector<32768xi1>, vector<32768xf32>
    %eq3A_186 = arith.constant 8 : i32
    %eq3A_187 = vector.broadcast %eq3A_186 : i32 to vector<32768xi32>
    %eq3A_188 = arith.cmpi eq, %min3A_74, %eq3A_187 : vector<32768xi32>
    %broadcast_in_dim3A_189 = vector.broadcast %get3A_180 : f32 to vector<32768xf32>
    %select_n3A_190 = arith.select %eq3A_188, %broadcast_in_dim3A_189, %select_n3A_178 : vector<32768xi1>, vector<32768xf32>
    %get3A_191 = arith.constant 10 : index
    %get3A_192 = memref.load %arg1[%get3A_191] : memref<16xf32, #tpu.memory_space<smem>>
    %eq3A_193 = arith.constant 10 : i32
    %eq3A_194 = vector.broadcast %eq3A_193 : i32 to vector<32768xi32>
    %eq3A_195 = arith.cmpi eq, %min3A_74, %eq3A_194 : vector<32768xi32>
    %broadcast_in_dim3A_196 = vector.broadcast %get3A_192 : f32 to vector<32768xf32>
    %select_n3A_197 = arith.select %eq3A_195, %broadcast_in_dim3A_196, %select_n3A_185 : vector<32768xi1>, vector<32768xf32>
    %eq3A_198 = arith.constant 9 : i32
    %eq3A_199 = vector.broadcast %eq3A_198 : i32 to vector<32768xi32>
    %eq3A_200 = arith.cmpi eq, %min3A_74, %eq3A_199 : vector<32768xi32>
    %broadcast_in_dim3A_201 = vector.broadcast %get3A_192 : f32 to vector<32768xf32>
    %select_n3A_202 = arith.select %eq3A_200, %broadcast_in_dim3A_201, %select_n3A_190 : vector<32768xi1>, vector<32768xf32>
    %get3A_203 = arith.constant 11 : index
    %get3A_204 = memref.load %arg1[%get3A_203] : memref<16xf32, #tpu.memory_space<smem>>
    %eq3A_205 = arith.constant 11 : i32
    %eq3A_206 = vector.broadcast %eq3A_205 : i32 to vector<32768xi32>
    %eq3A_207 = arith.cmpi eq, %min3A_74, %eq3A_206 : vector<32768xi32>
    %broadcast_in_dim3A_208 = vector.broadcast %get3A_204 : f32 to vector<32768xf32>
    %select_n3A_209 = arith.select %eq3A_207, %broadcast_in_dim3A_208, %select_n3A_197 : vector<32768xi1>, vector<32768xf32>
    %eq3A_210 = arith.constant 10 : i32
    %eq3A_211 = vector.broadcast %eq3A_210 : i32 to vector<32768xi32>
    %eq3A_212 = arith.cmpi eq, %min3A_74, %eq3A_211 : vector<32768xi32>
    %broadcast_in_dim3A_213 = vector.broadcast %get3A_204 : f32 to vector<32768xf32>
    %select_n3A_214 = arith.select %eq3A_212, %broadcast_in_dim3A_213, %select_n3A_202 : vector<32768xi1>, vector<32768xf32>
    %get3A_215 = arith.constant 12 : index
    %get3A_216 = memref.load %arg1[%get3A_215] : memref<16xf32, #tpu.memory_space<smem>>
    %eq3A_217 = arith.constant 12 : i32
    %eq3A_218 = vector.broadcast %eq3A_217 : i32 to vector<32768xi32>
    %eq3A_219 = arith.cmpi eq, %min3A_74, %eq3A_218 : vector<32768xi32>
    %broadcast_in_dim3A_220 = vector.broadcast %get3A_216 : f32 to vector<32768xf32>
    %select_n3A_221 = arith.select %eq3A_219, %broadcast_in_dim3A_220, %select_n3A_209 : vector<32768xi1>, vector<32768xf32>
    %eq3A_222 = arith.constant 11 : i32
    %eq3A_223 = vector.broadcast %eq3A_222 : i32 to vector<32768xi32>
    %eq3A_224 = arith.cmpi eq, %min3A_74, %eq3A_223 : vector<32768xi32>
    %broadcast_in_dim3A_225 = vector.broadcast %get3A_216 : f32 to vector<32768xf32>
    %select_n3A_226 = arith.select %eq3A_224, %broadcast_in_dim3A_225, %select_n3A_214 : vector<32768xi1>, vector<32768xf32>
    %get3A_227 = arith.constant 13 : index
    %get3A_228 = memref.load %arg1[%get3A_227] : memref<16xf32, #tpu.memory_space<smem>>
    %eq3A_229 = arith.constant 13 : i32
    %eq3A_230 = vector.broadcast %eq3A_229 : i32 to vector<32768xi32>
    %eq3A_231 = arith.cmpi eq, %min3A_74, %eq3A_230 : vector<32768xi32>
    %broadcast_in_dim3A_232 = vector.broadcast %get3A_228 : f32 to vector<32768xf32>
    %select_n3A_233 = arith.select %eq3A_231, %broadcast_in_dim3A_232, %select_n3A_221 : vector<32768xi1>, vector<32768xf32>
    %eq3A_234 = arith.constant 12 : i32
    %eq3A_235 = vector.broadcast %eq3A_234 : i32 to vector<32768xi32>
    %eq3A_236 = arith.cmpi eq, %min3A_74, %eq3A_235 : vector<32768xi32>
    %broadcast_in_dim3A_237 = vector.broadcast %get3A_228 : f32 to vector<32768xf32>
    %select_n3A_238 = arith.select %eq3A_236, %broadcast_in_dim3A_237, %select_n3A_226 : vector<32768xi1>, vector<32768xf32>
    %get3A_239 = arith.constant 14 : index
    %get3A_240 = memref.load %arg1[%get3A_239] : memref<16xf32, #tpu.memory_space<smem>>
    %eq3A_241 = arith.constant 14 : i32
    %eq3A_242 = vector.broadcast %eq3A_241 : i32 to vector<32768xi32>
    %eq3A_243 = arith.cmpi eq, %min3A_74, %eq3A_242 : vector<32768xi32>
    %broadcast_in_dim3A_244 = vector.broadcast %get3A_240 : f32 to vector<32768xf32>
    %select_n3A_245 = arith.select %eq3A_243, %broadcast_in_dim3A_244, %select_n3A_233 : vector<32768xi1>, vector<32768xf32>
    %eq3A_246 = arith.constant 13 : i32
    %eq3A_247 = vector.broadcast %eq3A_246 : i32 to vector<32768xi32>
    %eq3A_248 = arith.cmpi eq, %min3A_74, %eq3A_247 : vector<32768xi32>
    %broadcast_in_dim3A_249 = vector.broadcast %get3A_240 : f32 to vector<32768xf32>
    %select_n3A_250 = arith.select %eq3A_248, %broadcast_in_dim3A_249, %select_n3A_238 : vector<32768xi1>, vector<32768xf32>
    %get3A_251 = arith.constant 15 : index
    %get3A_252 = memref.load %arg1[%get3A_251] : memref<16xf32, #tpu.memory_space<smem>>
    %eq3A_253 = arith.constant 14 : i32
    %eq3A_254 = vector.broadcast %eq3A_253 : i32 to vector<32768xi32>
    %eq3A_255 = arith.cmpi eq, %min3A_74, %eq3A_254 : vector<32768xi32>
    %broadcast_in_dim3A_256 = vector.broadcast %get3A_252 : f32 to vector<32768xf32>
    %select_n3A_257 = arith.select %eq3A_255, %broadcast_in_dim3A_256, %select_n3A_250 : vector<32768xi1>, vector<32768xf32>
    %sub3A = arith.subf %get3A_64, %select_n3A_245 : vector<32768xf32>
    %abs3A = math.absf %sub3A : vector<32768xf32>
    %sub3A_258 = arith.subf %select_n3A_257, %get3A_64 : vector<32768xf32>
    %abs3A_259 = math.absf %sub3A_258 : vector<32768xf32>
    %le3A = arith.cmpf ole, %abs3A, %abs3A_259 : vector<32768xf32>
    %jit3A_260 = arith.constant 0 : i32
    %jit3A_261 = arith.constant 1 : i32
    %broadcast_in_dim3A_262 = vector.broadcast %jit3A_260 : i32 to vector<32768xi32>
    %broadcast_in_dim3A_263 = vector.broadcast %jit3A_261 : i32 to vector<32768xi32>
    %select_n3A_264 = arith.select %le3A, %broadcast_in_dim3A_262, %broadcast_in_dim3A_263 : vector<32768xi1>, vector<32768xi32>
    %add3A_265 = arith.addi %min3A_74, %select_n3A_264 : vector<32768xi32>
    %mul3A_266 = arith.constant 128 : i32
    %mul3A_267 = vector.broadcast %mul3A_266 : i32 to vector<32768xi32>
    %mul3A_268 = arith.muli %reshape3A, %mul3A_267 : vector<32768xi32>
    %get3A_269 = arith.constant 0 : index
    %get3A_270 = vector.load %arg3[%get3A_269] : memref<32768xi32, #tpu.memory_space<vmem>>, vector<32768xi32>
    %mul3A_271 = arith.constant 16 : i32
    %mul3A_272 = vector.broadcast %mul3A_271 : i32 to vector<32768xi32>
    %mul3A_273 = arith.muli %get3A_270, %mul3A_272 : vector<32768xi32>
    %add3A_274 = arith.addi %mul3A_268, %mul3A_273 : vector<32768xi32>
    %add3A_275 = arith.addi %add3A_274, %add3A_265 : vector<32768xi32>
    %jit3A_276 = arith.constant 0 : i32
    %jit3A_277 = arith.constant 33554431 : i32
    %max3A_278 = vector.broadcast %jit3A_276 : i32 to vector<32768xi32>
    %max3A_279 = arith.maxsi %max3A_278, %add3A_275 : vector<32768xi32>
    %min3A_280 = vector.broadcast %jit3A_277 : i32 to vector<32768xi32>
    %min3A_281 = arith.minsi %min3A_280, %max3A_279 : vector<32768xi32>
    %swap3A = arith.constant 0 : index
    %swap3A_282 = vector.load %arg5[%swap3A] : memref<32768xi32, #tpu.memory_space<vmem>>, vector<32768xi32>
    tpu.vector_store %arg5[%swap3A], %min3A_281 {strides = array<i32>} : memref<32768xi32, #tpu.memory_space<vmem>>, vector<32768xi32>,
    return
  }
  func.func @transform_0(%arg0: i32) -> i32 {
    %c0_i32 = arith.constant 0 : i32
    %c0_i32_0 = arith.constant 0 : i32
    return %c0_i32 : i32
  }
  func.func @transform_1(%arg0: i32) -> (i32, i32, i32) {
    %c0_i32 = arith.constant 0 : i32
    %c0_i32_0 = arith.constant 0 : i32
    %c0_i32_1 = arith.constant 0 : i32
    return %c0_i32, %arg0, %c0_i32_0 : i32, i32, i32
  }
  func.func @transform_2(%arg0: i32) -> i32 {
    %add3A = arith.constant 18 : i32
    %add3A_0 = arith.addi %arg0, %add3A : i32
    %c0_i32 = arith.constant 0 : i32
    return %add3A_0 : i32
  }
  func.func @transform_3(%arg0: i32) -> i32 {
    %add3A = arith.constant 18 : i32
    %add3A_0 = arith.addi %arg0, %add3A : i32
    %c0_i32 = arith.constant 0 : i32
    return %add3A_0 : i32
  }
  func.func @transform_4(%arg0: i32) -> i32 {
    %c0_i32 = arith.constant 0 : i32
    return %arg0 : i32
  }
}

module attributes {stable_mosaic.version = 14 : i64} {
  func.func @_phase1_body(%arg0: i32, %arg1: memref<16xf32, #tpu.memory_space<smem>>, %arg2: memref<3x256x128xf32, #tpu.memory_space<vmem>>, %arg3: memref<32768xi32, #tpu.memory_space<vmem>>, %arg4: memref<32768xf32, #tpu.memory_space<vmem>>, %arg5: memref<32768xi32, #tpu.memory_space<vmem>>) attributes {dimension_semantics = [#tpu.dimension_semantics<arbitrary>], iteration_bounds = array<i64: 18>, scalar_prefetch = 0 : i64, scratch_operands = 0 : i64, tpu.core_type = #tpu.core_type<tc>, window_params = [{transform_indices = @transform_0, window_bounds = array<i64: 16>}, {transform_indices = @transform_1, window_bounds = array<i64: 3, 256, 128>}, {transform_indices = @transform_2, window_bounds = array<i64: 32768>}, {transform_indices = @transform_3, window_bounds = array<i64: 32768>}, {transform_indices = @transform_4, window_bounds = array<i64: 32768>}]} {
    %get3A = arith.constant 0 : index
    %get3A_0 = arith.constant 0 : index
    %get3A_1 = arith.constant 0 : index
    %get3A_2 = vector.load %arg2[%get3A, %get3A_0, %get3A_1] : memref<3x256x128xf32, #tpu.memory_space<vmem>>, vector<1x256x128xf32>
    %get3A_3 = vector.shape_cast %get3A_2 : vector<1x256x128xf32> to vector<256x128xf32>
    %div3A = arith.constant 2.000000e+00 : f32
    %div3A_4 = vector.broadcast %div3A : f32 to vector<256x128xf32>
    %div3A_5 = arith.divf %get3A_3, %div3A_4 : vector<256x128xf32>
    %add3A = arith.constant 5.000000e-01 : f32
    %add3A_6 = vector.broadcast %add3A : f32 to vector<256x128xf32>
    %add3A_7 = arith.addf %div3A_5, %add3A_6 : vector<256x128xf32>
    %mul3A = arith.constant 6.400000e+01 : f32
    %mul3A_8 = vector.broadcast %mul3A : f32 to vector<256x128xf32>
    %mul3A_9 = arith.mulf %add3A_7, %mul3A_8 : vector<256x128xf32>
    %convert_element_type3A = arith.fptosi %mul3A_9 : vector<256x128xf32> to vector<256x128xi32>
    %jit3A = arith.constant 0 : i32
    %jit3A_10 = arith.constant 63 : i32
    %max3A = vector.broadcast %jit3A : i32 to vector<256x128xi32>
    %max3A_11 = arith.maxsi %max3A, %convert_element_type3A : vector<256x128xi32>
    %min3A = vector.broadcast %jit3A_10 : i32 to vector<256x128xi32>
    %min3A_12 = arith.minsi %min3A, %max3A_11 : vector<256x128xi32>
    %get3A_13 = arith.constant 1 : index
    %get3A_14 = arith.constant 0 : index
    %get3A_15 = arith.constant 0 : index
    %get3A_16 = vector.load %arg2[%get3A_13, %get3A_14, %get3A_15] : memref<3x256x128xf32, #tpu.memory_space<vmem>>, vector<1x256x128xf32>
    %get3A_17 = vector.shape_cast %get3A_16 : vector<1x256x128xf32> to vector<256x128xf32>
    %div3A_18 = arith.constant 2.000000e+00 : f32
    %div3A_19 = vector.broadcast %div3A_18 : f32 to vector<256x128xf32>
    %div3A_20 = arith.divf %get3A_17, %div3A_19 : vector<256x128xf32>
    %add3A_21 = arith.constant 5.000000e-01 : f32
    %add3A_22 = vector.broadcast %add3A_21 : f32 to vector<256x128xf32>
    %add3A_23 = arith.addf %div3A_20, %add3A_22 : vector<256x128xf32>
    %mul3A_24 = arith.constant 6.400000e+01 : f32
    %mul3A_25 = vector.broadcast %mul3A_24 : f32 to vector<256x128xf32>
    %mul3A_26 = arith.mulf %add3A_23, %mul3A_25 : vector<256x128xf32>
    %convert_element_type3A_27 = arith.fptosi %mul3A_26 : vector<256x128xf32> to vector<256x128xi32>
    %jit3A_28 = arith.constant 0 : i32
    %jit3A_29 = arith.constant 63 : i32
    %max3A_30 = vector.broadcast %jit3A_28 : i32 to vector<256x128xi32>
    %max3A_31 = arith.maxsi %max3A_30, %convert_element_type3A_27 : vector<256x128xi32>
    %min3A_32 = vector.broadcast %jit3A_29 : i32 to vector<256x128xi32>
    %min3A_33 = arith.minsi %min3A_32, %max3A_31 : vector<256x128xi32>
    %get3A_34 = arith.constant 2 : index
    %get3A_35 = arith.constant 0 : index
    %get3A_36 = arith.constant 0 : index
    %get3A_37 = vector.load %arg2[%get3A_34, %get3A_35, %get3A_36] : memref<3x256x128xf32, #tpu.memory_space<vmem>>, vector<1x256x128xf32>
    %get3A_38 = vector.shape_cast %get3A_37 : vector<1x256x128xf32> to vector<256x128xf32>
    %div3A_39 = arith.constant 2.000000e+00 : f32
    %div3A_40 = vector.broadcast %div3A_39 : f32 to vector<256x128xf32>
    %div3A_41 = arith.divf %get3A_38, %div3A_40 : vector<256x128xf32>
    %add3A_42 = arith.constant 5.000000e-01 : f32
    %add3A_43 = vector.broadcast %add3A_42 : f32 to vector<256x128xf32>
    %add3A_44 = arith.addf %div3A_41, %add3A_43 : vector<256x128xf32>
    %mul3A_45 = arith.constant 6.400000e+01 : f32
    %mul3A_46 = vector.broadcast %mul3A_45 : f32 to vector<256x128xf32>
    %mul3A_47 = arith.mulf %add3A_44, %mul3A_46 : vector<256x128xf32>
    %convert_element_type3A_48 = arith.fptosi %mul3A_47 : vector<256x128xf32> to vector<256x128xi32>
    %jit3A_49 = arith.constant 0 : i32
    %jit3A_50 = arith.constant 63 : i32
    %max3A_51 = vector.broadcast %jit3A_49 : i32 to vector<256x128xi32>
    %max3A_52 = arith.maxsi %max3A_51, %convert_element_type3A_48 : vector<256x128xi32>
    %min3A_53 = vector.broadcast %jit3A_50 : i32 to vector<256x128xi32>
    %min3A_54 = arith.minsi %min3A_53, %max3A_52 : vector<256x128xi32>
    %mul3A_55 = arith.constant 4096 : i32
    %mul3A_56 = vector.broadcast %mul3A_55 : i32 to vector<256x128xi32>
    %mul3A_57 = arith.muli %min3A_12, %mul3A_56 : vector<256x128xi32>
    %mul3A_58 = arith.constant 64 : i32
    %mul3A_59 = vector.broadcast %mul3A_58 : i32 to vector<256x128xi32>
    %mul3A_60 = arith.muli %min3A_33, %mul3A_59 : vector<256x128xi32>
    %add3A_61 = arith.addi %mul3A_57, %mul3A_60 : vector<256x128xi32>
    %add3A_62 = arith.addi %add3A_61, %min3A_54 : vector<256x128xi32>
    %reshape3A = vector.shape_cast %add3A_62 : vector<256x128xi32> to vector<32768xi32>
    %get3A_63 = arith.constant 0 : index
    %get3A_64 = vector.load %arg4[%get3A_63] : memref<32768xf32, #tpu.memory_space<vmem>>, vector<32768xf32>
    %mul3A_65 = arith.constant 1.500000e+01 : f32
    %mul3A_66 = vector.broadcast %mul3A_65 : f32 to vector<32768xf32>
    %mul3A_67 = arith.mulf %get3A_64, %mul3A_66 : vector<32768xf32>
    %convert_element_type3A_68 = arith.fptosi %mul3A_67 : vector<32768xf32> to vector<32768xi32>
    %jit3A_69 = arith.constant 0 : i32
    %jit3A_70 = arith.constant 14 : i32
    %max3A_71 = vector.broadcast %jit3A_69 : i32 to vector<32768xi32>
    %max3A_72 = arith.maxsi %max3A_71, %convert_element_type3A_68 : vector<32768xi32>
    %min3A_73 = vector.broadcast %jit3A_70 : i32 to vector<32768xi32>
    %min3A_74 = arith.minsi %min3A_73, %max3A_72 : vector<32768xi32>
    %broadcast_in_dim3A = arith.constant 0.000000e+00 : f32
    %broadcast_in_dim3A_75 = vector.broadcast %broadcast_in_dim3A : f32 to vector<32768xf32>
    %broadcast_in_dim3A_76 = arith.constant 0.000000e+00 : f32
    %broadcast_in_dim3A_77 = vector.broadcast %broadcast_in_dim3A_76 : f32 to vector<32768xf32>
    %get3A_78 = arith.constant 0 : index
    %get3A_79 = memref.load %arg1[%get3A_78] : memref<16xf32, #tpu.memory_space<smem>>
    %eq3A = arith.constant 0 : i32
    %eq3A_80 = vector.broadcast %eq3A : i32 to vector<32768xi32>
    %eq3A_81 = arith.cmpi eq, %min3A_74, %eq3A_80 : vector<32768xi32>
    %broadcast_in_dim3A_82 = vector.broadcast %get3A_79 : f32 to vector<32768xf32>
    %select_n3A = arith.select %eq3A_81, %broadcast_in_dim3A_82, %broadcast_in_dim3A_75 : vector<32768xi1>, vector<32768xf32>
    %get3A_83 = arith.constant 1 : index
    %get3A_84 = memref.load %arg1[%get3A_83] : memref<16xf32, #tpu.memory_space<smem>>
    %eq3A_85 = arith.constant 1 : i32
    %eq3A_86 = vector.broadcast %eq3A_85 : i32 to vector<32768xi32>
    %eq3A_87 = arith.cmpi eq, %min3A_74, %eq3A_86 : vector<32768xi32>
    %broadcast_in_dim3A_88 = vector.broadcast %get3A_84 : f32 to vector<32768xf32>
    %select_n3A_89 = arith.select %eq3A_87, %broadcast_in_dim3A_88, %select_n3A : vector<32768xi1>, vector<32768xf32>
    %eq3A_90 = arith.constant 0 : i32
    %eq3A_91 = vector.broadcast %eq3A_90 : i32 to vector<32768xi32>
    %eq3A_92 = arith.cmpi eq, %min3A_74, %eq3A_91 : vector<32768xi32>
    %broadcast_in_dim3A_93 = vector.broadcast %get3A_84 : f32 to vector<32768xf32>
    %select_n3A_94 = arith.select %eq3A_92, %broadcast_in_dim3A_93, %broadcast_in_dim3A_77 : vector<32768xi1>, vector<32768xf32>
    %get3A_95 = arith.constant 2 : index
    %get3A_96 = memref.load %arg1[%get3A_95] : memref<16xf32, #tpu.memory_space<smem>>
    %eq3A_97 = arith.constant 2 : i32
    %eq3A_98 = vector.broadcast %eq3A_97 : i32 to vector<32768xi32>
    %eq3A_99 = arith.cmpi eq, %min3A_74, %eq3A_98 : vector<32768xi32>
    %broadcast_in_dim3A_100 = vector.broadcast %get3A_96 : f32 to vector<32768xf32>
    %select_n3A_101 = arith.select %eq3A_99, %broadcast_in_dim3A_100, %select_n3A_89 : vector<32768xi1>, vector<32768xf32>
    %eq3A_102 = arith.constant 1 : i32
    %eq3A_103 = vector.broadcast %eq3A_102 : i32 to vector<32768xi32>
    %eq3A_104 = arith.cmpi eq, %min3A_74, %eq3A_103 : vector<32768xi32>
    %broadcast_in_dim3A_105 = vector.broadcast %get3A_96 : f32 to vector<32768xf32>
    %select_n3A_106 = arith.select %eq3A_104, %broadcast_in_dim3A_105, %select_n3A_94 : vector<32768xi1>, vector<32768xf32>
    %get3A_107 = arith.constant 3 : index
    %get3A_108 = memref.load %arg1[%get3A_107] : memref<16xf32, #tpu.memory_space<smem>>
    %eq3A_109 = arith.constant 3 : i32
    %eq3A_110 = vector.broadcast %eq3A_109 : i32 to vector<32768xi32>
    %eq3A_111 = arith.cmpi eq, %min3A_74, %eq3A_110 : vector<32768xi32>
    %broadcast_in_dim3A_112 = vector.broadcast %get3A_108 : f32 to vector<32768xf32>
    %select_n3A_113 = arith.select %eq3A_111, %broadcast_in_dim3A_112, %select_n3A_101 : vector<32768xi1>, vector<32768xf32>
    %eq3A_114 = arith.constant 2 : i32
    %eq3A_115 = vector.broadcast %eq3A_114 : i32 to vector<32768xi32>
    %eq3A_116 = arith.cmpi eq, %min3A_74, %eq3A_115 : vector<32768xi32>
    %broadcast_in_dim3A_117 = vector.broadcast %get3A_108 : f32 to vector<32768xf32>
    %select_n3A_118 = arith.select %eq3A_116, %broadcast_in_dim3A_117, %select_n3A_106 : vector<32768xi1>, vector<32768xf32>
    %get3A_119 = arith.constant 4 : index
    %get3A_120 = memref.load %arg1[%get3A_119] : memref<16xf32, #tpu.memory_space<smem>>
    %eq3A_121 = arith.constant 4 : i32
    %eq3A_122 = vector.broadcast %eq3A_121 : i32 to vector<32768xi32>
    %eq3A_123 = arith.cmpi eq, %min3A_74, %eq3A_122 : vector<32768xi32>
    %broadcast_in_dim3A_124 = vector.broadcast %get3A_120 : f32 to vector<32768xf32>
    %select_n3A_125 = arith.select %eq3A_123, %broadcast_in_dim3A_124, %select_n3A_113 : vector<32768xi1>, vector<32768xf32>
    %eq3A_126 = arith.constant 3 : i32
    %eq3A_127 = vector.broadcast %eq3A_126 : i32 to vector<32768xi32>
    %eq3A_128 = arith.cmpi eq, %min3A_74, %eq3A_127 : vector<32768xi32>
    %broadcast_in_dim3A_129 = vector.broadcast %get3A_120 : f32 to vector<32768xf32>
    %select_n3A_130 = arith.select %eq3A_128, %broadcast_in_dim3A_129, %select_n3A_118 : vector<32768xi1>, vector<32768xf32>
    %get3A_131 = arith.constant 5 : index
    %get3A_132 = memref.load %arg1[%get3A_131] : memref<16xf32, #tpu.memory_space<smem>>
    %eq3A_133 = arith.constant 5 : i32
    %eq3A_134 = vector.broadcast %eq3A_133 : i32 to vector<32768xi32>
    %eq3A_135 = arith.cmpi eq, %min3A_74, %eq3A_134 : vector<32768xi32>
    %broadcast_in_dim3A_136 = vector.broadcast %get3A_132 : f32 to vector<32768xf32>
    %select_n3A_137 = arith.select %eq3A_135, %broadcast_in_dim3A_136, %select_n3A_125 : vector<32768xi1>, vector<32768xf32>
    %eq3A_138 = arith.constant 4 : i32
    %eq3A_139 = vector.broadcast %eq3A_138 : i32 to vector<32768xi32>
    %eq3A_140 = arith.cmpi eq, %min3A_74, %eq3A_139 : vector<32768xi32>
    %broadcast_in_dim3A_141 = vector.broadcast %get3A_132 : f32 to vector<32768xf32>
    %select_n3A_142 = arith.select %eq3A_140, %broadcast_in_dim3A_141, %select_n3A_130 : vector<32768xi1>, vector<32768xf32>
    %get3A_143 = arith.constant 6 : index
    %get3A_144 = memref.load %arg1[%get3A_143] : memref<16xf32, #tpu.memory_space<smem>>
    %eq3A_145 = arith.constant 6 : i32
    %eq3A_146 = vector.broadcast %eq3A_145 : i32 to vector<32768xi32>
    %eq3A_147 = arith.cmpi eq, %min3A_74, %eq3A_146 : vector<32768xi32>
    %broadcast_in_dim3A_148 = vector.broadcast %get3A_144 : f32 to vector<32768xf32>
    %select_n3A_149 = arith.select %eq3A_147, %broadcast_in_dim3A_148, %select_n3A_137 : vector<32768xi1>, vector<32768xf32>
    %eq3A_150 = arith.constant 5 : i32
    %eq3A_151 = vector.broadcast %eq3A_150 : i32 to vector<32768xi32>
    %eq3A_152 = arith.cmpi eq, %min3A_74, %eq3A_151 : vector<32768xi32>
    %broadcast_in_dim3A_153 = vector.broadcast %get3A_144 : f32 to vector<32768xf32>
    %select_n3A_154 = arith.select %eq3A_152, %broadcast_in_dim3A_153, %select_n3A_142 : vector<32768xi1>, vector<32768xf32>
    %get3A_155 = arith.constant 7 : index
    %get3A_156 = memref.load %arg1[%get3A_155] : memref<16xf32, #tpu.memory_space<smem>>
    %eq3A_157 = arith.constant 7 : i32
    %eq3A_158 = vector.broadcast %eq3A_157 : i32 to vector<32768xi32>
    %eq3A_159 = arith.cmpi eq, %min3A_74, %eq3A_158 : vector<32768xi32>
    %broadcast_in_dim3A_160 = vector.broadcast %get3A_156 : f32 to vector<32768xf32>
    %select_n3A_161 = arith.select %eq3A_159, %broadcast_in_dim3A_160, %select_n3A_149 : vector<32768xi1>, vector<32768xf32>
    %eq3A_162 = arith.constant 6 : i32
    %eq3A_163 = vector.broadcast %eq3A_162 : i32 to vector<32768xi32>
    %eq3A_164 = arith.cmpi eq, %min3A_74, %eq3A_163 : vector<32768xi32>
    %broadcast_in_dim3A_165 = vector.broadcast %get3A_156 : f32 to vector<32768xf32>
    %select_n3A_166 = arith.select %eq3A_164, %broadcast_in_dim3A_165, %select_n3A_154 : vector<32768xi1>, vector<32768xf32>
    %get3A_167 = arith.constant 8 : index
    %get3A_168 = memref.load %arg1[%get3A_167] : memref<16xf32, #tpu.memory_space<smem>>
    %eq3A_169 = arith.constant 8 : i32
    %eq3A_170 = vector.broadcast %eq3A_169 : i32 to vector<32768xi32>
    %eq3A_171 = arith.cmpi eq, %min3A_74, %eq3A_170 : vector<32768xi32>
    %broadcast_in_dim3A_172 = vector.broadcast %get3A_168 : f32 to vector<32768xf32>
    %select_n3A_173 = arith.select %eq3A_171, %broadcast_in_dim3A_172, %select_n3A_161 : vector<32768xi1>, vector<32768xf32>
    %eq3A_174 = arith.constant 7 : i32
    %eq3A_175 = vector.broadcast %eq3A_174 : i32 to vector<32768xi32>
    %eq3A_176 = arith.cmpi eq, %min3A_74, %eq3A_175 : vector<32768xi32>
    %broadcast_in_dim3A_177 = vector.broadcast %get3A_168 : f32 to vector<32768xf32>
    %select_n3A_178 = arith.select %eq3A_176, %broadcast_in_dim3A_177, %select_n3A_166 : vector<32768xi1>, vector<32768xf32>
    %get3A_179 = arith.constant 9 : index
    %get3A_180 = memref.load %arg1[%get3A_179] : memref<16xf32, #tpu.memory_space<smem>>
    %eq3A_181 = arith.constant 9 : i32
    %eq3A_182 = vector.broadcast %eq3A_181 : i32 to vector<32768xi32>
    %eq3A_183 = arith.cmpi eq, %min3A_74, %eq3A_182 : vector<32768xi32>
    %broadcast_in_dim3A_184 = vector.broadcast %get3A_180 : f32 to vector<32768xf32>
    %select_n3A_185 = arith.select %eq3A_183, %broadcast_in_dim3A_184, %select_n3A_173 : vector<32768xi1>, vector<32768xf32>
    %eq3A_186 = arith.constant 8 : i32
    %eq3A_187 = vector.broadcast %eq3A_186 : i32 to vector<32768xi32>
    %eq3A_188 = arith.cmpi eq, %min3A_74, %eq3A_187 : vector<32768xi32>
    %broadcast_in_dim3A_189 = vector.broadcast %get3A_180 : f32 to vector<32768xf32>
    %select_n3A_190 = arith.select %eq3A_188, %broadcast_in_dim3A_189, %select_n3A_178 : vector<32768xi1>, vector<32768xf32>
    %get3A_191 = arith.constant 10 : index
    %get3A_192 = memref.load %arg1[%get3A_191] : memref<16xf32, #tpu.memory_space<smem>>
    %eq3A_193 = arith.constant 10 : i32
    %eq3A_194 = vector.broadcast %eq3A_193 : i32 to vector<32768xi32>
    %eq3A_195 = arith.cmpi eq, %min3A_74, %eq3A_194 : vector<32768xi32>
    %broadcast_in_dim3A_196 = vector.broadcast %get3A_192 : f32 to vector<32768xf32>
    %select_n3A_197 = arith.select %eq3A_195, %broadcast_in_dim3A_196, %select_n3A_185 : vector<32768xi1>, vector<32768xf32>
    %eq3A_198 = arith.constant 9 : i32
    %eq3A_199 = vector.broadcast %eq3A_198 : i32 to vector<32768xi32>
    %eq3A_200 = arith.cmpi eq, %min3A_74, %eq3A_199 : vector<32768xi32>
    %broadcast_in_dim3A_201 = vector.broadcast %get3A_192 : f32 to vector<32768xf32>
    %select_n3A_202 = arith.select %eq3A_200, %broadcast_in_dim3A_201, %select_n3A_190 : vector<32768xi1>, vector<32768xf32>
    %get3A_203 = arith.constant 11 : index
    %get3A_204 = memref.load %arg1[%get3A_203] : memref<16xf32, #tpu.memory_space<smem>>
    %eq3A_205 = arith.constant 11 : i32
    %eq3A_206 = vector.broadcast %eq3A_205 : i32 to vector<32768xi32>
    %eq3A_207 = arith.cmpi eq, %min3A_74, %eq3A_206 : vector<32768xi32>
    %broadcast_in_dim3A_208 = vector.broadcast %get3A_204 : f32 to vector<32768xf32>
    %select_n3A_209 = arith.select %eq3A_207, %broadcast_in_dim3A_208, %select_n3A_197 : vector<32768xi1>, vector<32768xf32>
    %eq3A_210 = arith.constant 10 : i32
    %eq3A_211 = vector.broadcast %eq3A_210 : i32 to vector<32768xi32>
    %eq3A_212 = arith.cmpi eq, %min3A_74, %eq3A_211 : vector<32768xi32>
    %broadcast_in_dim3A_213 = vector.broadcast %get3A_204 : f32 to vector<32768xf32>
    %select_n3A_214 = arith.select %eq3A_212, %broadcast_in_dim3A_213, %select_n3A_202 : vector<32768xi1>, vector<32768xf32>
    %get3A_215 = arith.constant 12 : index
    %get3A_216 = memref.load %arg1[%get3A_215] : memref<16xf32, #tpu.memory_space<smem>>
    %eq3A_217 = arith.constant 12 : i32
    %eq3A_218 = vector.broadcast %eq3A_217 : i32 to vector<32768xi32>
    %eq3A_219 = arith.cmpi eq, %min3A_74, %eq3A_218 : vector<32768xi32>
    %broadcast_in_dim3A_220 = vector.broadcast %get3A_216 : f32 to vector<32768xf32>
    %select_n3A_221 = arith.select %eq3A_219, %broadcast_in_dim3A_220, %select_n3A_209 : vector<32768xi1>, vector<32768xf32>
    %eq3A_222 = arith.constant 11 : i32
    %eq3A_223 = vector.broadcast %eq3A_222 : i32 to vector<32768xi32>
    %eq3A_224 = arith.cmpi eq, %min3A_74, %eq3A_223 : vector<32768xi32>
    %broadcast_in_dim3A_225 = vector.broadcast %get3A_216 : f32 to vector<32768xf32>
    %select_n3A_226 = arith.select %eq3A_224, %broadcast_in_dim3A_225, %select_n3A_214 : vector<32768xi1>, vector<32768xf32>
    %get3A_227 = arith.constant 13 : index
    %get3A_228 = memref.load %arg1[%get3A_227] : memref<16xf32, #tpu.memory_space<smem>>
    %eq3A_229 = arith.constant 13 : i32
    %eq3A_230 = vector.broadcast %eq3A_229 : i32 to vector<32768xi32>
    %eq3A_231 = arith.cmpi eq, %min3A_74, %eq3A_230 : vector<32768xi32>
    %broadcast_in_dim3A_232 = vector.broadcast %get3A_228 : f32 to vector<32768xf32>
    %select_n3A_233 = arith.select %eq3A_231, %broadcast_in_dim3A_232, %select_n3A_221 : vector<32768xi1>, vector<32768xf32>
    %eq3A_234 = arith.constant 12 : i32
    %eq3A_235 = vector.broadcast %eq3A_234 : i32 to vector<32768xi32>
    %eq3A_236 = arith.cmpi eq, %min3A_74, %eq3A_235 : vector<32768xi32>
    %broadcast_in_dim3A_237 = vector.broadcast %get3A_228 : f32 to vector<32768xf32>
    %select_n3A_238 = arith.select %eq3A_236, %broadcast_in_dim3A_237, %select_n3A_226 : vector<32768xi1>, vector<32768xf32>
    %get3A_239 = arith.constant 14 : index
    %get3A_240 = memref.load %arg1[%get3A_239] : memref<16xf32, #tpu.memory_space<smem>>
    %eq3A_241 = arith.constant 14 : i32
    %eq3A_242 = vector.broadcast %eq3A_241 : i32 to vector<32768xi32>
    %eq3A_243 = arith.cmpi eq, %min3A_74, %eq3A_242 : vector<32768xi32>
    %broadcast_in_dim3A_244 = vector.broadcast %get3A_240 : f32 to vector<32768xf32>
    %select_n3A_245 = arith.select %eq3A_243, %broadcast_in_dim3A_244, %select_n3A_233 : vector<32768xi1>, vector<32768xf32>
    %eq3A_246 = arith.constant 13 : i32
    %eq3A_247 = vector.broadcast %eq3A_246 : i32 to vector<32768xi32>
    %eq3A_248 = arith.cmpi eq, %min3A_74, %eq3A_247 : vector<32768xi32>
    %broadcast_in_dim3A_249 = vector.broadcast %get3A_240 : f32 to vector<32768xf32>
    %select_n3A_250 = arith.select %eq3A_248, %broadcast_in_dim3A_249, %select_n3A_238 : vector<32768xi1>, vector<32768xf32>
    %get3A_251 = arith.constant 15 : index
    %get3A_252 = memref.load %arg1[%get3A_251] : memref<16xf32, #tpu.memory_space<smem>>
    %eq3A_253 = arith.constant 14 : i32
    %eq3A_254 = vector.broadcast %eq3A_253 : i32 to vector<32768xi32>
    %eq3A_255 = arith.cmpi eq, %min3A_74, %eq3A_254 : vector<32768xi32>
    %broadcast_in_dim3A_256 = vector.broadcast %get3A_252 : f32 to vector<32768xf32>
    %select_n3A_257 = arith.select %eq3A_255, %broadcast_in_dim3A_256, %select_n3A_250 : vector<32768xi1>, vector<32768xf32>
    %sub3A = arith.subf %get3A_64, %select_n3A_245 : vector<32768xf32>
    %abs3A = math.absf %sub3A : vector<32768xf32>
    %sub3A_258 = arith.subf %select_n3A_257, %get3A_64 : vector<32768xf32>
    %abs3A_259 = math.absf %sub3A_258 : vector<32768xf32>
    %le3A = arith.cmpf ole, %abs3A, %abs3A_259 : vector<32768xf32>
    %jit3A_260 = arith.constant 0 : i32
    %jit3A_261 = arith.constant 1 : i32
    %broadcast_in_dim3A_262 = vector.broadcast %jit3A_260 : i32 to vector<32768xi32>
    %broadcast_in_dim3A_263 = vector.broadcast %jit3A_261 : i32 to vector<32768xi32>
    %select_n3A_264 = arith.select %le3A, %broadcast_in_dim3A_262, %broadcast_in_dim3A_263 : vector<32768xi1>, vector<32768xi32>
    %add3A_265 = arith.addi %min3A_74, %select_n3A_264 : vector<32768xi32>
    %mul3A_266 = arith.constant 128 : i32
    %mul3A_267 = vector.broadcast %mul3A_266 : i32 to vector<32768xi32>
    %mul3A_268 = arith.muli %reshape3A, %mul3A_267 : vector<32768xi32>
    %get3A_269 = arith.constant 0 : index
    %get3A_270 = vector.load %arg3[%get3A_269] : memref<32768xi32, #tpu.memory_space<vmem>>, vector<32768xi32>
    %mul3A_271 = arith.constant 16 : i32
    %mul3A_272 = vector.broadcast %mul3A_271 : i32 to vector<32768xi32>
    %mul3A_273 = arith.muli %get3A_270, %mul3A_272 : vector<32768xi32>
    %add3A_274 = arith.addi %mul3A_268, %mul3A_273 : vector<32768xi32>
    %add3A_275 = arith.addi %add3A_274, %add3A_265 : vector<32768xi32>
    %jit3A_276 = arith.constant 0 : i32
    %jit3A_277 = arith.constant 33554431 : i32
    %max3A_278 = vector.broadcast %jit3A_276 : i32 to vector<32768xi32>
    %max3A_279 = arith.maxsi %max3A_278, %add3A_275 : vector<32768xi32>
    %min3A_280 = vector.broadcast %jit3A_277 : i32 to vector<32768xi32>
    %min3A_281 = arith.minsi %min3A_280, %max3A_279 : vector<32768xi32>
    %swap3A = arith.constant 0 : index
    %swap3A_282 = vector.load %arg5[%swap3A] : memref<32768xi32, #tpu.memory_space<vmem>>, vector<32768xi32>
    tpu.vector_store %arg5[%swap3A], %min3A_281 {strides = array<i32>} : memref<32768xi32, #tpu.memory_space<vmem>>, vector<32768xi32>,
    return
  }
  func.func @transform_0(%arg0: i32) -> i32 {
    %c0_i32 = arith.constant 0 : i32
    %c0_i32_0 = arith.constant 0 : i32
    return %c0_i32 : i32
  }
  func.func @transform_1(%arg0: i32) -> (i32, i32, i32) {
    %c0_i32 = arith.constant 0 : i32
    %c0_i32_0 = arith.constant 0 : i32
    %c0_i32_1 = arith.constant 0 : i32
    return %c0_i32, %arg0, %c0_i32_0 : i32, i32, i32
  }
  func.func @transform_2(%arg0: i32) -> i32 {
    %add3A = arith.constant 36 : i32
    %add3A_0 = arith.addi %arg0, %add3A : i32
    %c0_i32 = arith.constant 0 : i32
    return %add3A_0 : i32
  }
  func.func @transform_3(%arg0: i32) -> i32 {
    %add3A = arith.constant 36 : i32
    %add3A_0 = arith.addi %arg0, %add3A : i32
    %c0_i32 = arith.constant 0 : i32
    return %add3A_0 : i32
  }
  func.func @transform_4(%arg0: i32) -> i32 {
    %c0_i32 = arith.constant 0 : i32
    return %arg0 : i32
  }
}

</mosaic_0001>

<sc_bundles>
// kernel: kernel.10.cloned.1.call-start
scs
__scs_entry_jumppad:
0x0: {  	(pc) =	sbr.rel $0x88, $3  }
0x1: {  	(tag) =	ssettag $0x0;
	lr =	simm.s32 $0x1  }
0x2: {  	[smem:$0x3F9C] =	sst lr;
	_ =	strace $0xD0000000  }
0x3: {  	_ = 	snop  }
0x4: {  	_ = 	snop  }
0x5: {  	_ = 	snop  }
0x6: {  	_ = 	snop  }
0x7: {  	_ = 	snop  }
__scs_overlays_trampoline_lowered:
0x8: {  	[smem:$0x3FAB] =	sst s0  }
0x9: {  	[smem:$0x3FAC] =	sst s1  }
0xa: {  	[smem:$0x3FAD] =	sst s2  }
0xb: {  	[smem:$0x3FAE] =	sst s3  }
0xc: {  	[smem:$0x3FAF] =	sst s4  }
0xd: {  	[smem:$0x3FB0] =	sst s5  }
0xe: {  	[smem:$0x3FB1] =	sst s6  }
0xf: {  	[smem:$0x3FB2] =	sst s7  }
0x10: {  	[smem:$0x3FB3] =	sst s8  }
0x11: {  	[smem:$0x3FB4] =	sst s9;
	s0 =	simm.s32 @!p0 $0x0  }
0x12: {  	s1 =	sld [smem:$0x3F9A];
	s0 =	simm.s32 @p0 $0x1  }
0x13: {  	[smem:$0x3FB5] =	sst s0;
	s0 =	simm.s32 @!p1 $0x0  }
0x14: {  	s2 =	sld [smem:$0x3F99];
	s0 =	simm.s32 @p1 $0x1  }
0x15: {  	[smem:$0x3FB6] =	sst s0;
	s0 =	simm.s32 @!p2 $0x0  }
0x16: {  	s3 =	sld [smem:$0x3FDB];
	s0 =	simm.s32 @p2 $0x1  }
0x17: {  	s4 =	simm.s32 $0x1BF5;
	[smem:$0x3FB8] =	sst s0  }
0x18: {  	s0 =	sld [smem:$0x3F9B];
	_ =	swait.ge [sflag:s4], $0x0  }
0x19: {  	s7 =	sld [smem:$0x3F9C]  }
0x1a: {  	s8 =	sadd.s32 $0xFFFFE003, lr  }
0x1b: {  	s9 =	sadd.s32 $0xFFFFFEF7, lr;
	s5 =	simm.s32 $0xFFFFFFFF;
	p2 =	slt.u32 s8, $0xFFFFF086  }
0x1c: {  	p1 =	slt.u32 s9, $0xF7A;
	s5 =	simm.s32 @!p2 $0x0  }
0x1d: {  	s5 =	simm.s32 @p1 $0x1;
	p0 =	seq.s32 s7, s2  }
0x1e: {  	s7 =	smul.u32 @!p0 $0xF7A, s2;
	p2 =	seq.s32 @!p0 s5, $0x0  }
0x1f: {  	s9 =	smul.u32 $0xF7A, s1;
	s8 =	simm.s32 @!p0 $0x1BF5;
	p2 =	por !p2, p0  }
0x20: {  	[sflag:s8] =	ssyncset.s32 @!p0 $0xFFFFF086;
	s6 =	sadd.s32 @!p0 s3, s7;
	s7 =	simm.s32 @!p0 $0x108  }
0x21: {  	s3 =	sadd.s32 s3, s9;
	s6 =	sadd.s32 @!p0 $0x88, s6;
	s7 =	simm.s32 @p2 $0x1082  }
0x22: {  	[simem:s7], [sflag:s8] =	dma.local @!p0 [hbm:s6], $0xF7A  }
0x23: {  	s9 =	sor.u32 $0xD0000000, s2;
	s6 =	simm.s32 $0x108;
	_ =	swait.ge @!p0 [sflag:s8], $0x0  }
0x24: {  	s3 =	sadd.s32 $0x88, s3;
	s6 =	simm.s32 @!p1 $0x1082;
	[sflag:s4] =	ssyncset.s32 $0xFFFFF086  }
0x25: {  	[simem:s6], [sflag:s4] =	dma.local [hbm:s3], $0xF7A  }
0x26: {  	[smem:$0x3F9C] =	sst s1;
	(tag) =	ssettag s2;
	_ =	strace s9  }
0x27: {  	s1 =	sld [smem:$0x3FAC]  }
0x28: {  	s2 =	sld [smem:$0x3FAD]  }
0x29: {  	s4 =	sld [smem:$0x3FAF]  }
0x2a: {  	p0 =	seq.s32 s5, $0x0;
	s5 =	sld [smem:$0x3FB0]  }
0x2b: {  	s6 =	sld [smem:$0x3FB1]  }
0x2c: {  	s7 =	sld [smem:$0x3FB2]  }
0x2d: {  	s3 =	simm.s32 $0x108;
	s8 =	sld [smem:$0x3FB3]  }
0x2e: {  	s3 =	simm.s32 @!p0 $0x1082;
	s9 =	sld [smem:$0x3FB4]  }
0x2f: {  	lr =	sadd.s32 s0, s3;
	s0 =	sld [smem:$0x3FAB]  }
0x30: {  	s3 =	sld [smem:$0x3FAE]  }
0x31: {  	[smem:$0x3FB7] =	sst s10  }
0x32: {  	s10 =	sld [smem:$0x3FB5];
	_ =	sdelay $0x3  }
0x33: {  	p0 =	seq.s32 s10, $0x1;
	s10 =	sld [smem:$0x3FB7];
	_ =	sdelay $0x3  }
0x34: {  	[smem:$0x3FB7] =	sst s10  }
0x35: {  	s10 =	sld [smem:$0x3FB6];
	_ =	sdelay $0x3  }
0x36: {  	p1 =	seq.s32 s10, $0x1;
	s10 =	sld [smem:$0x3FB7];
	_ =	sdelay $0x3  }
0x37: {  	[smem:$0x3FB7] =	sst s10  }
0x38: {  	s10 =	sld [smem:$0x3FB8]  }
0x39: {  	_ = 	snop;
	(pc) =	sbr.ind lr, $3  }
0x3a: {  	_ = 	snop  }
0x3b: {  	_ = 	snop  }
0x3c: {  	p2 =	seq.s32 s10, $0x1;
	s10 =	sld [smem:$0x3FB7]  }
0x3d: {  	_ =	shalt  }
0x3e: {  	_ =	shalt  }
0x3f: {  	_ =	shalt  }
0x40: {  	_ =	shalt  }
0x41: {  	_ =	shalt  }
0x42: {  	_ =	shalt  }
0x43: {  	_ =	shalt  }
0x44: {  	_ =	shalt  }
0x45: {  	_ =	shalt  }
0x46: {  	_ =	shalt  }
0x47: {  	_ =	shalt  }
0x48: {  	_ =	shalt  }
0x49: {  	_ =	shalt  }
0x4a: {  	_ =	shalt  }
0x4b: {  	_ =	shalt  }
0x4c: {  	_ =	shalt  }
0x4d: {  	_ =	shalt  }
0x4e: {  	_ =	shalt  }
0x4f: {  	_ =	shalt  }
0x50: {  	_ =	shalt  }
0x51: {  	_ =	shalt  }
0x52: {  	_ =	shalt  }
0x53: {  	_ =	shalt  }
0x54: {  	_ =	shalt  }
0x55: {  	_ =	shalt  }
0x56: {  	_ =	shalt  }
0x57: {  	_ =	shalt  }
0x58: {  	_ =	shalt  }
0x59: {  	_ =	shalt  }
0x5a: {  	_ =	shalt  }
0x5b: {  	_ =	shalt  }
0x5c: {  	_ =	shalt  }
0x5d: {  	_ =	shalt  }
0x5e: {  	_ =	shalt  }
0x5f: {  	_ =	shalt  }
0x60: {  	_ =	shalt  }
0x61: {  	_ =	shalt  }
0x62: {  	_ =	shalt  }
0x63: {  	_ =	shalt  }
0x64: {  	_ =	shalt  }
0x65: {  	_ =	shalt  }
0x66: {  	_ =	shalt  }
0x67: {  	_ =	shalt  }
0x68: {  	_ =	shalt  }
0x69: {  	_ =	shalt  }
0x6a: {  	_ =	shalt  }
0x6b: {  	_ =	shalt  }
0x6c: {  	_ =	shalt  }
0x6d: {  	_ =	shalt  }
0x6e: {  	_ =	shalt  }
0x6f: {  	_ =	shalt  }
0x70: {  	_ =	shalt  }
0x71: {  	_ =	shalt  }
0x72: {  	_ =	shalt  }
0x73: {  	_ =	shalt  }
0x74: {  	_ =	shalt  }
0x75: {  	_ =	shalt  }
0x76: {  	_ =	shalt  }
0x77: {  	_ =	shalt  }
0x78: {  	_ =	shalt  }
0x79: {  	_ =	shalt  }
0x7a: {  	_ =	shalt  }
0x7b: {  	_ =	shalt  }
0x7c: {  	_ =	shalt  }
0x7d: {  	_ =	shalt  }
0x7e: {  	_ =	shalt  }
0x7f: {  	_ =	shalt  }
0x80: {  	_ =	shalt  }
0x81: {  	_ =	shalt  }
0x82: {  	_ =	shalt  }
0x83: {  	_ =	shalt  }
0x84: {  	_ =	shalt  }
0x85: {  	_ =	shalt  }
0x86: {  	_ =	shalt  }
0x87: {  	_ =	shalt  }
.Lfunc_end0:
.L_simem_size_0:
called_computation_lowered:
.L_overlay_start_0:
0x88: {  	s2 =	sld [smem:$0x3FD9]  }
0x89: {  	s3 =	sld [smem:$0x3FFE];
	_ =	sdelay $0x1  }
0x8a: {  	s1 =	srdreg.scid  }
0x8b: {  	s0 =	sand.u32 $0x1, s1  }
0x8c: {  	s17 =	sshll.u32 s0, $0xA;
	s2 =	sadd.s32 s3, s2  }
0x8d: {  	s2 =	sadd.s32 s2, s17  }
0x8e: {  	[smem:$0x3FC3] =	sst s2  }
0x8f: {  	_ = 	snop  }
0x90: {  	s18 =	sld [smem:$0x3FC6];
	(tm) =	ssettm $0x1  }
0x91: {  	s19 =	sld [smem:$0x3FFB];
	_ =	sdelay $0x3  }
0x92: {  	_ =	strace s19  }
0x93: {  	s2 =	sld [smem:$0x3FFC];
	_ =	sdelay $0x3  }
0x94: {  	_ =	strace s2  }
0x95: {  	s2 =	sld [smem:$0x3FFD];
	_ =	sdelay $0x3  }
0x96: {  	_ =	strace s2  }
0x97: {  	_ =	strace $0x8FFFFFFF  }
0x98: {  	s20 =	sld [smem:$0x3FDB];
	_ =	sdelay $0x1  }
0x99: {  	s4 =	simm.s32 $_scs_section_size  }
0x9a: {  	s5 =	simm.s32 $_size__tile_overlayer_lowered;
	s6 =	simm.s32 $_tile_overlayer_lowered  }
0x9b: {  	s7 =	simm.s32 $0x1BFF;
	s21 =	sshll.u32 s6, $0x1;
	s4 =	sadd.s32 s4, s20  }
0x9c: {  	s22 =	simm.s32 $0x0;
	s5 =	sshll.u32 s5, $0x1;
	s6 =	sadd.s32 s21, s4  }
0x9d: {  	[timem:s22], [sflag:s7] =	dma.local [hbm:s6], s5  }
0x9e: {  	_ =	swait.ge [sflag:s7], s5  }
0x9f: {  	s5 =	ssub.s32 $0x0, s5;
	[sflag:s7] =	ssyncset.done $0x0  }
0xa0: {  	[sflag:s7] =	ssyncadd.s32 s5;
	_ =	sdelay $0x1  }
0xa1: {  	s23 =	simm.s32 $0x1B8B  }
0xa2: {  	_ =	swait.ge [sflag:s23], $0x1  }
0xa3: {  	[sflag:s23] =	ssyncset.done $0x0  }
0xa4: {  	[sflag:s23] =	ssyncadd.s32 $0xFFFFFFFF  }
0xa5: {  	s5 =	sld [smem:$0x0]  }
0xa6: {  	s6 =	sand.u32 $0xFFFFFFFE, s1  }
0xa7: {  	p0 =	sne.s32 s1, s6  }
0xa8: {  	s6 =	sshll.u32 @p0 s6, $0xE  }
0xa9: {  	s6 =	sadd.s32 @p0 $0x11B8D, s6;
	s7 =	sshll.u32 @p0 s5, $0x11  }
0xaa: {  	s6 =	sor.u32 @p0 s7, s6  }
0xab: {  	[sflag:s6] =	ssyncadd.remote.s32 @p0 $0x1;
	_ =	sdelay $0x1  }
0xac: {  	s6 =	simm.s32 @p0 $0x1B8D  }
0xad: {  	_ =	swait.eq @p0 [sflag:s6], $0x1  }
0xae: {  	[sflag:s6] =	ssyncadd.s32 @p0 $0xFFFFFFFF  }
0xaf: {  	s7 =	sshll.u32 @!p0 s1, $0xE  }
0xb0: {  	s7 =	sor.u32 @!p0 $0x4000, s7;
	s6 =	simm.s32 @!p0 $0x1B8D  }
0xb1: {  	s5 =	sshll.u32 @!p0 s5, $0x11;
	s7 =	sadd.s32 @!p0 $0x11B8D, s7;
	_ =	swait.eq @!p0 [sflag:s6], $0x1  }
0xb2: {  	s5 =	sor.u32 @!p0 s5, s7;
	[sflag:s6] =	ssyncadd.s32 @!p0 $0xFFFFFFFF  }
0xb3: {  	s25 =	simm.s32 $0x1B8E;
	s24 =	sld [smem:$0x3FFE];
	[sflag:s5] =	ssyncadd.remote.s32 @!p0 $0x1  }
0xb4: {  	s26 =	simm.s32 $execute0_lowered;
	[smem:$0x3FD2] =	sst s25  }
0xb5: {  	s6 =	sshll.u32 s26, $0x1;
	_ =	strace $0x80000049;
	[dreg:$0x1] =	wrdreg $0xFFFFFFFF  }
0xb6: {  	s28 =	simm.s32 $_size_execute0_lowered;
	s4 =	sadd.s32 s4, s6;
	[dreg:$0x0] =	wrdreg $0x0  }
0xb7: {  	s6 =	sshll.u32 s28, $0x1;
	[dreg:$0x2] =	wrdreg s4  }
0xb8: {  	[dreg:$0x3] =	wrdreg s6  }
0xb9: {  	[dreg:$0x4] =	wrdreg $0xC0  }
0xba: {  	_ =	task [dreg:s22], $0x5FFFF  }
0xbb: {  	[dreg:$0x1] =	wrdreg $0xFFFFFFFF  }
0xbc: {  	[dreg:$0x0] =	wrdreg $0x60  }
0xbd: {  	[dreg:$0x2] =	wrdreg s24  }
0xbe: {  	[dreg:$0x3] =	wrdreg s18  }
0xbf: {  	[dreg:$0x4] =	wrdreg $0x9  }
0xc0: {  	_ =	task.clear_ibuf [dreg:s22], $0x5FFFF;
	_ =	strace $0x90000049  }
0xc1: {  	s29 =	simm.s32 $0x9;
	_ =	strace $0x8000004B  }
0xc2: {  	_ =	swait.ge [sflag:s29], $0x1  }
0xc3: {  	[sflag:s29] =	ssyncadd.s32 $0xFFFFFFFF  }
0xc4: {  	_ =	strace $0x9000004B  }
0xc5: {  	_ =	sfence  }
0xc6: {  	s30 =	sld [smem:$0x0];
	_ =	sdelay $0x2  }
0xc7: {  	s31 =	sshll.u32 s1, $0xD;
	s1 =	sshrl.u32 s1, $0x2  }
0xc8: {  	s4 =	sand.u32 $0x4000, s31;
	s1 =	sadd.s32 s1, s30  }
0xc9: {  	s0 =	sor.u32 s4, s0;
	s1 =	sshll.u32 s1, $0x11  }
0xca: {  	s0 =	sor.u32 s1, s0  }
0xcb: {  	s0 =	sadd.s32 $0x8F2B, s0  }
0xcc: {  	[sflag:s0] =	ssyncadd.remote.s32 $0x1  }
0xcd: {  	_ =	sfence.sel $0xFFFF  }
0xce: {  	[dreg:$0x0] =	wrdreg $0xFFFFFFFF;
	(pc) =	sbr.abs _section_cstart, $3  }
0xcf: {  	[dreg:$0x1] =	wrdreg $0xFFFFFFFF  }
0xd0: {  	_ =	task.clear_ibuf [dreg:s22], $0x2FFFF;
	_ =	strace $0x9FFFFFFF  }
0xd1: {  	(tm) =	ssettm $0x7FFFFFFF  }
tec
execute0_lowered:
.L_overlay_start_1:
0x0: {  	(tag) =	ssettag $0x1  }
0x1: {  	s0 =	rddreg [dreg:$0x0]  }
0x2: {  	s2 =	rddreg [dreg:$0x1]  }
0x3: {  	s1 =	srdreg.scid;
	s8 =	stileid.u32  }
0x4: {  	s3 =	simm.s32 $0x0;
	s17 =	simm.s32 $0x400;
	s18 =	simm.s32 $0x1  }
0x5: {  	s19 =	simm.s32 $0x200;
	s20 =	simm.s32 $0x800;
	s28 =	simm.s32 $0x3  }
0x6: {  	s29 =	simm.s32 $0x4;
	s30 =	simm.s32 $0x0;
	s1 =	sand.u32 $0x1, s1  }
0x7: {  	s4 =	sshll.u32 s8, $0x1;
	[smem:$0x7FF] =	sst s3;
	s8 =	smul.u32 $0x9000, s8  }
0x8: {  	s4 =	sor.u32 s1, s4;
	s6 =	ssub.s32 $0x2, s1;
	s1 =	smul.u32 $0x4800, s1  }
0x9: {  	s5 =	sadd.s32 $0xB4E00, s0;
	s7 =	smul.u32 $0x4800, s4;
	s21 =	sshrl.u32 s6, $0x1  }
0xa: {  	_ =	strace $0x8000004A;
	s4 =	sadd.s32 $0xA2E00, s0;
	s0 =	ssub.s32 s6, s21  }
0xb: {  	s1 =	sadd.s32 s1, s8;
	s21 =	simm.s32 $0xA00;
	s7 =	sshrl.u32 s7, $0x3  }
0xc: {  	s0 =	smax.u32 s0, $0x1;
	s26 =	sadd.s32 $0x1000, s1;
	s15 =	sadd.s32 $0x800, s1  }
0xd: {  	s22 =	sadd.s32 s4, s7;
	s10 =	sor.u32 $0x80, s7;
	[dreg:$0x4] =	wrdreg s0  }
0xe: {  	s9 =	sadd.s32 s5, s7;
	s25 =	sadd.s32 $0x880, s7;
	s31 =	sshrl.u32 s26, $0x3  }
0xf: {  	s26 =	simm.s32 $0xE00;
	s23 =	sadd.s32 s4, s10;
	[dreg:$0x3] =	wrdreg s22  }
0x10: {  	s24 =	sadd.s32 $0x100, s22;
	s11 =	sadd.s32 s5, s10;
	s12 =	sadd.s32 s4, s25  }
0x11: {  	s13 =	sadd.s32 $0x800, s9;
	s14 =	sadd.s32 s5, s25;
	s16 =	sadd.s32 s31, s4  }
0x12: {  	s22 =	simm.s32 $0x5;
	s25 =	simm.s32 $0x600;
	[dreg:$0x5] =	wrdreg s23  }
0x13: {  	[dreg:$0x6] =	wrdreg s24;
	s23 =	simm.s32 $0x2;
	s24 =	simm.s32 $0xC00  }
.LBB2_1:
0x14: {  	s0 =	rddreg [dreg:$0x3]  }
0x15: {  	[tilespmem:s3], [sflag:$0x1] =	stream.linear.gather [hbm4b:s0+s3], $0x400, $0x38;
	[tilespmem:$0x1000] =	vst v63  }
0x16: {  	s6 =	rddreg [dreg:$0x5]  }
0x17: {  	[tilespmem:s17], [sflag:$0x2] =	stream.linear.gather [hbm4b:s6+s3], $0x400, $0x38;
	[tilespmem:$0x1000] =	vst v63  }
0x18: {  	_ =	swait.ge [sflag:s18], $0x400  }
0x19: {  	[sflag:s18] =	ssyncset.done $0x0  }
0x1a: {  	[sflag:s18] =	ssyncadd.s32 $0xFFFFFC00  }
0x1b: {  	[tilespmem:s20], [sflag:$0x5] =	stream.indirect.gather [hbm4b:s2+s19], $0x1, s3, s19, $0xb8;
	[tilespmem:$0x1000] =	vst v63  }
0x1c: {  	_ = 	snop  }
0x1d: {  	[tilespmem:s21], [sflag:$0x5] =	stream.indirect.gather [hbm4b:s2+s19], $0x1, s19, s19, $0xb8;
	[tilespmem:$0x1000] =	vst v63  }
0x1e: {  	_ =	swait.ge [sflag:s22], $0x200  }
0x1f: {  	[sflag:s22] =	ssyncset.done $0x0  }
0x20: {  	[sflag:s22] =	ssyncadd.s32 $0xFFFFFE00  }
0x21: {  	_ =	swait.ge [sflag:s22], $0x200  }
0x22: {  	[sflag:s22] =	ssyncset.done $0x0  }
0x23: {  	[sflag:s22] =	ssyncadd.s32 $0xFFFFFE00  }
0x24: {  	[hbm4b:s9+s3] =	stream.linear.scatter [tilespmem:s20], [sflag:$0x3], $0x400, $0x38;
	[tilespmem:$0x1000] =	vst v63  }
0x25: {  	s7 =	rddreg [dreg:$0x6]  }
0x26: {  	[tilespmem:s3], [sflag:$0x1] =	stream.linear.gather [hbm4b:s7+s3], $0x400, $0x38;
	[tilespmem:$0x1000] =	vst v63  }
0x27: {  	_ =	swait.ge [sflag:s23], $0x400  }
0x28: {  	[sflag:s23] =	ssyncset.done $0x0  }
0x29: {  	[sflag:s23] =	ssyncadd.s32 $0xFFFFFC00  }
0x2a: {  	[tilespmem:s24], [sflag:$0x5] =	stream.indirect.gather [hbm4b:s2+s19], $0x1, s17, s19, $0xb8;
	[tilespmem:$0x1000] =	vst v63  }
0x2b: {  	_ = 	snop  }
0x2c: {  	[tilespmem:s26], [sflag:$0x5] =	stream.indirect.gather [hbm4b:s2+s19], $0x1, s25, s19, $0xb8;
	[tilespmem:$0x1000] =	vst v63  }
0x2d: {  	_ =	swait.ge [sflag:s22], $0x200  }
0x2e: {  	[sflag:s22] =	ssyncset.done $0x0  }
0x2f: {  	[sflag:s22] =	ssyncadd.s32 $0xFFFFFE00  }
0x30: {  	_ =	swait.ge [sflag:s22], $0x200  }
0x31: {  	s8 =	sshrl.u32 s15, $0x3;
	[sflag:s22] =	ssyncset.done $0x0  }
0x32: {  	s7 =	sor.u32 $0x80, s8;
	[sflag:s22] =	ssyncadd.s32 $0xFFFFFE00  }
0x33: {  	[hbm4b:s11+s3] =	stream.linear.scatter [tilespmem:s24], [sflag:$0x4], $0x400, $0x38;
	[tilespmem:$0x1000] =	vst v63  }
0x34: {  	s1 =	sadd.s32 s4, s7  }
0x35: {  	[tilespmem:s17], [sflag:$0x2] =	stream.linear.gather [hbm4b:s1+s3], $0x400, $0x38;
	[tilespmem:$0x1000] =	vst v63  }
0x36: {  	_ =	swait.ge [sflag:s18], $0x400  }
0x37: {  	[sflag:s18] =	ssyncset.done $0x0  }
0x38: {  	[sflag:s18] =	ssyncadd.s32 $0xFFFFFC00  }
0x39: {  	_ =	swait.ge [sflag:s28], $0x400  }
0x3a: {  	[sflag:s28] =	ssyncset.done $0x0  }
0x3b: {  	[sflag:s28] =	ssyncadd.s32 $0xFFFFFC00  }
0x3c: {  	[tilespmem:s20], [sflag:$0x5] =	stream.indirect.gather [hbm4b:s2+s19], $0x1, s3, s19, $0xb8;
	[tilespmem:$0x1000] =	vst v63  }
0x3d: {  	_ = 	snop  }
0x3e: {  	[tilespmem:s21], [sflag:$0x5] =	stream.indirect.gather [hbm4b:s2+s19], $0x1, s19, s19, $0xb8;
	[tilespmem:$0x1000] =	vst v63  }
0x3f: {  	_ =	swait.ge [sflag:s22], $0x200  }
0x40: {  	[sflag:s22] =	ssyncset.done $0x0  }
0x41: {  	[sflag:s22] =	ssyncadd.s32 $0xFFFFFE00  }
0x42: {  	_ =	swait.ge [sflag:s22], $0x200  }
0x43: {  	[sflag:s22] =	ssyncset.done $0x0  }
0x44: {  	s0 =	sadd.s32 s5, s8;
	[sflag:s22] =	ssyncadd.s32 $0xFFFFFE00  }
0x45: {  	[hbm4b:s0+s3] =	stream.linear.scatter [tilespmem:s20], [sflag:$0x3], $0x400, $0x38;
	[tilespmem:$0x1000] =	vst v63  }
0x46: {  	s10 =	sadd.s32 $0x0, s16  }
0x47: {  	[tilespmem:s3], [sflag:$0x1] =	stream.linear.gather [hbm4b:s10+s3], $0x400, $0x38;
	[tilespmem:$0x1000] =	vst v63  }
0x48: {  	_ =	swait.ge [sflag:s23], $0x400  }
0x49: {  	[sflag:s23] =	ssyncset.done $0x0  }
0x4a: {  	[sflag:s23] =	ssyncadd.s32 $0xFFFFFC00  }
0x4b: {  	_ =	swait.ge [sflag:s29], $0x400  }
0x4c: {  	[sflag:s29] =	ssyncset.done $0x0  }
0x4d: {  	[sflag:s29] =	ssyncadd.s32 $0xFFFFFC00  }
0x4e: {  	[tilespmem:s24], [sflag:$0x5] =	stream.indirect.gather [hbm4b:s2+s19], $0x1, s17, s19, $0xb8;
	[tilespmem:$0x1000] =	vst v63  }
0x4f: {  	_ = 	snop  }
0x50: {  	[tilespmem:s26], [sflag:$0x5] =	stream.indirect.gather [hbm4b:s2+s19], $0x1, s25, s19, $0xb8;
	[tilespmem:$0x1000] =	vst v63  }
0x51: {  	_ =	swait.ge [sflag:s22], $0x200  }
0x52: {  	[sflag:s22] =	ssyncset.done $0x0  }
0x53: {  	s1 =	sadd.s32 $0x800, s15;
	[sflag:s22] =	ssyncadd.s32 $0xFFFFFE00  }
0x54: {  	s31 =	simm.s32 $0x100;
	s8 =	sshrl.u32 s1, $0x3;
	_ =	swait.ge [sflag:s22], $0x200  }
0x55: {  	s0 =	simm.s32 $0x200;
	s10 =	sadd.s32 s5, s7;
	[sflag:s22] =	ssyncset.done $0x0  }
.LBB2_2:
0x56: {  	p0 =	sne.s32 s0, $0x600;
	s7 =	sor.u32 $0x80, s8;
	[sflag:s22] =	ssyncadd.s32 $0xFFFFFE00  }
0x57: {  	[hbm4b:s10+s3] =	stream.linear.scatter [tilespmem:s24], [sflag:$0x4], $0x400, $0x38;
	[tilespmem:$0x1000] =	vst v63  }
0x58: {  	s6 =	smov.u32 s0;
	s0 =	sadd.s32 $0x100, s0;
	s10 =	sadd.s32 s4, s7  }
0x59: {  	[tilespmem:s17], [sflag:$0x2] =	stream.linear.gather [hbm4b:s10+s3], $0x400, $0x38;
	[tilespmem:$0x1000] =	vst v63  }
0x5a: {  	_ =	swait.ge [sflag:s18], $0x400  }
0x5b: {  	[sflag:s18] =	ssyncset.done $0x0  }
0x5c: {  	[sflag:s18] =	ssyncadd.s32 $0xFFFFFC00  }
0x5d: {  	_ =	swait.ge [sflag:s28], $0x400  }
0x5e: {  	[sflag:s28] =	ssyncset.done $0x0  }
0x5f: {  	[sflag:s28] =	ssyncadd.s32 $0xFFFFFC00  }
0x60: {  	[tilespmem:s20], [sflag:$0x5] =	stream.indirect.gather [hbm4b:s2+s19], $0x1, s3, s19, $0xb8;
	[tilespmem:$0x1000] =	vst v63  }
0x61: {  	_ = 	snop  }
0x62: {  	[tilespmem:s21], [sflag:$0x5] =	stream.indirect.gather [hbm4b:s2+s19], $0x1, s19, s19, $0xb8;
	[tilespmem:$0x1000] =	vst v63  }
0x63: {  	_ =	swait.ge [sflag:s22], $0x200  }
0x64: {  	[sflag:s22] =	ssyncset.done $0x0  }
0x65: {  	[sflag:s22] =	ssyncadd.s32 $0xFFFFFE00  }
0x66: {  	_ =	swait.ge [sflag:s22], $0x200  }
0x67: {  	[sflag:s22] =	ssyncset.done $0x0  }
0x68: {  	s8 =	sadd.s32 s5, s8;
	[sflag:s22] =	ssyncadd.s32 $0xFFFFFE00  }
0x69: {  	[hbm4b:s8+s3] =	stream.linear.scatter [tilespmem:s20], [sflag:$0x3], $0x400, $0x38;
	[tilespmem:$0x1000] =	vst v63  }
0x6a: {  	s8 =	sadd.s32 s31, s16;
	s31 =	smov.u32 s6  }
0x6b: {  	[tilespmem:s3], [sflag:$0x1] =	stream.linear.gather [hbm4b:s8+s3], $0x400, $0x38;
	[tilespmem:$0x1000] =	vst v63  }
0x6c: {  	_ =	swait.ge [sflag:s23], $0x400  }
0x6d: {  	[sflag:s23] =	ssyncset.done $0x0  }
0x6e: {  	[sflag:s23] =	ssyncadd.s32 $0xFFFFFC00  }
0x6f: {  	_ =	swait.ge [sflag:s29], $0x400  }
0x70: {  	[sflag:s29] =	ssyncset.done $0x0  }
0x71: {  	[sflag:s29] =	ssyncadd.s32 $0xFFFFFC00  }
0x72: {  	[tilespmem:s24], [sflag:$0x5] =	stream.indirect.gather [hbm4b:s2+s19], $0x1, s17, s19, $0xb8;
	[tilespmem:$0x1000] =	vst v63  }
0x73: {  	_ = 	snop  }
0x74: {  	[tilespmem:s26], [sflag:$0x5] =	stream.indirect.gather [hbm4b:s2+s19], $0x1, s25, s19, $0xb8;
	[tilespmem:$0x1000] =	vst v63  }
.Ltmp0:
0x75: {  	_ =	swait.ge [sflag:s22], $0x200;
	(pc) =	sbr.rel @p0 .LBB2_2-.Ltmp0, $4  }
0x76: {  	[sflag:s22] =	ssyncset.done $0x0  }
0x77: {  	[sflag:s22] =	ssyncadd.s32 $0xFFFFFE00  }
0x78: {  	s1 =	sadd.s32 $0x800, s1;
	_ =	swait.ge [sflag:s22], $0x200  }
0x79: {  	s10 =	sadd.s32 s5, s7;
	s8 =	sshrl.u32 s1, $0x3;
	[sflag:s22] =	ssyncset.done $0x0  }
0x7a: {  	s0 =	sor.u32 $0x80, s8;
	[sflag:s22] =	ssyncadd.s32 $0xFFFFFE00  }
0x7b: {  	[hbm4b:s10+s3] =	stream.linear.scatter [tilespmem:s24], [sflag:$0x4], $0x400, $0x38;
	[tilespmem:$0x1000] =	vst v63  }
0x7c: {  	s1 =	sadd.s32 s4, s0  }
0x7d: {  	[tilespmem:s17], [sflag:$0x2] =	stream.linear.gather [hbm4b:s1+s3], $0x400, $0x38;
	[tilespmem:$0x1000] =	vst v63  }
0x7e: {  	_ =	swait.ge [sflag:s18], $0x400  }
0x7f: {  	[sflag:s18] =	ssyncset.done $0x0  }
0x80: {  	[sflag:s18] =	ssyncadd.s32 $0xFFFFFC00  }
0x81: {  	_ =	swait.ge [sflag:s28], $0x400  }
0x82: {  	[sflag:s28] =	ssyncset.done $0x0  }
0x83: {  	[sflag:s28] =	ssyncadd.s32 $0xFFFFFC00  }
0x84: {  	[tilespmem:s20], [sflag:$0x5] =	stream.indirect.gather [hbm4b:s2+s19], $0x1, s3, s19, $0xb8;
	[tilespmem:$0x1000] =	vst v63  }
0x85: {  	_ = 	snop  }
0x86: {  	[tilespmem:s21], [sflag:$0x5] =	stream.indirect.gather [hbm4b:s2+s19], $0x1, s19, s19, $0xb8;
	[tilespmem:$0x1000] =	vst v63  }
0x87: {  	_ =	swait.ge [sflag:s22], $0x200  }
0x88: {  	[sflag:s22] =	ssyncset.done $0x0  }
0x89: {  	[sflag:s22] =	ssyncadd.s32 $0xFFFFFE00  }
0x8a: {  	_ =	swait.ge [sflag:s22], $0x200  }
0x8b: {  	[sflag:s22] =	ssyncset.done $0x0  }
0x8c: {  	s8 =	sadd.s32 s5, s8;
	[sflag:s22] =	ssyncadd.s32 $0xFFFFFE00  }
0x8d: {  	[hbm4b:s8+s3] =	stream.linear.scatter [tilespmem:s20], [sflag:$0x3], $0x400, $0x38;
	[tilespmem:$0x1000] =	vst v63  }
0x8e: {  	s10 =	sadd.s32 s31, s16  }
0x8f: {  	[tilespmem:s3], [sflag:$0x1] =	stream.linear.gather [hbm4b:s10+s3], $0x400, $0x38;
	[tilespmem:$0x1000] =	vst v63  }
0x90: {  	_ =	swait.ge [sflag:s23], $0x400  }
0x91: {  	[sflag:s23] =	ssyncset.done $0x0  }
0x92: {  	[sflag:s23] =	ssyncadd.s32 $0xFFFFFC00  }
0x93: {  	_ =	swait.ge [sflag:s29], $0x400  }
0x94: {  	[sflag:s29] =	ssyncset.done $0x0  }
0x95: {  	[sflag:s29] =	ssyncadd.s32 $0xFFFFFC00  }
0x96: {  	[tilespmem:s24], [sflag:$0x5] =	stream.indirect.gather [hbm4b:s2+s19], $0x1, s17, s19, $0xb8;
	[tilespmem:$0x1000] =	vst v63  }
0x97: {  	_ = 	snop  }
0x98: {  	[tilespmem:s26], [sflag:$0x5] =	stream.indirect.gather [hbm4b:s2+s19], $0x1, s25, s19, $0xb8;
	[tilespmem:$0x1000] =	vst v63  }
0x99: {  	_ =	swait.ge [sflag:s22], $0x200  }
0x9a: {  	[sflag:s22] =	ssyncset.done $0x0  }
0x9b: {  	[sflag:s22] =	ssyncadd.s32 $0xFFFFFE00  }
0x9c: {  	_ =	swait.ge [sflag:s22], $0x200  }
0x9d: {  	[sflag:s22] =	ssyncset.done $0x0  }
0x9e: {  	s0 =	sadd.s32 s5, s0;
	[sflag:s22] =	ssyncadd.s32 $0xFFFFFE00  }
0x9f: {  	[hbm4b:s0+s3] =	stream.linear.scatter [tilespmem:s24], [sflag:$0x4], $0x400, $0x38;
	[tilespmem:$0x1000] =	vst v63  }
0xa0: {  	_ = 	snop  }
0xa1: {  	[tilespmem:s17], [sflag:$0x2] =	stream.linear.gather [hbm4b:s12+s3], $0x400, $0x38;
	[tilespmem:$0x1000] =	vst v63  }
0xa2: {  	_ =	swait.ge [sflag:s18], $0x400  }
0xa3: {  	[sflag:s18] =	ssyncset.done $0x0  }
0xa4: {  	[sflag:s18] =	ssyncadd.s32 $0xFFFFFC00  }
0xa5: {  	_ =	swait.ge [sflag:s28], $0x400  }
0xa6: {  	[sflag:s28] =	ssyncset.done $0x0  }
0xa7: {  	[sflag:s28] =	ssyncadd.s32 $0xFFFFFC00  }
0xa8: {  	[tilespmem:s20], [sflag:$0x5] =	stream.indirect.gather [hbm4b:s2+s19], $0x1, s3, s19, $0xb8;
	[tilespmem:$0x1000] =	vst v63  }
0xa9: {  	_ = 	snop  }
0xaa: {  	[tilespmem:s21], [sflag:$0x5] =	stream.indirect.gather [hbm4b:s2+s19], $0x1, s19, s19, $0xb8;
	[tilespmem:$0x1000] =	vst v63  }
0xab: {  	_ =	swait.ge [sflag:s22], $0x200  }
0xac: {  	[sflag:s22] =	ssyncset.done $0x0  }
0xad: {  	[sflag:s22] =	ssyncadd.s32 $0xFFFFFE00  }
0xae: {  	_ =	swait.ge [sflag:s22], $0x200  }
0xaf: {  	[sflag:s22] =	ssyncset.done $0x0  }
0xb0: {  	[sflag:s22] =	ssyncadd.s32 $0xFFFFFE00  }
0xb1: {  	[hbm4b:s13+s3] =	stream.linear.scatter [tilespmem:s20], [sflag:$0x3], $0x400, $0x38;
	[tilespmem:$0x1000] =	vst v63  }
0xb2: {  	_ =	swait.ge [sflag:s23], $0x400  }
0xb3: {  	[sflag:s23] =	ssyncset.done $0x0  }
0xb4: {  	[sflag:s23] =	ssyncadd.s32 $0xFFFFFC00  }
0xb5: {  	_ =	swait.ge [sflag:s29], $0x400  }
0xb6: {  	[sflag:s29] =	ssyncset.done $0x0  }
0xb7: {  	[sflag:s29] =	ssyncadd.s32 $0xFFFFFC00  }
0xb8: {  	[tilespmem:s24], [sflag:$0x5] =	stream.indirect.gather [hbm4b:s2+s19], $0x1, s17, s19, $0xb8;
	[tilespmem:$0x1000] =	vst v63  }
0xb9: {  	_ = 	snop  }
0xba: {  	[tilespmem:s26], [sflag:$0x5] =	stream.indirect.gather [hbm4b:s2+s19], $0x1, s25, s19, $0xb8;
	[tilespmem:$0x1000] =	vst v63  }
0xbb: {  	_ =	swait.ge [sflag:s22], $0x200  }
0xbc: {  	[sflag:s22] =	ssyncset.done $0x0  }
0xbd: {  	[sflag:s22] =	ssyncadd.s32 $0xFFFFFE00  }
0xbe: {  	_ =	swait.ge [sflag:s22], $0x200  }
0xbf: {  	[sflag:s22] =	ssyncset.done $0x0  }
0xc0: {  	[sflag:s22] =	ssyncadd.s32 $0xFFFFFE00  }
0xc1: {  	[hbm4b:s14+s3] =	stream.linear.scatter [tilespmem:s24], [sflag:$0x4], $0x400, $0x38;
	[tilespmem:$0x1000] =	vst v63  }
0xc2: {  	_ =	swait.ge [sflag:s28], $0x400  }
0xc3: {  	[sflag:s28] =	ssyncset.done $0x0  }
0xc4: {  	[sflag:s28] =	ssyncadd.s32 $0xFFFFFC00  }
0xc5: {  	_ =	swait.ge [sflag:s29], $0x400  }
0xc6: {  	s30 =	sadd.s32 $0x1, s30;
	s31 =	rddreg [dreg:$0x4]  }
0xc7: {  	p0 =	sne.s32 s30, s31  }
.Ltmp1:
0xc8: {  	_ = 	snop;
	(pc) =	sbr.rel @p0 .LBB2_1-.Ltmp1, $3  }
0xc9: {  	_ =	sdelay $0x1  }
0xca: {  	[sflag:s29] =	ssyncset.done $0x0  }
0xcb: {  	[sflag:s29] =	ssyncadd.s32 $0xFFFFFC00  }
0xcc: {  	_ =	sfence.sel $0x180000  }
0xcd: {  	[bflag:$0x0] =	sbarrier.arrive $0xFFFF  }
0xce: {  	_ =	strace $0x9000004A  }
0xcf: {  	s0 =	stileid.u32;
	[bflag:$0x2] =	sbarrier.arrive $0xFFFF  }
0xd0: {  	p0 =	sne.s32 s0, $0x0;
	s0 =	rddreg [dreg:$0x2]  }
0xd1: {  	s0 =	sadd.s32 @!p0 $0x100000, s0  }
0xd2: {  	[sflag:s0] =	ssyncadd.tile.s32 @!p0 $0x1;
	_ =	shalt  }
.Lfunc_end2:
_tile_overlayer_lowered:
.L_overlay_start_2:
0xd3: {  	(tag) =	ssettag $0x2  }
0xd4: {  	s0 =	rddreg [dreg:$0x0];
	s2 =	stileid.u32  }
0xd5: {  	s1 =	rddreg [dreg:$0x1];
	p0 =	sne.s32 s2, $0x0  }
0xd6: {  	s3 =	rddreg [dreg:$0x2];
	[bflag:$0x3] =	sbarrier.arrive $0xFFFF;
	s2 =	simm.s32 @!p0 $0x1C06  }
0xd7: {  	[timem:s3], [sflag:s2] =	dma.local @!p0 [hbm:s0], s1  }
0xd8: {  	s0 =	simm.s32 @!p0 $0x6  }
0xd9: {  	_ =	swait.ge @!p0 [sflag:s0], s1  }
0xda: {  	s1 =	ssub.s32 @!p0 $0x0, s1;
	[sflag:s0] =	ssyncset.done @!p0 $0x0  }
0xdb: {  	[sflag:s0] =	ssyncadd.s32 @!p0 s1  }
0xdc: {  	[bflag:$0x3] =	sbarrier.arrive $0xFFFF  }
0xdd: {  	_ =	shalt  }

// kernel: kernel.13.cloned.1.call-start
scs
__scs_entry_jumppad:
0x0: {  	(pc) =	sbr.rel $0x88, $3  }
0x1: {  	(tag) =	ssettag $0x0;
	lr =	simm.s32 $0x1  }
0x2: {  	[smem:$0x3F9C] =	sst lr;
	_ =	strace $0xD0000000  }
0x3: {  	_ = 	snop  }
0x4: {  	_ = 	snop  }
0x5: {  	_ = 	snop  }
0x6: {  	_ = 	snop  }
0x7: {  	_ = 	snop  }
__scs_overlays_trampoline_lowered:
0x8: {  	[smem:$0x3FAB] =	sst s0  }
0x9: {  	[smem:$0x3FAC] =	sst s1  }
0xa: {  	[smem:$0x3FAD] =	sst s2  }
0xb: {  	[smem:$0x3FAE] =	sst s3  }
0xc: {  	[smem:$0x3FAF] =	sst s4  }
0xd: {  	[smem:$0x3FB0] =	sst s5  }
0xe: {  	[smem:$0x3FB1] =	sst s6  }
0xf: {  	[smem:$0x3FB2] =	sst s7  }
0x10: {  	[smem:$0x3FB3] =	sst s8  }
0x11: {  	[smem:$0x3FB4] =	sst s9;
	s0 =	simm.s32 @!p0 $0x0  }
0x12: {  	s1 =	sld [smem:$0x3F9A];
	s0 =	simm.s32 @p0 $0x1  }
0x13: {  	[smem:$0x3FB5] =	sst s0;
	s0 =	simm.s32 @!p1 $0x0  }
0x14: {  	s2 =	sld [smem:$0x3F99];
	s0 =	simm.s32 @p1 $0x1  }
0x15: {  	[smem:$0x3FB6] =	sst s0;
	s0 =	simm.s32 @!p2 $0x0  }
0x16: {  	s3 =	sld [smem:$0x3FDB];
	s0 =	simm.s32 @p2 $0x1  }
0x17: {  	s4 =	simm.s32 $0x1BF5;
	[smem:$0x3FB8] =	sst s0  }
0x18: {  	s0 =	sld [smem:$0x3F9B];
	_ =	swait.ge [sflag:s4], $0x0  }
0x19: {  	s7 =	sld [smem:$0x3F9C]  }
0x1a: {  	s8 =	sadd.s32 $0xFFFFE003, lr  }
0x1b: {  	s9 =	sadd.s32 $0xFFFFFEF7, lr;
	s5 =	simm.s32 $0xFFFFFFFF;
	p2 =	slt.u32 s8, $0xFFFFF086  }
0x1c: {  	p1 =	slt.u32 s9, $0xF7A;
	s5 =	simm.s32 @!p2 $0x0  }
0x1d: {  	s5 =	simm.s32 @p1 $0x1;
	p0 =	seq.s32 s7, s2  }
0x1e: {  	s7 =	smul.u32 @!p0 $0xF7A, s2;
	p2 =	seq.s32 @!p0 s5, $0x0  }
0x1f: {  	s9 =	smul.u32 $0xF7A, s1;
	s8 =	simm.s32 @!p0 $0x1BF5;
	p2 =	por !p2, p0  }
0x20: {  	[sflag:s8] =	ssyncset.s32 @!p0 $0xFFFFF086;
	s6 =	sadd.s32 @!p0 s3, s7;
	s7 =	simm.s32 @!p0 $0x108  }
0x21: {  	s3 =	sadd.s32 s3, s9;
	s6 =	sadd.s32 @!p0 $0x88, s6;
	s7 =	simm.s32 @p2 $0x1082  }
0x22: {  	[simem:s7], [sflag:s8] =	dma.local @!p0 [hbm:s6], $0xF7A  }
0x23: {  	s9 =	sor.u32 $0xD0000000, s2;
	s6 =	simm.s32 $0x108;
	_ =	swait.ge @!p0 [sflag:s8], $0x0  }
0x24: {  	s3 =	sadd.s32 $0x88, s3;
	s6 =	simm.s32 @!p1 $0x1082;
	[sflag:s4] =	ssyncset.s32 $0xFFFFF086  }
0x25: {  	[simem:s6], [sflag:s4] =	dma.local [hbm:s3], $0xF7A  }
0x26: {  	[smem:$0x3F9C] =	sst s1;
	(tag) =	ssettag s2;
	_ =	strace s9  }
0x27: {  	s1 =	sld [smem:$0x3FAC]  }
0x28: {  	s2 =	sld [smem:$0x3FAD]  }
0x29: {  	s4 =	sld [smem:$0x3FAF]  }
0x2a: {  	p0 =	seq.s32 s5, $0x0;
	s5 =	sld [smem:$0x3FB0]  }
0x2b: {  	s6 =	sld [smem:$0x3FB1]  }
0x2c: {  	s7 =	sld [smem:$0x3FB2]  }
0x2d: {  	s3 =	simm.s32 $0x108;
	s8 =	sld [smem:$0x3FB3]  }
0x2e: {  	s3 =	simm.s32 @!p0 $0x1082;
	s9 =	sld [smem:$0x3FB4]  }
0x2f: {  	lr =	sadd.s32 s0, s3;
	s0 =	sld [smem:$0x3FAB]  }
0x30: {  	s3 =	sld [smem:$0x3FAE]  }
0x31: {  	[smem:$0x3FB7] =	sst s10  }
0x32: {  	s10 =	sld [smem:$0x3FB5];
	_ =	sdelay $0x3  }
0x33: {  	p0 =	seq.s32 s10, $0x1;
	s10 =	sld [smem:$0x3FB7];
	_ =	sdelay $0x3  }
0x34: {  	[smem:$0x3FB7] =	sst s10  }
0x35: {  	s10 =	sld [smem:$0x3FB6];
	_ =	sdelay $0x3  }
0x36: {  	p1 =	seq.s32 s10, $0x1;
	s10 =	sld [smem:$0x3FB7];
	_ =	sdelay $0x3  }
0x37: {  	[smem:$0x3FB7] =	sst s10  }
0x38: {  	s10 =	sld [smem:$0x3FB8]  }
0x39: {  	_ = 	snop;
	(pc) =	sbr.ind lr, $3  }
0x3a: {  	_ = 	snop  }
0x3b: {  	_ = 	snop  }
0x3c: {  	p2 =	seq.s32 s10, $0x1;
	s10 =	sld [smem:$0x3FB7]  }
0x3d: {  	_ =	shalt  }
0x3e: {  	_ =	shalt  }
0x3f: {  	_ =	shalt  }
0x40: {  	_ =	shalt  }
0x41: {  	_ =	shalt  }
0x42: {  	_ =	shalt  }
0x43: {  	_ =	shalt  }
0x44: {  	_ =	shalt  }
0x45: {  	_ =	shalt  }
0x46: {  	_ =	shalt  }
0x47: {  	_ =	shalt  }
0x48: {  	_ =	shalt  }
0x49: {  	_ =	shalt  }
0x4a: {  	_ =	shalt  }
0x4b: {  	_ =	shalt  }
0x4c: {  	_ =	shalt  }
0x4d: {  	_ =	shalt  }
0x4e: {  	_ =	shalt  }
0x4f: {  	_ =	shalt  }
0x50: {  	_ =	shalt  }
0x51: {  	_ =	shalt  }
0x52: {  	_ =	shalt  }
0x53: {  	_ =	shalt  }
0x54: {  	_ =	shalt  }
0x55: {  	_ =	shalt  }
0x56: {  	_ =	shalt  }
0x57: {  	_ =	shalt  }
0x58: {  	_ =	shalt  }
0x59: {  	_ =	shalt  }
0x5a: {  	_ =	shalt  }
0x5b: {  	_ =	shalt  }
0x5c: {  	_ =	shalt  }
0x5d: {  	_ =	shalt  }
0x5e: {  	_ =	shalt  }
0x5f: {  	_ =	shalt  }
0x60: {  	_ =	shalt  }
0x61: {  	_ =	shalt  }
0x62: {  	_ =	shalt  }
0x63: {  	_ =	shalt  }
0x64: {  	_ =	shalt  }
0x65: {  	_ =	shalt  }
0x66: {  	_ =	shalt  }
0x67: {  	_ =	shalt  }
0x68: {  	_ =	shalt  }
0x69: {  	_ =	shalt  }
0x6a: {  	_ =	shalt  }
0x6b: {  	_ =	shalt  }
0x6c: {  	_ =	shalt  }
0x6d: {  	_ =	shalt  }
0x6e: {  	_ =	shalt  }
0x6f: {  	_ =	shalt  }
0x70: {  	_ =	shalt  }
0x71: {  	_ =	shalt  }
0x72: {  	_ =	shalt  }
0x73: {  	_ =	shalt  }
0x74: {  	_ =	shalt  }
0x75: {  	_ =	shalt  }
0x76: {  	_ =	shalt  }
0x77: {  	_ =	shalt  }
0x78: {  	_ =	shalt  }
0x79: {  	_ =	shalt  }
0x7a: {  	_ =	shalt  }
0x7b: {  	_ =	shalt  }
0x7c: {  	_ =	shalt  }
0x7d: {  	_ =	shalt  }
0x7e: {  	_ =	shalt  }
0x7f: {  	_ =	shalt  }
0x80: {  	_ =	shalt  }
0x81: {  	_ =	shalt  }
0x82: {  	_ =	shalt  }
0x83: {  	_ =	shalt  }
0x84: {  	_ =	shalt  }
0x85: {  	_ =	shalt  }
0x86: {  	_ =	shalt  }
0x87: {  	_ =	shalt  }
.Lfunc_end0:
.L_simem_size_0:
called_computation.1_lowered:
.L_overlay_start_0:
0x88: {  	s2 =	sld [smem:$0x3FD9]  }
0x89: {  	s3 =	sld [smem:$0x3FFE];
	_ =	sdelay $0x1  }
0x8a: {  	s1 =	srdreg.scid  }
0x8b: {  	s0 =	sand.u32 $0x1, s1  }
0x8c: {  	s17 =	sshll.u32 s0, $0xA;
	s2 =	sadd.s32 s3, s2  }
0x8d: {  	s2 =	sadd.s32 s2, s17  }
0x8e: {  	[smem:$0x3FC3] =	sst s2  }
0x8f: {  	_ = 	snop  }
0x90: {  	s18 =	sld [smem:$0x3FC6];
	(tm) =	ssettm $0x1  }
0x91: {  	s19 =	sld [smem:$0x3FFB];
	_ =	sdelay $0x3  }
0x92: {  	_ =	strace s19  }
0x93: {  	s2 =	sld [smem:$0x3FFC];
	_ =	sdelay $0x3  }
0x94: {  	_ =	strace s2  }
0x95: {  	s2 =	sld [smem:$0x3FFD];
	_ =	sdelay $0x3  }
0x96: {  	_ =	strace s2  }
0x97: {  	_ =	strace $0x8FFFFFFF  }
0x98: {  	s20 =	sld [smem:$0x3FDB];
	_ =	sdelay $0x1  }
0x99: {  	s4 =	simm.s32 $_scs_section_size  }
0x9a: {  	s5 =	simm.s32 $_size__tile_overlayer_lowered;
	s6 =	simm.s32 $_tile_overlayer_lowered  }
0x9b: {  	s7 =	simm.s32 $0x1BFF;
	s21 =	sshll.u32 s6, $0x1;
	s4 =	sadd.s32 s4, s20  }
0x9c: {  	s22 =	simm.s32 $0x0;
	s5 =	sshll.u32 s5, $0x1;
	s6 =	sadd.s32 s21, s4  }
0x9d: {  	[timem:s22], [sflag:s7] =	dma.local [hbm:s6], s5  }
0x9e: {  	_ =	swait.ge [sflag:s7], s5  }
0x9f: {  	s5 =	ssub.s32 $0x0, s5;
	[sflag:s7] =	ssyncset.done $0x0  }
0xa0: {  	[sflag:s7] =	ssyncadd.s32 s5;
	_ =	sdelay $0x1  }
0xa1: {  	s23 =	simm.s32 $0x1B8B  }
0xa2: {  	_ =	swait.ge [sflag:s23], $0x1  }
0xa3: {  	[sflag:s23] =	ssyncset.done $0x0  }
0xa4: {  	[sflag:s23] =	ssyncadd.s32 $0xFFFFFFFF  }
0xa5: {  	s5 =	sld [smem:$0x0]  }
0xa6: {  	s6 =	sand.u32 $0xFFFFFFFE, s1  }
0xa7: {  	p0 =	sne.s32 s1, s6  }
0xa8: {  	s6 =	sshll.u32 @p0 s6, $0xE  }
0xa9: {  	s6 =	sadd.s32 @p0 $0x11B8D, s6;
	s7 =	sshll.u32 @p0 s5, $0x11  }
0xaa: {  	s6 =	sor.u32 @p0 s7, s6  }
0xab: {  	[sflag:s6] =	ssyncadd.remote.s32 @p0 $0x1;
	_ =	sdelay $0x1  }
0xac: {  	s6 =	simm.s32 @p0 $0x1B8D  }
0xad: {  	_ =	swait.eq @p0 [sflag:s6], $0x1  }
0xae: {  	[sflag:s6] =	ssyncadd.s32 @p0 $0xFFFFFFFF  }
0xaf: {  	s7 =	sshll.u32 @!p0 s1, $0xE  }
0xb0: {  	s7 =	sor.u32 @!p0 $0x4000, s7;
	s6 =	simm.s32 @!p0 $0x1B8D  }
0xb1: {  	s5 =	sshll.u32 @!p0 s5, $0x11;
	s7 =	sadd.s32 @!p0 $0x11B8D, s7;
	_ =	swait.eq @!p0 [sflag:s6], $0x1  }
0xb2: {  	s5 =	sor.u32 @!p0 s5, s7;
	[sflag:s6] =	ssyncadd.s32 @!p0 $0xFFFFFFFF  }
0xb3: {  	s25 =	simm.s32 $0x1B8E;
	s24 =	sld [smem:$0x3FFE];
	[sflag:s5] =	ssyncadd.remote.s32 @!p0 $0x1  }
0xb4: {  	s26 =	simm.s32 $execute0_lowered;
	[smem:$0x3FD2] =	sst s25  }
0xb5: {  	s6 =	sshll.u32 s26, $0x1;
	_ =	strace $0x8000004C;
	[dreg:$0x1] =	wrdreg $0xFFFFFFFF  }
0xb6: {  	s28 =	simm.s32 $_size_execute0_lowered;
	s4 =	sadd.s32 s4, s6;
	[dreg:$0x0] =	wrdreg $0x0  }
0xb7: {  	s6 =	sshll.u32 s28, $0x1;
	[dreg:$0x2] =	wrdreg s4  }
0xb8: {  	[dreg:$0x3] =	wrdreg s6  }
0xb9: {  	[dreg:$0x4] =	wrdreg $0xC0  }
0xba: {  	_ =	task [dreg:s22], $0x5FFFF  }
0xbb: {  	[dreg:$0x1] =	wrdreg $0xFFFFFFFF  }
0xbc: {  	[dreg:$0x0] =	wrdreg $0x60  }
0xbd: {  	[dreg:$0x2] =	wrdreg s24  }
0xbe: {  	[dreg:$0x3] =	wrdreg s18  }
0xbf: {  	[dreg:$0x4] =	wrdreg $0xA  }
0xc0: {  	_ =	task.clear_ibuf [dreg:s22], $0x5FFFF;
	_ =	strace $0x9000004C  }
0xc1: {  	s29 =	simm.s32 $0xA;
	_ =	strace $0x8000004E  }
0xc2: {  	_ =	swait.ge [sflag:s29], $0x1  }
0xc3: {  	[sflag:s29] =	ssyncadd.s32 $0xFFFFFFFF  }
0xc4: {  	_ =	strace $0x9000004E  }
0xc5: {  	_ =	sfence  }
0xc6: {  	s30 =	sld [smem:$0x0];
	_ =	sdelay $0x2  }
0xc7: {  	s31 =	sshll.u32 s1, $0xD;
	s1 =	sshrl.u32 s1, $0x2  }
0xc8: {  	s4 =	sand.u32 $0x4000, s31;
	s1 =	sadd.s32 s1, s30  }
0xc9: {  	s0 =	sor.u32 s4, s0;
	s1 =	sshll.u32 s1, $0x11  }
0xca: {  	s0 =	sor.u32 s1, s0  }
0xcb: {  	s0 =	sadd.s32 $0x8F2B, s0  }
0xcc: {  	[sflag:s0] =	ssyncadd.remote.s32 $0x1  }
0xcd: {  	_ =	sfence.sel $0xFFFF  }
0xce: {  	[dreg:$0x0] =	wrdreg $0xFFFFFFFF;
	(pc) =	sbr.abs _section_cstart, $3  }
0xcf: {  	[dreg:$0x1] =	wrdreg $0xFFFFFFFF  }
0xd0: {  	_ =	task.clear_ibuf [dreg:s22], $0x2FFFF;
	_ =	strace $0x9FFFFFFF  }
0xd1: {  	(tm) =	ssettm $0x7FFFFFFF  }
tec
execute0_lowered:
.L_overlay_start_1:
0x0: {  	(tag) =	ssettag $0x1  }
0x1: {  	s0 =	rddreg [dreg:$0x0]  }
0x2: {  	s2 =	rddreg [dreg:$0x1]  }
0x3: {  	s1 =	srdreg.scid;
	s8 =	stileid.u32  }
0x4: {  	s3 =	simm.s32 $0x0;
	s17 =	simm.s32 $0x400;
	s18 =	simm.s32 $0x1  }
0x5: {  	s19 =	simm.s32 $0x200;
	s20 =	simm.s32 $0x800;
	s28 =	simm.s32 $0x3  }
0x6: {  	s29 =	simm.s32 $0x4;
	s30 =	simm.s32 $0x0;
	s1 =	sand.u32 $0x1, s1  }
0x7: {  	s4 =	sshll.u32 s8, $0x1;
	[smem:$0x7FF] =	sst s3;
	s8 =	smul.u32 $0x9000, s8  }
0x8: {  	s4 =	sor.u32 s1, s4;
	s6 =	ssub.s32 $0x2, s1;
	s1 =	smul.u32 $0x4800, s1  }
0x9: {  	s5 =	sadd.s32 $0x24E00, s0;
	s7 =	smul.u32 $0x4800, s4;
	s21 =	sshrl.u32 s6, $0x1  }
0xa: {  	_ =	strace $0x8000004D;
	s4 =	sadd.s32 $0x12E00, s0;
	s0 =	ssub.s32 s6, s21  }
0xb: {  	s1 =	sadd.s32 s1, s8;
	s21 =	simm.s32 $0xA00;
	s7 =	sshrl.u32 s7, $0x3  }
0xc: {  	s0 =	smax.u32 s0, $0x1;
	s26 =	sadd.s32 $0x1000, s1;
	s15 =	sadd.s32 $0x800, s1  }
0xd: {  	s22 =	sadd.s32 s4, s7;
	s10 =	sor.u32 $0x80, s7;
	[dreg:$0x4] =	wrdreg s0  }
0xe: {  	s9 =	sadd.s32 s5, s7;
	s25 =	sadd.s32 $0x880, s7;
	s31 =	sshrl.u32 s26, $0x3  }
0xf: {  	s26 =	simm.s32 $0xE00;
	s23 =	sadd.s32 s4, s10;
	[dreg:$0x3] =	wrdreg s22  }
0x10: {  	s24 =	sadd.s32 $0x100, s22;
	s11 =	sadd.s32 s5, s10;
	s12 =	sadd.s32 s4, s25  }
0x11: {  	s13 =	sadd.s32 $0x800, s9;
	s14 =	sadd.s32 s5, s25;
	s16 =	sadd.s32 s31, s4  }
0x12: {  	s22 =	simm.s32 $0x5;
	s25 =	simm.s32 $0x600;
	[dreg:$0x5] =	wrdreg s23  }
0x13: {  	[dreg:$0x6] =	wrdreg s24;
	s23 =	simm.s32 $0x2;
	s24 =	simm.s32 $0xC00  }
.LBB2_1:
0x14: {  	s0 =	rddreg [dreg:$0x3]  }
0x15: {  	[tilespmem:s3], [sflag:$0x1] =	stream.linear.gather [hbm4b:s0+s3], $0x400, $0x38;
	[tilespmem:$0x1000] =	vst v63  }
0x16: {  	s6 =	rddreg [dreg:$0x5]  }
0x17: {  	[tilespmem:s17], [sflag:$0x2] =	stream.linear.gather [hbm4b:s6+s3], $0x400, $0x38;
	[tilespmem:$0x1000] =	vst v63  }
0x18: {  	_ =	swait.ge [sflag:s18], $0x400  }
0x19: {  	[sflag:s18] =	ssyncset.done $0x0  }
0x1a: {  	[sflag:s18] =	ssyncadd.s32 $0xFFFFFC00  }
0x1b: {  	[tilespmem:s20], [sflag:$0x5] =	stream.indirect.gather [hbm4b:s2+s19], $0x1, s3, s19, $0xb8;
	[tilespmem:$0x1000] =	vst v63  }
0x1c: {  	_ = 	snop  }
0x1d: {  	[tilespmem:s21], [sflag:$0x5] =	stream.indirect.gather [hbm4b:s2+s19], $0x1, s19, s19, $0xb8;
	[tilespmem:$0x1000] =	vst v63  }
0x1e: {  	_ =	swait.ge [sflag:s22], $0x200  }
0x1f: {  	[sflag:s22] =	ssyncset.done $0x0  }
0x20: {  	[sflag:s22] =	ssyncadd.s32 $0xFFFFFE00  }
0x21: {  	_ =	swait.ge [sflag:s22], $0x200  }
0x22: {  	[sflag:s22] =	ssyncset.done $0x0  }
0x23: {  	[sflag:s22] =	ssyncadd.s32 $0xFFFFFE00  }
0x24: {  	[hbm4b:s9+s3] =	stream.linear.scatter [tilespmem:s20], [sflag:$0x3], $0x400, $0x38;
	[tilespmem:$0x1000] =	vst v63  }
0x25: {  	s7 =	rddreg [dreg:$0x6]  }
0x26: {  	[tilespmem:s3], [sflag:$0x1] =	stream.linear.gather [hbm4b:s7+s3], $0x400, $0x38;
	[tilespmem:$0x1000] =	vst v63  }
0x27: {  	_ =	swait.ge [sflag:s23], $0x400  }
0x28: {  	[sflag:s23] =	ssyncset.done $0x0  }
0x29: {  	[sflag:s23] =	ssyncadd.s32 $0xFFFFFC00  }
0x2a: {  	[tilespmem:s24], [sflag:$0x5] =	stream.indirect.gather [hbm4b:s2+s19], $0x1, s17, s19, $0xb8;
	[tilespmem:$0x1000] =	vst v63  }
0x2b: {  	_ = 	snop  }
0x2c: {  	[tilespmem:s26], [sflag:$0x5] =	stream.indirect.gather [hbm4b:s2+s19], $0x1, s25, s19, $0xb8;
	[tilespmem:$0x1000] =	vst v63  }
0x2d: {  	_ =	swait.ge [sflag:s22], $0x200  }
0x2e: {  	[sflag:s22] =	ssyncset.done $0x0  }
0x2f: {  	[sflag:s22] =	ssyncadd.s32 $0xFFFFFE00  }
0x30: {  	_ =	swait.ge [sflag:s22], $0x200  }
0x31: {  	s8 =	sshrl.u32 s15, $0x3;
	[sflag:s22] =	ssyncset.done $0x0  }
0x32: {  	s7 =	sor.u32 $0x80, s8;
	[sflag:s22] =	ssyncadd.s32 $0xFFFFFE00  }
0x33: {  	[hbm4b:s11+s3] =	stream.linear.scatter [tilespmem:s24], [sflag:$0x4], $0x400, $0x38;
	[tilespmem:$0x1000] =	vst v63  }
0x34: {  	s1 =	sadd.s32 s4, s7  }
0x35: {  	[tilespmem:s17], [sflag:$0x2] =	stream.linear.gather [hbm4b:s1+s3], $0x400, $0x38;
	[tilespmem:$0x1000] =	vst v63  }
0x36: {  	_ =	swait.ge [sflag:s18], $0x400  }
0x37: {  	[sflag:s18] =	ssyncset.done $0x0  }
0x38: {  	[sflag:s18] =	ssyncadd.s32 $0xFFFFFC00  }
0x39: {  	_ =	swait.ge [sflag:s28], $0x400  }
0x3a: {  	[sflag:s28] =	ssyncset.done $0x0  }
0x3b: {  	[sflag:s28] =	ssyncadd.s32 $0xFFFFFC00  }
0x3c: {  	[tilespmem:s20], [sflag:$0x5] =	stream.indirect.gather [hbm4b:s2+s19], $0x1, s3, s19, $0xb8;
	[tilespmem:$0x1000] =	vst v63  }
0x3d: {  	_ = 	snop  }
0x3e: {  	[tilespmem:s21], [sflag:$0x5] =	stream.indirect.gather [hbm4b:s2+s19], $0x1, s19, s19, $0xb8;
	[tilespmem:$0x1000] =	vst v63  }
0x3f: {  	_ =	swait.ge [sflag:s22], $0x200  }
0x40: {  	[sflag:s22] =	ssyncset.done $0x0  }
0x41: {  	[sflag:s22] =	ssyncadd.s32 $0xFFFFFE00  }
0x42: {  	_ =	swait.ge [sflag:s22], $0x200  }
0x43: {  	[sflag:s22] =	ssyncset.done $0x0  }
0x44: {  	s0 =	sadd.s32 s5, s8;
	[sflag:s22] =	ssyncadd.s32 $0xFFFFFE00  }
0x45: {  	[hbm4b:s0+s3] =	stream.linear.scatter [tilespmem:s20], [sflag:$0x3], $0x400, $0x38;
	[tilespmem:$0x1000] =	vst v63  }
0x46: {  	s10 =	sadd.s32 $0x0, s16  }
0x47: {  	[tilespmem:s3], [sflag:$0x1] =	stream.linear.gather [hbm4b:s10+s3], $0x400, $0x38;
	[tilespmem:$0x1000] =	vst v63  }
0x48: {  	_ =	swait.ge [sflag:s23], $0x400  }
0x49: {  	[sflag:s23] =	ssyncset.done $0x0  }
0x4a: {  	[sflag:s23] =	ssyncadd.s32 $0xFFFFFC00  }
0x4b: {  	_ =	swait.ge [sflag:s29], $0x400  }
0x4c: {  	[sflag:s29] =	ssyncset.done $0x0  }
0x4d: {  	[sflag:s29] =	ssyncadd.s32 $0xFFFFFC00  }
0x4e: {  	[tilespmem:s24], [sflag:$0x5] =	stream.indirect.gather [hbm4b:s2+s19], $0x1, s17, s19, $0xb8;
	[tilespmem:$0x1000] =	vst v63  }
0x4f: {  	_ = 	snop  }
0x50: {  	[tilespmem:s26], [sflag:$0x5] =	stream.indirect.gather [hbm4b:s2+s19], $0x1, s25, s19, $0xb8;
	[tilespmem:$0x1000] =	vst v63  }
0x51: {  	_ =	swait.ge [sflag:s22], $0x200  }
0x52: {  	[sflag:s22] =	ssyncset.done $0x0  }
0x53: {  	s1 =	sadd.s32 $0x800, s15;
	[sflag:s22] =	ssyncadd.s32 $0xFFFFFE00  }
0x54: {  	s31 =	simm.s32 $0x100;
	s8 =	sshrl.u32 s1, $0x3;
	_ =	swait.ge [sflag:s22], $0x200  }
0x55: {  	s0 =	simm.s32 $0x200;
	s10 =	sadd.s32 s5, s7;
	[sflag:s22] =	ssyncset.done $0x0  }
.LBB2_2:
0x56: {  	p0 =	sne.s32 s0, $0x600;
	s7 =	sor.u32 $0x80, s8;
	[sflag:s22] =	ssyncadd.s32 $0xFFFFFE00  }
0x57: {  	[hbm4b:s10+s3] =	stream.linear.scatter [tilespmem:s24], [sflag:$0x4], $0x400, $0x38;
	[tilespmem:$0x1000] =	vst v63  }
0x58: {  	s6 =	smov.u32 s0;
	s0 =	sadd.s32 $0x100, s0;
	s10 =	sadd.s32 s4, s7  }
0x59: {  	[tilespmem:s17], [sflag:$0x2] =	stream.linear.gather [hbm4b:s10+s3], $0x400, $0x38;
	[tilespmem:$0x1000] =	vst v63  }
0x5a: {  	_ =	swait.ge [sflag:s18], $0x400  }
0x5b: {  	[sflag:s18] =	ssyncset.done $0x0  }
0x5c: {  	[sflag:s18] =	ssyncadd.s32 $0xFFFFFC00  }
0x5d: {  	_ =	swait.ge [sflag:s28], $0x400  }
0x5e: {  	[sflag:s28] =	ssyncset.done $0x0  }
0x5f: {  	[sflag:s28] =	ssyncadd.s32 $0xFFFFFC00  }
0x60: {  	[tilespmem:s20], [sflag:$0x5] =	stream.indirect.gather [hbm4b:s2+s19], $0x1, s3, s19, $0xb8;
	[tilespmem:$0x1000] =	vst v63  }
0x61: {  	_ = 	snop  }
0x62: {  	[tilespmem:s21], [sflag:$0x5] =	stream.indirect.gather [hbm4b:s2+s19], $0x1, s19, s19, $0xb8;
	[tilespmem:$0x1000] =	vst v63  }
0x63: {  	_ =	swait.ge [sflag:s22], $0x200  }
0x64: {  	[sflag:s22] =	ssyncset.done $0x0  }
0x65: {  	[sflag:s22] =	ssyncadd.s32 $0xFFFFFE00  }
0x66: {  	_ =	swait.ge [sflag:s22], $0x200  }
0x67: {  	[sflag:s22] =	ssyncset.done $0x0  }
0x68: {  	s8 =	sadd.s32 s5, s8;
	[sflag:s22] =	ssyncadd.s32 $0xFFFFFE00  }
0x69: {  	[hbm4b:s8+s3] =	stream.linear.scatter [tilespmem:s20], [sflag:$0x3], $0x400, $0x38;
	[tilespmem:$0x1000] =	vst v63  }
0x6a: {  	s8 =	sadd.s32 s31, s16;
	s31 =	smov.u32 s6  }
0x6b: {  	[tilespmem:s3], [sflag:$0x1] =	stream.linear.gather [hbm4b:s8+s3], $0x400, $0x38;
	[tilespmem:$0x1000] =	vst v63  }
0x6c: {  	_ =	swait.ge [sflag:s23], $0x400  }
0x6d: {  	[sflag:s23] =	ssyncset.done $0x0  }
0x6e: {  	[sflag:s23] =	ssyncadd.s32 $0xFFFFFC00  }
0x6f: {  	_ =	swait.ge [sflag:s29], $0x400  }
0x70: {  	[sflag:s29] =	ssyncset.done $0x0  }
0x71: {  	[sflag:s29] =	ssyncadd.s32 $0xFFFFFC00  }
0x72: {  	[tilespmem:s24], [sflag:$0x5] =	stream.indirect.gather [hbm4b:s2+s19], $0x1, s17, s19, $0xb8;
	[tilespmem:$0x1000] =	vst v63  }
0x73: {  	_ = 	snop  }
0x74: {  	[tilespmem:s26], [sflag:$0x5] =	stream.indirect.gather [hbm4b:s2+s19], $0x1, s25, s19, $0xb8;
	[tilespmem:$0x1000] =	vst v63  }
.Ltmp0:
0x75: {  	_ =	swait.ge [sflag:s22], $0x200;
	(pc) =	sbr.rel @p0 .LBB2_2-.Ltmp0, $4  }
0x76: {  	[sflag:s22] =	ssyncset.done $0x0  }
0x77: {  	[sflag:s22] =	ssyncadd.s32 $0xFFFFFE00  }
0x78: {  	s1 =	sadd.s32 $0x800, s1;
	_ =	swait.ge [sflag:s22], $0x200  }
0x79: {  	s10 =	sadd.s32 s5, s7;
	s8 =	sshrl.u32 s1, $0x3;
	[sflag:s22] =	ssyncset.done $0x0  }
0x7a: {  	s0 =	sor.u32 $0x80, s8;
	[sflag:s22] =	ssyncadd.s32 $0xFFFFFE00  }
0x7b: {  	[hbm4b:s10+s3] =	stream.linear.scatter [tilespmem:s24], [sflag:$0x4], $0x400, $0x38;
	[tilespmem:$0x1000] =	vst v63  }
0x7c: {  	s1 =	sadd.s32 s4, s0  }
0x7d: {  	[tilespmem:s17], [sflag:$0x2] =	stream.linear.gather [hbm4b:s1+s3], $0x400, $0x38;
	[tilespmem:$0x1000] =	vst v63  }
0x7e: {  	_ =	swait.ge [sflag:s18], $0x400  }
0x7f: {  	[sflag:s18] =	ssyncset.done $0x0  }
0x80: {  	[sflag:s18] =	ssyncadd.s32 $0xFFFFFC00  }
0x81: {  	_ =	swait.ge [sflag:s28], $0x400  }
0x82: {  	[sflag:s28] =	ssyncset.done $0x0  }
0x83: {  	[sflag:s28] =	ssyncadd.s32 $0xFFFFFC00  }
0x84: {  	[tilespmem:s20], [sflag:$0x5] =	stream.indirect.gather [hbm4b:s2+s19], $0x1, s3, s19, $0xb8;
	[tilespmem:$0x1000] =	vst v63  }
0x85: {  	_ = 	snop  }
0x86: {  	[tilespmem:s21], [sflag:$0x5] =	stream.indirect.gather [hbm4b:s2+s19], $0x1, s19, s19, $0xb8;
	[tilespmem:$0x1000] =	vst v63  }
0x87: {  	_ =	swait.ge [sflag:s22], $0x200  }
0x88: {  	[sflag:s22] =	ssyncset.done $0x0  }
0x89: {  	[sflag:s22] =	ssyncadd.s32 $0xFFFFFE00  }
0x8a: {  	_ =	swait.ge [sflag:s22], $0x200  }
0x8b: {  	[sflag:s22] =	ssyncset.done $0x0  }
0x8c: {  	s8 =	sadd.s32 s5, s8;
	[sflag:s22] =	ssyncadd.s32 $0xFFFFFE00  }
0x8d: {  	[hbm4b:s8+s3] =	stream.linear.scatter [tilespmem:s20], [sflag:$0x3], $0x400, $0x38;
	[tilespmem:$0x1000] =	vst v63  }
0x8e: {  	s10 =	sadd.s32 s31, s16  }
0x8f: {  	[tilespmem:s3], [sflag:$0x1] =	stream.linear.gather [hbm4b:s10+s3], $0x400, $0x38;
	[tilespmem:$0x1000] =	vst v63  }
0x90: {  	_ =	swait.ge [sflag:s23], $0x400  }
0x91: {  	[sflag:s23] =	ssyncset.done $0x0  }
0x92: {  	[sflag:s23] =	ssyncadd.s32 $0xFFFFFC00  }
0x93: {  	_ =	swait.ge [sflag:s29], $0x400  }
0x94: {  	[sflag:s29] =	ssyncset.done $0x0  }
0x95: {  	[sflag:s29] =	ssyncadd.s32 $0xFFFFFC00  }
0x96: {  	[tilespmem:s24], [sflag:$0x5] =	stream.indirect.gather [hbm4b:s2+s19], $0x1, s17, s19, $0xb8;
	[tilespmem:$0x1000] =	vst v63  }
0x97: {  	_ = 	snop  }
0x98: {  	[tilespmem:s26], [sflag:$0x5] =	stream.indirect.gather [hbm4b:s2+s19], $0x1, s25, s19, $0xb8;
	[tilespmem:$0x1000] =	vst v63  }
0x99: {  	_ =	swait.ge [sflag:s22], $0x200  }
0x9a: {  	[sflag:s22] =	ssyncset.done $0x0  }
0x9b: {  	[sflag:s22] =	ssyncadd.s32 $0xFFFFFE00  }
0x9c: {  	_ =	swait.ge [sflag:s22], $0x200  }
0x9d: {  	[sflag:s22] =	ssyncset.done $0x0  }
0x9e: {  	s0 =	sadd.s32 s5, s0;
	[sflag:s22] =	ssyncadd.s32 $0xFFFFFE00  }
0x9f: {  	[hbm4b:s0+s3] =	stream.linear.scatter [tilespmem:s24], [sflag:$0x4], $0x400, $0x38;
	[tilespmem:$0x1000] =	vst v63  }
0xa0: {  	_ = 	snop  }
0xa1: {  	[tilespmem:s17], [sflag:$0x2] =	stream.linear.gather [hbm4b:s12+s3], $0x400, $0x38;
	[tilespmem:$0x1000] =	vst v63  }
0xa2: {  	_ =	swait.ge [sflag:s18], $0x400  }
0xa3: {  	[sflag:s18] =	ssyncset.done $0x0  }
0xa4: {  	[sflag:s18] =	ssyncadd.s32 $0xFFFFFC00  }
0xa5: {  	_ =	swait.ge [sflag:s28], $0x400  }
0xa6: {  	[sflag:s28] =	ssyncset.done $0x0  }
0xa7: {  	[sflag:s28] =	ssyncadd.s32 $0xFFFFFC00  }
0xa8: {  	[tilespmem:s20], [sflag:$0x5] =	stream.indirect.gather [hbm4b:s2+s19], $0x1, s3, s19, $0xb8;
	[tilespmem:$0x1000] =	vst v63  }
0xa9: {  	_ = 	snop  }
0xaa: {  	[tilespmem:s21], [sflag:$0x5] =	stream.indirect.gather [hbm4b:s2+s19], $0x1, s19, s19, $0xb8;
	[tilespmem:$0x1000] =	vst v63  }
0xab: {  	_ =	swait.ge [sflag:s22], $0x200  }
0xac: {  	[sflag:s22] =	ssyncset.done $0x0  }
0xad: {  	[sflag:s22] =	ssyncadd.s32 $0xFFFFFE00  }
0xae: {  	_ =	swait.ge [sflag:s22], $0x200  }
0xaf: {  	[sflag:s22] =	ssyncset.done $0x0  }
0xb0: {  	[sflag:s22] =	ssyncadd.s32 $0xFFFFFE00  }
0xb1: {  	[hbm4b:s13+s3] =	stream.linear.scatter [tilespmem:s20], [sflag:$0x3], $0x400, $0x38;
	[tilespmem:$0x1000] =	vst v63  }
0xb2: {  	_ =	swait.ge [sflag:s23], $0x400  }
0xb3: {  	[sflag:s23] =	ssyncset.done $0x0  }
0xb4: {  	[sflag:s23] =	ssyncadd.s32 $0xFFFFFC00  }
0xb5: {  	_ =	swait.ge [sflag:s29], $0x400  }
0xb6: {  	[sflag:s29] =	ssyncset.done $0x0  }
0xb7: {  	[sflag:s29] =	ssyncadd.s32 $0xFFFFFC00  }
0xb8: {  	[tilespmem:s24], [sflag:$0x5] =	stream.indirect.gather [hbm4b:s2+s19], $0x1, s17, s19, $0xb8;
	[tilespmem:$0x1000] =	vst v63  }
0xb9: {  	_ = 	snop  }
0xba: {  	[tilespmem:s26], [sflag:$0x5] =	stream.indirect.gather [hbm4b:s2+s19], $0x1, s25, s19, $0xb8;
	[tilespmem:$0x1000] =	vst v63  }
0xbb: {  	_ =	swait.ge [sflag:s22], $0x200  }
0xbc: {  	[sflag:s22] =	ssyncset.done $0x0  }
0xbd: {  	[sflag:s22] =	ssyncadd.s32 $0xFFFFFE00  }
0xbe: {  	_ =	swait.ge [sflag:s22], $0x200  }
0xbf: {  	[sflag:s22] =	ssyncset.done $0x0  }
0xc0: {  	[sflag:s22] =	ssyncadd.s32 $0xFFFFFE00  }
0xc1: {  	[hbm4b:s14+s3] =	stream.linear.scatter [tilespmem:s24], [sflag:$0x4], $0x400, $0x38;
	[tilespmem:$0x1000] =	vst v63  }
0xc2: {  	_ =	swait.ge [sflag:s28], $0x400  }
0xc3: {  	[sflag:s28] =	ssyncset.done $0x0  }
0xc4: {  	[sflag:s28] =	ssyncadd.s32 $0xFFFFFC00  }
0xc5: {  	_ =	swait.ge [sflag:s29], $0x400  }
0xc6: {  	s30 =	sadd.s32 $0x1, s30;
	s31 =	rddreg [dreg:$0x4]  }
0xc7: {  	p0 =	sne.s32 s30, s31  }
.Ltmp1:
0xc8: {  	_ = 	snop;
	(pc) =	sbr.rel @p0 .LBB2_1-.Ltmp1, $3  }
0xc9: {  	_ =	sdelay $0x1  }
0xca: {  	[sflag:s29] =	ssyncset.done $0x0  }
0xcb: {  	[sflag:s29] =	ssyncadd.s32 $0xFFFFFC00  }
0xcc: {  	_ =	sfence.sel $0x180000  }
0xcd: {  	[bflag:$0x0] =	sbarrier.arrive $0xFFFF  }
0xce: {  	_ =	strace $0x9000004D  }
0xcf: {  	s0 =	stileid.u32;
	[bflag:$0x2] =	sbarrier.arrive $0xFFFF  }
0xd0: {  	p0 =	sne.s32 s0, $0x0;
	s0 =	rddreg [dreg:$0x2]  }
0xd1: {  	s0 =	sadd.s32 @!p0 $0x100000, s0  }
0xd2: {  	[sflag:s0] =	ssyncadd.tile.s32 @!p0 $0x1;
	_ =	shalt  }
.Lfunc_end2:
_tile_overlayer_lowered:
.L_overlay_start_2:
0xd3: {  	(tag) =	ssettag $0x2  }
0xd4: {  	s0 =	rddreg [dreg:$0x0];
	s2 =	stileid.u32  }
0xd5: {  	s1 =	rddreg [dreg:$0x1];
	p0 =	sne.s32 s2, $0x0  }
0xd6: {  	s3 =	rddreg [dreg:$0x2];
	[bflag:$0x3] =	sbarrier.arrive $0xFFFF;
	s2 =	simm.s32 @!p0 $0x1C06  }
0xd7: {  	[timem:s3], [sflag:s2] =	dma.local @!p0 [hbm:s0], s1  }
0xd8: {  	s0 =	simm.s32 @!p0 $0x6  }
0xd9: {  	_ =	swait.ge @!p0 [sflag:s0], s1  }
0xda: {  	s1 =	ssub.s32 @!p0 $0x0, s1;
	[sflag:s0] =	ssyncset.done @!p0 $0x0  }
0xdb: {  	[sflag:s0] =	ssyncadd.s32 @!p0 s1  }
0xdc: {  	[bflag:$0x3] =	sbarrier.arrive $0xFFFF  }
0xdd: {  	_ =	shalt  }

// kernel: kernel.16.cloned.1.call-start
scs
__scs_entry_jumppad:
0x0: {  	(pc) =	sbr.rel $0x88, $3  }
0x1: {  	(tag) =	ssettag $0x0;
	lr =	simm.s32 $0x1  }
0x2: {  	[smem:$0x3F9C] =	sst lr;
	_ =	strace $0xD0000000  }
0x3: {  	_ = 	snop  }
0x4: {  	_ = 	snop  }
0x5: {  	_ = 	snop  }
0x6: {  	_ = 	snop  }
0x7: {  	_ = 	snop  }
__scs_overlays_trampoline_lowered:
0x8: {  	[smem:$0x3FAB] =	sst s0  }
0x9: {  	[smem:$0x3FAC] =	sst s1  }
0xa: {  	[smem:$0x3FAD] =	sst s2  }
0xb: {  	[smem:$0x3FAE] =	sst s3  }
0xc: {  	[smem:$0x3FAF] =	sst s4  }
0xd: {  	[smem:$0x3FB0] =	sst s5  }
0xe: {  	[smem:$0x3FB1] =	sst s6  }
0xf: {  	[smem:$0x3FB2] =	sst s7  }
0x10: {  	[smem:$0x3FB3] =	sst s8  }
0x11: {  	[smem:$0x3FB4] =	sst s9;
	s0 =	simm.s32 @!p0 $0x0  }
0x12: {  	s1 =	sld [smem:$0x3F9A];
	s0 =	simm.s32 @p0 $0x1  }
0x13: {  	[smem:$0x3FB5] =	sst s0;
	s0 =	simm.s32 @!p1 $0x0  }
0x14: {  	s2 =	sld [smem:$0x3F99];
	s0 =	simm.s32 @p1 $0x1  }
0x15: {  	[smem:$0x3FB6] =	sst s0;
	s0 =	simm.s32 @!p2 $0x0  }
0x16: {  	s3 =	sld [smem:$0x3FDB];
	s0 =	simm.s32 @p2 $0x1  }
0x17: {  	s4 =	simm.s32 $0x1BF5;
	[smem:$0x3FB8] =	sst s0  }
0x18: {  	s0 =	sld [smem:$0x3F9B];
	_ =	swait.ge [sflag:s4], $0x0  }
0x19: {  	s7 =	sld [smem:$0x3F9C]  }
0x1a: {  	s8 =	sadd.s32 $0xFFFFE003, lr  }
0x1b: {  	s9 =	sadd.s32 $0xFFFFFEF7, lr;
	s5 =	simm.s32 $0xFFFFFFFF;
	p2 =	slt.u32 s8, $0xFFFFF086  }
0x1c: {  	p1 =	slt.u32 s9, $0xF7A;
	s5 =	simm.s32 @!p2 $0x0  }
0x1d: {  	s5 =	simm.s32 @p1 $0x1;
	p0 =	seq.s32 s7, s2  }
0x1e: {  	s7 =	smul.u32 @!p0 $0xF7A, s2;
	p2 =	seq.s32 @!p0 s5, $0x0  }
0x1f: {  	s9 =	smul.u32 $0xF7A, s1;
	s8 =	simm.s32 @!p0 $0x1BF5;
	p2 =	por !p2, p0  }
0x20: {  	[sflag:s8] =	ssyncset.s32 @!p0 $0xFFFFF086;
	s6 =	sadd.s32 @!p0 s3, s7;
	s7 =	simm.s32 @!p0 $0x108  }
0x21: {  	s3 =	sadd.s32 s3, s9;
	s6 =	sadd.s32 @!p0 $0x88, s6;
	s7 =	simm.s32 @p2 $0x1082  }
0x22: {  	[simem:s7], [sflag:s8] =	dma.local @!p0 [hbm:s6], $0xF7A  }
0x23: {  	s9 =	sor.u32 $0xD0000000, s2;
	s6 =	simm.s32 $0x108;
	_ =	swait.ge @!p0 [sflag:s8], $0x0  }
0x24: {  	s3 =	sadd.s32 $0x88, s3;
	s6 =	simm.s32 @!p1 $0x1082;
	[sflag:s4] =	ssyncset.s32 $0xFFFFF086  }
0x25: {  	[simem:s6], [sflag:s4] =	dma.local [hbm:s3], $0xF7A  }
0x26: {  	[smem:$0x3F9C] =	sst s1;
	(tag) =	ssettag s2;
	_ =	strace s9  }
0x27: {  	s1 =	sld [smem:$0x3FAC]  }
0x28: {  	s2 =	sld [smem:$0x3FAD]  }
0x29: {  	s4 =	sld [smem:$0x3FAF]  }
0x2a: {  	p0 =	seq.s32 s5, $0x0;
	s5 =	sld [smem:$0x3FB0]  }
0x2b: {  	s6 =	sld [smem:$0x3FB1]  }
0x2c: {  	s7 =	sld [smem:$0x3FB2]  }
0x2d: {  	s3 =	simm.s32 $0x108;
	s8 =	sld [smem:$0x3FB3]  }
0x2e: {  	s3 =	simm.s32 @!p0 $0x1082;
	s9 =	sld [smem:$0x3FB4]  }
0x2f: {  	lr =	sadd.s32 s0, s3;
	s0 =	sld [smem:$0x3FAB]  }
0x30: {  	s3 =	sld [smem:$0x3FAE]  }
0x31: {  	[smem:$0x3FB7] =	sst s10  }
0x32: {  	s10 =	sld [smem:$0x3FB5];
	_ =	sdelay $0x3  }
0x33: {  	p0 =	seq.s32 s10, $0x1;
	s10 =	sld [smem:$0x3FB7];
	_ =	sdelay $0x3  }
0x34: {  	[smem:$0x3FB7] =	sst s10  }
0x35: {  	s10 =	sld [smem:$0x3FB6];
	_ =	sdelay $0x3  }
0x36: {  	p1 =	seq.s32 s10, $0x1;
	s10 =	sld [smem:$0x3FB7];
	_ =	sdelay $0x3  }
0x37: {  	[smem:$0x3FB7] =	sst s10  }
0x38: {  	s10 =	sld [smem:$0x3FB8]  }
0x39: {  	_ = 	snop;
	(pc) =	sbr.ind lr, $3  }
0x3a: {  	_ = 	snop  }
0x3b: {  	_ = 	snop  }
0x3c: {  	p2 =	seq.s32 s10, $0x1;
	s10 =	sld [smem:$0x3FB7]  }
0x3d: {  	_ =	shalt  }
0x3e: {  	_ =	shalt  }
0x3f: {  	_ =	shalt  }
0x40: {  	_ =	shalt  }
0x41: {  	_ =	shalt  }
0x42: {  	_ =	shalt  }
0x43: {  	_ =	shalt  }
0x44: {  	_ =	shalt  }
0x45: {  	_ =	shalt  }
0x46: {  	_ =	shalt  }
0x47: {  	_ =	shalt  }
0x48: {  	_ =	shalt  }
0x49: {  	_ =	shalt  }
0x4a: {  	_ =	shalt  }
0x4b: {  	_ =	shalt  }
0x4c: {  	_ =	shalt  }
0x4d: {  	_ =	shalt  }
0x4e: {  	_ =	shalt  }
0x4f: {  	_ =	shalt  }
0x50: {  	_ =	shalt  }
0x51: {  	_ =	shalt  }
0x52: {  	_ =	shalt  }
0x53: {  	_ =	shalt  }
0x54: {  	_ =	shalt  }
0x55: {  	_ =	shalt  }
0x56: {  	_ =	shalt  }
0x57: {  	_ =	shalt  }
0x58: {  	_ =	shalt  }
0x59: {  	_ =	shalt  }
0x5a: {  	_ =	shalt  }
0x5b: {  	_ =	shalt  }
0x5c: {  	_ =	shalt  }
0x5d: {  	_ =	shalt  }
0x5e: {  	_ =	shalt  }
0x5f: {  	_ =	shalt  }
0x60: {  	_ =	shalt  }
0x61: {  	_ =	shalt  }
0x62: {  	_ =	shalt  }
0x63: {  	_ =	shalt  }
0x64: {  	_ =	shalt  }
0x65: {  	_ =	shalt  }
0x66: {  	_ =	shalt  }
0x67: {  	_ =	shalt  }
0x68: {  	_ =	shalt  }
0x69: {  	_ =	shalt  }
0x6a: {  	_ =	shalt  }
0x6b: {  	_ =	shalt  }
0x6c: {  	_ =	shalt  }
0x6d: {  	_ =	shalt  }
0x6e: {  	_ =	shalt  }
0x6f: {  	_ =	shalt  }
0x70: {  	_ =	shalt  }
0x71: {  	_ =	shalt  }
0x72: {  	_ =	shalt  }
0x73: {  	_ =	shalt  }
0x74: {  	_ =	shalt  }
0x75: {  	_ =	shalt  }
0x76: {  	_ =	shalt  }
0x77: {  	_ =	shalt  }
0x78: {  	_ =	shalt  }
0x79: {  	_ =	shalt  }
0x7a: {  	_ =	shalt  }
0x7b: {  	_ =	shalt  }
0x7c: {  	_ =	shalt  }
0x7d: {  	_ =	shalt  }
0x7e: {  	_ =	shalt  }
0x7f: {  	_ =	shalt  }
0x80: {  	_ =	shalt  }
0x81: {  	_ =	shalt  }
0x82: {  	_ =	shalt  }
0x83: {  	_ =	shalt  }
0x84: {  	_ =	shalt  }
0x85: {  	_ =	shalt  }
0x86: {  	_ =	shalt  }
0x87: {  	_ =	shalt  }
.Lfunc_end0:
.L_simem_size_0:
called_computation.2_lowered:
.L_overlay_start_0:
0x88: {  	s2 =	sld [smem:$0x3FD9]  }
0x89: {  	s3 =	sld [smem:$0x3FFE];
	_ =	sdelay $0x1  }
0x8a: {  	s1 =	srdreg.scid  }
0x8b: {  	s0 =	sand.u32 $0x1, s1  }
0x8c: {  	s17 =	sshll.u32 s0, $0xA;
	s2 =	sadd.s32 s3, s2  }
0x8d: {  	s2 =	sadd.s32 s2, s17  }
0x8e: {  	[smem:$0x3FC3] =	sst s2  }
0x8f: {  	_ = 	snop  }
0x90: {  	s18 =	sld [smem:$0x3FC6]  }
0x91: {  	s4 =	sld [smem:$0x3FD0];
	(tm) =	ssettm $0x1  }
0x92: {  	s19 =	sld [smem:$0x3FFB];
	_ =	sdelay $0x3  }
0x93: {  	_ =	strace s19  }
0x94: {  	s2 =	sld [smem:$0x3FFC];
	_ =	sdelay $0x3  }
0x95: {  	_ =	strace s2  }
0x96: {  	s2 =	sld [smem:$0x3FFD];
	_ =	sdelay $0x3  }
0x97: {  	_ =	strace s2  }
0x98: {  	_ =	strace $0x8FFFFFFF  }
0x99: {  	s20 =	sld [smem:$0x3FDB];
	_ =	sdelay $0x1  }
0x9a: {  	s5 =	simm.s32 $_scs_section_size  }
0x9b: {  	s6 =	simm.s32 $_size__tile_overlayer_lowered;
	s7 =	simm.s32 $_tile_overlayer_lowered  }
0x9c: {  	s8 =	simm.s32 $0x1BFF;
	s21 =	sshll.u32 s7, $0x1;
	s5 =	sadd.s32 s5, s20  }
0x9d: {  	s22 =	simm.s32 $0x0;
	s6 =	sshll.u32 s6, $0x1;
	s7 =	sadd.s32 s21, s5  }
0x9e: {  	[timem:s22], [sflag:s8] =	dma.local [hbm:s7], s6  }
0x9f: {  	_ =	swait.ge [sflag:s8], s6  }
0xa0: {  	s6 =	ssub.s32 $0x0, s6;
	[sflag:s8] =	ssyncset.done $0x0  }
0xa1: {  	[sflag:s8] =	ssyncadd.s32 s6;
	_ =	sdelay $0x1  }
0xa2: {  	s23 =	simm.s32 $0x1B8B  }
0xa3: {  	_ =	swait.ge [sflag:s23], $0x1  }
0xa4: {  	[sflag:s23] =	ssyncset.done $0x0  }
0xa5: {  	[sflag:s23] =	ssyncadd.s32 $0xFFFFFFFF  }
0xa6: {  	s6 =	sld [smem:$0x0]  }
0xa7: {  	s7 =	sand.u32 $0xFFFFFFFE, s1  }
0xa8: {  	p0 =	sne.s32 s1, s7  }
0xa9: {  	s7 =	sshll.u32 @p0 s7, $0xE  }
0xaa: {  	s7 =	sadd.s32 @p0 $0x11B8D, s7;
	s8 =	sshll.u32 @p0 s6, $0x11  }
0xab: {  	s7 =	sor.u32 @p0 s8, s7  }
0xac: {  	[sflag:s7] =	ssyncadd.remote.s32 @p0 $0x1;
	_ =	sdelay $0x1  }
0xad: {  	s7 =	simm.s32 @p0 $0x1B8D  }
0xae: {  	_ =	swait.eq @p0 [sflag:s7], $0x1  }
0xaf: {  	[sflag:s7] =	ssyncadd.s32 @p0 $0xFFFFFFFF  }
0xb0: {  	s8 =	sshll.u32 @!p0 s1, $0xE  }
0xb1: {  	s8 =	sor.u32 @!p0 $0x4000, s8;
	s7 =	simm.s32 @!p0 $0x1B8D  }
0xb2: {  	s6 =	sshll.u32 @!p0 s6, $0x11;
	s8 =	sadd.s32 @!p0 $0x11B8D, s8;
	_ =	swait.eq @!p0 [sflag:s7], $0x1  }
0xb3: {  	s6 =	sor.u32 @!p0 s6, s8;
	[sflag:s7] =	ssyncadd.s32 @!p0 $0xFFFFFFFF  }
0xb4: {  	s25 =	simm.s32 $0x1B8E;
	s24 =	sld [smem:$0x3FFE];
	[sflag:s6] =	ssyncadd.remote.s32 @!p0 $0x1  }
0xb5: {  	s26 =	simm.s32 $execute0_lowered;
	[smem:$0x3FD2] =	sst s25  }
0xb6: {  	s7 =	sshll.u32 s26, $0x1;
	_ =	strace $0x8000004F;
	[dreg:$0x1] =	wrdreg $0xFFFFFFFF  }
0xb7: {  	s28 =	simm.s32 $_size_execute0_lowered;
	s5 =	sadd.s32 s5, s7;
	[dreg:$0x0] =	wrdreg $0x0  }
0xb8: {  	s7 =	sshll.u32 s28, $0x1;
	[dreg:$0x2] =	wrdreg s5  }
0xb9: {  	[dreg:$0x3] =	wrdreg s7  }
0xba: {  	[dreg:$0x4] =	wrdreg $0xC0  }
0xbb: {  	_ =	task [dreg:s22], $0x5FFFF  }
0xbc: {  	[dreg:$0x1] =	wrdreg $0xFFFFFFFF  }
0xbd: {  	[dreg:$0x0] =	wrdreg $0x60  }
0xbe: {  	[dreg:$0x2] =	wrdreg s4  }
0xbf: {  	[dreg:$0x3] =	wrdreg s18  }
0xc0: {  	[dreg:$0x4] =	wrdreg s24  }
0xc1: {  	[dreg:$0x5] =	wrdreg $0xB  }
0xc2: {  	_ =	task.clear_ibuf [dreg:s22], $0x6FFFF;
	_ =	strace $0x9000004F  }
0xc3: {  	s29 =	simm.s32 $0xB;
	_ =	strace $0x80000051  }
0xc4: {  	_ =	swait.ge [sflag:s29], $0x1  }
0xc5: {  	[sflag:s29] =	ssyncadd.s32 $0xFFFFFFFF  }
0xc6: {  	_ =	strace $0x90000051  }
0xc7: {  	_ =	sfence  }
0xc8: {  	s30 =	sld [smem:$0x0];
	_ =	sdelay $0x2  }
0xc9: {  	s31 =	sshll.u32 s1, $0xD;
	s1 =	sshrl.u32 s1, $0x2  }
0xca: {  	s4 =	sand.u32 $0x4000, s31;
	s1 =	sadd.s32 s1, s30  }
0xcb: {  	s0 =	sor.u32 s4, s0;
	s1 =	sshll.u32 s1, $0x11  }
0xcc: {  	s0 =	sor.u32 s1, s0  }
0xcd: {  	s0 =	sadd.s32 $0x8F2B, s0  }
0xce: {  	[sflag:s0] =	ssyncadd.remote.s32 $0x1  }
0xcf: {  	_ =	sfence.sel $0xFFFF  }
0xd0: {  	[dreg:$0x0] =	wrdreg $0xFFFFFFFF;
	(pc) =	sbr.abs _section_cstart, $3  }
0xd1: {  	[dreg:$0x1] =	wrdreg $0xFFFFFFFF  }
0xd2: {  	_ =	task.clear_ibuf [dreg:s22], $0x2FFFF;
	_ =	strace $0x9FFFFFFF  }
0xd3: {  	(tm) =	ssettm $0x7FFFFFFF  }
tec
execute0_lowered:
.L_overlay_start_1:
0x0: {  	(tag) =	ssettag $0x1  }
0x1: {  	s1 =	rddreg [dreg:$0x0]  }
0x2: {  	s3 =	rddreg [dreg:$0x1]  }
0x3: {  	s0 =	srdreg.scid;
	s8 =	stileid.u32  }
0x4: {  	s2 =	rddreg [dreg:$0x2];
	s4 =	simm.s32 $0x0;
	s17 =	simm.s32 $0x400  }
0x5: {  	s18 =	simm.s32 $0x1;
	s19 =	simm.s32 $0x200;
	s20 =	simm.s32 $0x800  }
0x6: {  	s28 =	simm.s32 $0x3;
	s29 =	simm.s32 $0x4;
	s30 =	simm.s32 $0x0  }
0x7: {  	s0 =	sand.u32 $0x1, s0;
	s5 =	sshll.u32 s8, $0x1;
	s8 =	smul.u32 $0x9000, s8  }
0x8: {  	s5 =	sor.u32 s0, s5;
	s6 =	ssub.s32 $0x2, s0;
	s0 =	smul.u32 $0x4800, s0  }
0x9: {  	[smem:$0x7FF] =	sst s4;
	s7 =	smul.u32 $0x4800, s5;
	s21 =	sshrl.u32 s6, $0x1  }
0xa: {  	_ =	strace $0x80000050;
	s5 =	sadd.s32 $0x36E00, s2;
	s2 =	ssub.s32 s6, s21  }
0xb: {  	s0 =	sadd.s32 s0, s8;
	s21 =	simm.s32 $0xA00;
	s7 =	sshrl.u32 s7, $0x3  }
0xc: {  	s2 =	smax.u32 s2, $0x1;
	s26 =	sadd.s32 $0x1000, s0;
	s15 =	sadd.s32 $0x800, s0  }
0xd: {  	s22 =	sadd.s32 s1, s7;
	s10 =	sor.u32 $0x80, s7;
	[dreg:$0x5] =	wrdreg s2  }
0xe: {  	s9 =	sadd.s32 s5, s7;
	s25 =	sadd.s32 $0x880, s7;
	s31 =	sshrl.u32 s26, $0x3  }
0xf: {  	s26 =	simm.s32 $0xE00;
	s23 =	sadd.s32 s1, s10;
	[dreg:$0x4] =	wrdreg s22  }
0x10: {  	s24 =	sadd.s32 $0x100, s22;
	s11 =	sadd.s32 s5, s10;
	s12 =	sadd.s32 s1, s25  }
0x11: {  	s13 =	sadd.s32 $0x800, s9;
	s14 =	sadd.s32 s5, s25;
	s16 =	sadd.s32 s31, s1  }
0x12: {  	s22 =	simm.s32 $0x5;
	s25 =	simm.s32 $0x600;
	[dreg:$0x6] =	wrdreg s23  }
0x13: {  	[dreg:$0x7] =	wrdreg s24;
	s23 =	simm.s32 $0x2;
	s24 =	simm.s32 $0xC00  }
.LBB2_1:
0x14: {  	s0 =	rddreg [dreg:$0x4]  }
0x15: {  	[tilespmem:s4], [sflag:$0x1] =	stream.linear.gather [hbm4b:s0+s4], $0x400, $0x38;
	[tilespmem:$0x1000] =	vst v63  }
0x16: {  	s6 =	rddreg [dreg:$0x6]  }
0x17: {  	[tilespmem:s17], [sflag:$0x2] =	stream.linear.gather [hbm4b:s6+s4], $0x400, $0x38;
	[tilespmem:$0x1000] =	vst v63  }
0x18: {  	_ =	swait.ge [sflag:s18], $0x400  }
0x19: {  	[sflag:s18] =	ssyncset.done $0x0  }
0x1a: {  	[sflag:s18] =	ssyncadd.s32 $0xFFFFFC00  }
0x1b: {  	[tilespmem:s20], [sflag:$0x5] =	stream.indirect.gather [hbm4b:s3+s19], $0x1, s4, s19, $0xb8;
	[tilespmem:$0x1000] =	vst v63  }
0x1c: {  	_ = 	snop  }
0x1d: {  	[tilespmem:s21], [sflag:$0x5] =	stream.indirect.gather [hbm4b:s3+s19], $0x1, s19, s19, $0xb8;
	[tilespmem:$0x1000] =	vst v63  }
0x1e: {  	_ =	swait.ge [sflag:s22], $0x200  }
0x1f: {  	[sflag:s22] =	ssyncset.done $0x0  }
0x20: {  	[sflag:s22] =	ssyncadd.s32 $0xFFFFFE00  }
0x21: {  	_ =	swait.ge [sflag:s22], $0x200  }
0x22: {  	[sflag:s22] =	ssyncset.done $0x0  }
0x23: {  	[sflag:s22] =	ssyncadd.s32 $0xFFFFFE00  }
0x24: {  	[hbm4b:s9+s4] =	stream.linear.scatter [tilespmem:s20], [sflag:$0x3], $0x400, $0x38;
	[tilespmem:$0x1000] =	vst v63  }
0x25: {  	s7 =	rddreg [dreg:$0x7]  }
0x26: {  	[tilespmem:s4], [sflag:$0x1] =	stream.linear.gather [hbm4b:s7+s4], $0x400, $0x38;
	[tilespmem:$0x1000] =	vst v63  }
0x27: {  	_ =	swait.ge [sflag:s23], $0x400  }
0x28: {  	[sflag:s23] =	ssyncset.done $0x0  }
0x29: {  	[sflag:s23] =	ssyncadd.s32 $0xFFFFFC00  }
0x2a: {  	[tilespmem:s24], [sflag:$0x5] =	stream.indirect.gather [hbm4b:s3+s19], $0x1, s17, s19, $0xb8;
	[tilespmem:$0x1000] =	vst v63  }
0x2b: {  	_ = 	snop  }
0x2c: {  	[tilespmem:s26], [sflag:$0x5] =	stream.indirect.gather [hbm4b:s3+s19], $0x1, s25, s19, $0xb8;
	[tilespmem:$0x1000] =	vst v63  }
0x2d: {  	_ =	swait.ge [sflag:s22], $0x200  }
0x2e: {  	[sflag:s22] =	ssyncset.done $0x0  }
0x2f: {  	[sflag:s22] =	ssyncadd.s32 $0xFFFFFE00  }
0x30: {  	_ =	swait.ge [sflag:s22], $0x200  }
0x31: {  	s8 =	sshrl.u32 s15, $0x3;
	[sflag:s22] =	ssyncset.done $0x0  }
0x32: {  	s7 =	sor.u32 $0x80, s8;
	[sflag:s22] =	ssyncadd.s32 $0xFFFFFE00  }
0x33: {  	[hbm4b:s11+s4] =	stream.linear.scatter [tilespmem:s24], [sflag:$0x4], $0x400, $0x38;
	[tilespmem:$0x1000] =	vst v63  }
0x34: {  	s2 =	sadd.s32 s1, s7  }
0x35: {  	[tilespmem:s17], [sflag:$0x2] =	stream.linear.gather [hbm4b:s2+s4], $0x400, $0x38;
	[tilespmem:$0x1000] =	vst v63  }
0x36: {  	_ =	swait.ge [sflag:s18], $0x400  }
0x37: {  	[sflag:s18] =	ssyncset.done $0x0  }
0x38: {  	[sflag:s18] =	ssyncadd.s32 $0xFFFFFC00  }
0x39: {  	_ =	swait.ge [sflag:s28], $0x400  }
0x3a: {  	[sflag:s28] =	ssyncset.done $0x0  }
0x3b: {  	[sflag:s28] =	ssyncadd.s32 $0xFFFFFC00  }
0x3c: {  	[tilespmem:s20], [sflag:$0x5] =	stream.indirect.gather [hbm4b:s3+s19], $0x1, s4, s19, $0xb8;
	[tilespmem:$0x1000] =	vst v63  }
0x3d: {  	_ = 	snop  }
0x3e: {  	[tilespmem:s21], [sflag:$0x5] =	stream.indirect.gather [hbm4b:s3+s19], $0x1, s19, s19, $0xb8;
	[tilespmem:$0x1000] =	vst v63  }
0x3f: {  	_ =	swait.ge [sflag:s22], $0x200  }
0x40: {  	[sflag:s22] =	ssyncset.done $0x0  }
0x41: {  	[sflag:s22] =	ssyncadd.s32 $0xFFFFFE00  }
0x42: {  	_ =	swait.ge [sflag:s22], $0x200  }
0x43: {  	[sflag:s22] =	ssyncset.done $0x0  }
0x44: {  	s0 =	sadd.s32 s5, s8;
	[sflag:s22] =	ssyncadd.s32 $0xFFFFFE00  }
0x45: {  	[hbm4b:s0+s4] =	stream.linear.scatter [tilespmem:s20], [sflag:$0x3], $0x400, $0x38;
	[tilespmem:$0x1000] =	vst v63  }
0x46: {  	s10 =	sadd.s32 $0x0, s16  }
0x47: {  	[tilespmem:s4], [sflag:$0x1] =	stream.linear.gather [hbm4b:s10+s4], $0x400, $0x38;
	[tilespmem:$0x1000] =	vst v63  }
0x48: {  	_ =	swait.ge [sflag:s23], $0x400  }
0x49: {  	[sflag:s23] =	ssyncset.done $0x0  }
0x4a: {  	[sflag:s23] =	ssyncadd.s32 $0xFFFFFC00  }
0x4b: {  	_ =	swait.ge [sflag:s29], $0x400  }
0x4c: {  	[sflag:s29] =	ssyncset.done $0x0  }
0x4d: {  	[sflag:s29] =	ssyncadd.s32 $0xFFFFFC00  }
0x4e: {  	[tilespmem:s24], [sflag:$0x5] =	stream.indirect.gather [hbm4b:s3+s19], $0x1, s17, s19, $0xb8;
	[tilespmem:$0x1000] =	vst v63  }
0x4f: {  	_ = 	snop  }
0x50: {  	[tilespmem:s26], [sflag:$0x5] =	stream.indirect.gather [hbm4b:s3+s19], $0x1, s25, s19, $0xb8;
	[tilespmem:$0x1000] =	vst v63  }
0x51: {  	_ =	swait.ge [sflag:s22], $0x200  }
0x52: {  	[sflag:s22] =	ssyncset.done $0x0  }
0x53: {  	s31 =	simm.s32 $0x100;
	[sflag:s22] =	ssyncadd.s32 $0xFFFFFE00  }
0x54: {  	s2 =	simm.s32 $0x200;
	s0 =	sadd.s32 $0x800, s15;
	_ =	swait.ge [sflag:s22], $0x200  }
0x55: {  	s8 =	sshrl.u32 s0, $0x3;
	s10 =	sadd.s32 s5, s7;
	[sflag:s22] =	ssyncset.done $0x0  }
.LBB2_2:
0x56: {  	p0 =	sne.s32 s2, $0x600;
	s7 =	sor.u32 $0x80, s8;
	[sflag:s22] =	ssyncadd.s32 $0xFFFFFE00  }
0x57: {  	[hbm4b:s10+s4] =	stream.linear.scatter [tilespmem:s24], [sflag:$0x4], $0x400, $0x38;
	[tilespmem:$0x1000] =	vst v63  }
0x58: {  	s6 =	smov.u32 s2;
	s2 =	sadd.s32 $0x100, s2;
	s10 =	sadd.s32 s1, s7  }
0x59: {  	[tilespmem:s17], [sflag:$0x2] =	stream.linear.gather [hbm4b:s10+s4], $0x400, $0x38;
	[tilespmem:$0x1000] =	vst v63  }
0x5a: {  	_ =	swait.ge [sflag:s18], $0x400  }
0x5b: {  	[sflag:s18] =	ssyncset.done $0x0  }
0x5c: {  	[sflag:s18] =	ssyncadd.s32 $0xFFFFFC00  }
0x5d: {  	_ =	swait.ge [sflag:s28], $0x400  }
0x5e: {  	[sflag:s28] =	ssyncset.done $0x0  }
0x5f: {  	[sflag:s28] =	ssyncadd.s32 $0xFFFFFC00  }
0x60: {  	[tilespmem:s20], [sflag:$0x5] =	stream.indirect.gather [hbm4b:s3+s19], $0x1, s4, s19, $0xb8;
	[tilespmem:$0x1000] =	vst v63  }
0x61: {  	_ = 	snop  }
0x62: {  	[tilespmem:s21], [sflag:$0x5] =	stream.indirect.gather [hbm4b:s3+s19], $0x1, s19, s19, $0xb8;
	[tilespmem:$0x1000] =	vst v63  }
0x63: {  	_ =	swait.ge [sflag:s22], $0x200  }
0x64: {  	[sflag:s22] =	ssyncset.done $0x0  }
0x65: {  	[sflag:s22] =	ssyncadd.s32 $0xFFFFFE00  }
0x66: {  	_ =	swait.ge [sflag:s22], $0x200  }
0x67: {  	[sflag:s22] =	ssyncset.done $0x0  }
0x68: {  	s8 =	sadd.s32 s5, s8;
	[sflag:s22] =	ssyncadd.s32 $0xFFFFFE00  }
0x69: {  	[hbm4b:s8+s4] =	stream.linear.scatter [tilespmem:s20], [sflag:$0x3], $0x400, $0x38;
	[tilespmem:$0x1000] =	vst v63  }
0x6a: {  	s8 =	sadd.s32 s31, s16;
	s31 =	smov.u32 s6  }
0x6b: {  	[tilespmem:s4], [sflag:$0x1] =	stream.linear.gather [hbm4b:s8+s4], $0x400, $0x38;
	[tilespmem:$0x1000] =	vst v63  }
0x6c: {  	_ =	swait.ge [sflag:s23], $0x400  }
0x6d: {  	[sflag:s23] =	ssyncset.done $0x0  }
0x6e: {  	[sflag:s23] =	ssyncadd.s32 $0xFFFFFC00  }
0x6f: {  	_ =	swait.ge [sflag:s29], $0x400  }
0x70: {  	[sflag:s29] =	ssyncset.done $0x0  }
0x71: {  	[sflag:s29] =	ssyncadd.s32 $0xFFFFFC00  }
0x72: {  	[tilespmem:s24], [sflag:$0x5] =	stream.indirect.gather [hbm4b:s3+s19], $0x1, s17, s19, $0xb8;
	[tilespmem:$0x1000] =	vst v63  }
0x73: {  	_ = 	snop  }
0x74: {  	[tilespmem:s26], [sflag:$0x5] =	stream.indirect.gather [hbm4b:s3+s19], $0x1, s25, s19, $0xb8;
	[tilespmem:$0x1000] =	vst v63  }
.Ltmp0:
0x75: {  	_ =	swait.ge [sflag:s22], $0x200;
	(pc) =	sbr.rel @p0 .LBB2_2-.Ltmp0, $4  }
0x76: {  	[sflag:s22] =	ssyncset.done $0x0  }
0x77: {  	[sflag:s22] =	ssyncadd.s32 $0xFFFFFE00  }
0x78: {  	s0 =	sadd.s32 $0x800, s0;
	_ =	swait.ge [sflag:s22], $0x200  }
0x79: {  	s10 =	sadd.s32 s5, s7;
	s8 =	sshrl.u32 s0, $0x3;
	[sflag:s22] =	ssyncset.done $0x0  }
0x7a: {  	s0 =	sor.u32 $0x80, s8;
	[sflag:s22] =	ssyncadd.s32 $0xFFFFFE00  }
0x7b: {  	[hbm4b:s10+s4] =	stream.linear.scatter [tilespmem:s24], [sflag:$0x4], $0x400, $0x38;
	[tilespmem:$0x1000] =	vst v63  }
0x7c: {  	s2 =	sadd.s32 s1, s0  }
0x7d: {  	[tilespmem:s17], [sflag:$0x2] =	stream.linear.gather [hbm4b:s2+s4], $0x400, $0x38;
	[tilespmem:$0x1000] =	vst v63  }
0x7e: {  	_ =	swait.ge [sflag:s18], $0x400  }
0x7f: {  	[sflag:s18] =	ssyncset.done $0x0  }
0x80: {  	[sflag:s18] =	ssyncadd.s32 $0xFFFFFC00  }
0x81: {  	_ =	swait.ge [sflag:s28], $0x400  }
0x82: {  	[sflag:s28] =	ssyncset.done $0x0  }
0x83: {  	[sflag:s28] =	ssyncadd.s32 $0xFFFFFC00  }
0x84: {  	[tilespmem:s20], [sflag:$0x5] =	stream.indirect.gather [hbm4b:s3+s19], $0x1, s4, s19, $0xb8;
	[tilespmem:$0x1000] =	vst v63  }
0x85: {  	_ = 	snop  }
0x86: {  	[tilespmem:s21], [sflag:$0x5] =	stream.indirect.gather [hbm4b:s3+s19], $0x1, s19, s19, $0xb8;
	[tilespmem:$0x1000] =	vst v63  }
0x87: {  	_ =	swait.ge [sflag:s22], $0x200  }
0x88: {  	[sflag:s22] =	ssyncset.done $0x0  }
0x89: {  	[sflag:s22] =	ssyncadd.s32 $0xFFFFFE00  }
0x8a: {  	_ =	swait.ge [sflag:s22], $0x200  }
0x8b: {  	[sflag:s22] =	ssyncset.done $0x0  }
0x8c: {  	s8 =	sadd.s32 s5, s8;
	[sflag:s22] =	ssyncadd.s32 $0xFFFFFE00  }
0x8d: {  	[hbm4b:s8+s4] =	stream.linear.scatter [tilespmem:s20], [sflag:$0x3], $0x400, $0x38;
	[tilespmem:$0x1000] =	vst v63  }
0x8e: {  	s10 =	sadd.s32 s31, s16  }
0x8f: {  	[tilespmem:s4], [sflag:$0x1] =	stream.linear.gather [hbm4b:s10+s4], $0x400, $0x38;
	[tilespmem:$0x1000] =	vst v63  }
0x90: {  	_ =	swait.ge [sflag:s23], $0x400  }
0x91: {  	[sflag:s23] =	ssyncset.done $0x0  }
0x92: {  	[sflag:s23] =	ssyncadd.s32 $0xFFFFFC00  }
0x93: {  	_ =	swait.ge [sflag:s29], $0x400  }
0x94: {  	[sflag:s29] =	ssyncset.done $0x0  }
0x95: {  	[sflag:s29] =	ssyncadd.s32 $0xFFFFFC00  }
0x96: {  	[tilespmem:s24], [sflag:$0x5] =	stream.indirect.gather [hbm4b:s3+s19], $0x1, s17, s19, $0xb8;
	[tilespmem:$0x1000] =	vst v63  }
0x97: {  	_ = 	snop  }
0x98: {  	[tilespmem:s26], [sflag:$0x5] =	stream.indirect.gather [hbm4b:s3+s19], $0x1, s25, s19, $0xb8;
	[tilespmem:$0x1000] =	vst v63  }
0x99: {  	_ =	swait.ge [sflag:s22], $0x200  }
0x9a: {  	[sflag:s22] =	ssyncset.done $0x0  }
0x9b: {  	[sflag:s22] =	ssyncadd.s32 $0xFFFFFE00  }
0x9c: {  	_ =	swait.ge [sflag:s22], $0x200  }
0x9d: {  	[sflag:s22] =	ssyncset.done $0x0  }
0x9e: {  	s0 =	sadd.s32 s5, s0;
	[sflag:s22] =	ssyncadd.s32 $0xFFFFFE00  }
0x9f: {  	[hbm4b:s0+s4] =	stream.linear.scatter [tilespmem:s24], [sflag:$0x4], $0x400, $0x38;
	[tilespmem:$0x1000] =	vst v63  }
0xa0: {  	_ = 	snop  }
0xa1: {  	[tilespmem:s17], [sflag:$0x2] =	stream.linear.gather [hbm4b:s12+s4], $0x400, $0x38;
	[tilespmem:$0x1000] =	vst v63  }
0xa2: {  	_ =	swait.ge [sflag:s18], $0x400  }
0xa3: {  	[sflag:s18] =	ssyncset.done $0x0  }
0xa4: {  	[sflag:s18] =	ssyncadd.s32 $0xFFFFFC00  }
0xa5: {  	_ =	swait.ge [sflag:s28], $0x400  }
0xa6: {  	[sflag:s28] =	ssyncset.done $0x0  }
0xa7: {  	[sflag:s28] =	ssyncadd.s32 $0xFFFFFC00  }
0xa8: {  	[tilespmem:s20], [sflag:$0x5] =	stream.indirect.gather [hbm4b:s3+s19], $0x1, s4, s19, $0xb8;
	[tilespmem:$0x1000] =	vst v63  }
0xa9: {  	_ = 	snop  }
0xaa: {  	[tilespmem:s21], [sflag:$0x5] =	stream.indirect.gather [hbm4b:s3+s19], $0x1, s19, s19, $0xb8;
	[tilespmem:$0x1000] =	vst v63  }
0xab: {  	_ =	swait.ge [sflag:s22], $0x200  }
0xac: {  	[sflag:s22] =	ssyncset.done $0x0  }
0xad: {  	[sflag:s22] =	ssyncadd.s32 $0xFFFFFE00  }
0xae: {  	_ =	swait.ge [sflag:s22], $0x200  }
0xaf: {  	[sflag:s22] =	ssyncset.done $0x0  }
0xb0: {  	[sflag:s22] =	ssyncadd.s32 $0xFFFFFE00  }
0xb1: {  	[hbm4b:s13+s4] =	stream.linear.scatter [tilespmem:s20], [sflag:$0x3], $0x400, $0x38;
	[tilespmem:$0x1000] =	vst v63  }
0xb2: {  	_ =	swait.ge [sflag:s23], $0x400  }
0xb3: {  	[sflag:s23] =	ssyncset.done $0x0  }
0xb4: {  	[sflag:s23] =	ssyncadd.s32 $0xFFFFFC00  }
0xb5: {  	_ =	swait.ge [sflag:s29], $0x400  }
0xb6: {  	[sflag:s29] =	ssyncset.done $0x0  }
0xb7: {  	[sflag:s29] =	ssyncadd.s32 $0xFFFFFC00  }
0xb8: {  	[tilespmem:s24], [sflag:$0x5] =	stream.indirect.gather [hbm4b:s3+s19], $0x1, s17, s19, $0xb8;
	[tilespmem:$0x1000] =	vst v63  }
0xb9: {  	_ = 	snop  }
0xba: {  	[tilespmem:s26], [sflag:$0x5] =	stream.indirect.gather [hbm4b:s3+s19], $0x1, s25, s19, $0xb8;
	[tilespmem:$0x1000] =	vst v63  }
0xbb: {  	_ =	swait.ge [sflag:s22], $0x200  }
0xbc: {  	[sflag:s22] =	ssyncset.done $0x0  }
0xbd: {  	[sflag:s22] =	ssyncadd.s32 $0xFFFFFE00  }
0xbe: {  	_ =	swait.ge [sflag:s22], $0x200  }
0xbf: {  	[sflag:s22] =	ssyncset.done $0x0  }
0xc0: {  	[sflag:s22] =	ssyncadd.s32 $0xFFFFFE00  }
0xc1: {  	[hbm4b:s14+s4] =	stream.linear.scatter [tilespmem:s24], [sflag:$0x4], $0x400, $0x38;
	[tilespmem:$0x1000] =	vst v63  }
0xc2: {  	_ =	swait.ge [sflag:s28], $0x400  }
0xc3: {  	[sflag:s28] =	ssyncset.done $0x0  }
0xc4: {  	[sflag:s28] =	ssyncadd.s32 $0xFFFFFC00  }
0xc5: {  	_ =	swait.ge [sflag:s29], $0x400  }
0xc6: {  	s30 =	sadd.s32 $0x1, s30;
	s31 =	rddreg [dreg:$0x5]  }
0xc7: {  	p0 =	sne.s32 s30, s31  }
.Ltmp1:
0xc8: {  	_ = 	snop;
	(pc) =	sbr.rel @p0 .LBB2_1-.Ltmp1, $3  }
0xc9: {  	_ =	sdelay $0x1  }
0xca: {  	[sflag:s29] =	ssyncset.done $0x0  }
0xcb: {  	[sflag:s29] =	ssyncadd.s32 $0xFFFFFC00  }
0xcc: {  	_ =	sfence.sel $0x180000  }
0xcd: {  	[bflag:$0x0] =	sbarrier.arrive $0xFFFF  }
0xce: {  	_ =	strace $0x90000050  }
0xcf: {  	s0 =	stileid.u32;
	[bflag:$0x2] =	sbarrier.arrive $0xFFFF  }
0xd0: {  	p0 =	sne.s32 s0, $0x0;
	s0 =	rddreg [dreg:$0x3]  }
0xd1: {  	s0 =	sadd.s32 @!p0 $0x100000, s0  }
0xd2: {  	[sflag:s0] =	ssyncadd.tile.s32 @!p0 $0x1;
	_ =	shalt  }
.Lfunc_end2:
_tile_overlayer_lowered:
.L_overlay_start_2:
0xd3: {  	(tag) =	ssettag $0x2  }
0xd4: {  	s0 =	rddreg [dreg:$0x0];
	s2 =	stileid.u32  }
0xd5: {  	s1 =	rddreg [dreg:$0x1];
	p0 =	sne.s32 s2, $0x0  }
0xd6: {  	s3 =	rddreg [dreg:$0x2];
	[bflag:$0x3] =	sbarrier.arrive $0xFFFF;
	s2 =	simm.s32 @!p0 $0x1C06  }
0xd7: {  	[timem:s3], [sflag:s2] =	dma.local @!p0 [hbm:s0], s1  }
0xd8: {  	s0 =	simm.s32 @!p0 $0x6  }
0xd9: {  	_ =	swait.ge @!p0 [sflag:s0], s1  }
0xda: {  	s1 =	ssub.s32 @!p0 $0x0, s1;
	[sflag:s0] =	ssyncset.done @!p0 $0x0  }
0xdb: {  	[sflag:s0] =	ssyncadd.s32 @!p0 s1  }
0xdc: {  	[bflag:$0x3] =	sbarrier.arrive $0xFFFF  }
0xdd: {  	_ =	shalt  }

// kernel: kernel.19.cloned.1.call-start
scs
__scs_entry_jumppad:
0x0: {  	(pc) =	sbr.rel $0x88, $3  }
0x1: {  	(tag) =	ssettag $0x0;
	lr =	simm.s32 $0x1  }
0x2: {  	[smem:$0x3F9C] =	sst lr;
	_ =	strace $0xD0000000  }
0x3: {  	_ = 	snop  }
0x4: {  	_ = 	snop  }
0x5: {  	_ = 	snop  }
0x6: {  	_ = 	snop  }
0x7: {  	_ = 	snop  }
__scs_overlays_trampoline_lowered:
0x8: {  	[smem:$0x3FAB] =	sst s0  }
0x9: {  	[smem:$0x3FAC] =	sst s1  }
0xa: {  	[smem:$0x3FAD] =	sst s2  }
0xb: {  	[smem:$0x3FAE] =	sst s3  }
0xc: {  	[smem:$0x3FAF] =	sst s4  }
0xd: {  	[smem:$0x3FB0] =	sst s5  }
0xe: {  	[smem:$0x3FB1] =	sst s6  }
0xf: {  	[smem:$0x3FB2] =	sst s7  }
0x10: {  	[smem:$0x3FB3] =	sst s8  }
0x11: {  	[smem:$0x3FB4] =	sst s9;
	s0 =	simm.s32 @!p0 $0x0  }
0x12: {  	s1 =	sld [smem:$0x3F9A];
	s0 =	simm.s32 @p0 $0x1  }
0x13: {  	[smem:$0x3FB5] =	sst s0;
	s0 =	simm.s32 @!p1 $0x0  }
0x14: {  	s2 =	sld [smem:$0x3F99];
	s0 =	simm.s32 @p1 $0x1  }
0x15: {  	[smem:$0x3FB6] =	sst s0;
	s0 =	simm.s32 @!p2 $0x0  }
0x16: {  	s3 =	sld [smem:$0x3FDB];
	s0 =	simm.s32 @p2 $0x1  }
0x17: {  	s4 =	simm.s32 $0x1BF5;
	[smem:$0x3FB8] =	sst s0  }
0x18: {  	s0 =	sld [smem:$0x3F9B];
	_ =	swait.ge [sflag:s4], $0x0  }
0x19: {  	s7 =	sld [smem:$0x3F9C]  }
0x1a: {  	s8 =	sadd.s32 $0xFFFFE003, lr  }
0x1b: {  	s9 =	sadd.s32 $0xFFFFFEF7, lr;
	s5 =	simm.s32 $0xFFFFFFFF;
	p2 =	slt.u32 s8, $0xFFFFF086  }
0x1c: {  	p1 =	slt.u32 s9, $0xF7A;
	s5 =	simm.s32 @!p2 $0x0  }
0x1d: {  	s5 =	simm.s32 @p1 $0x1;
	p0 =	seq.s32 s7, s2  }
0x1e: {  	s7 =	smul.u32 @!p0 $0xF7A, s2;
	p2 =	seq.s32 @!p0 s5, $0x0  }
0x1f: {  	s9 =	smul.u32 $0xF7A, s1;
	s8 =	simm.s32 @!p0 $0x1BF5;
	p2 =	por !p2, p0  }
0x20: {  	[sflag:s8] =	ssyncset.s32 @!p0 $0xFFFFF086;
	s6 =	sadd.s32 @!p0 s3, s7;
	s7 =	simm.s32 @!p0 $0x108  }
0x21: {  	s3 =	sadd.s32 s3, s9;
	s6 =	sadd.s32 @!p0 $0x88, s6;
	s7 =	simm.s32 @p2 $0x1082  }
0x22: {  	[simem:s7], [sflag:s8] =	dma.local @!p0 [hbm:s6], $0xF7A  }
0x23: {  	s9 =	sor.u32 $0xD0000000, s2;
	s6 =	simm.s32 $0x108;
	_ =	swait.ge @!p0 [sflag:s8], $0x0  }
0x24: {  	s3 =	sadd.s32 $0x88, s3;
	s6 =	simm.s32 @!p1 $0x1082;
	[sflag:s4] =	ssyncset.s32 $0xFFFFF086  }
0x25: {  	[simem:s6], [sflag:s4] =	dma.local [hbm:s3], $0xF7A  }
0x26: {  	[smem:$0x3F9C] =	sst s1;
	(tag) =	ssettag s2;
	_ =	strace s9  }
0x27: {  	s1 =	sld [smem:$0x3FAC]  }
0x28: {  	s2 =	sld [smem:$0x3FAD]  }
0x29: {  	s4 =	sld [smem:$0x3FAF]  }
0x2a: {  	p0 =	seq.s32 s5, $0x0;
	s5 =	sld [smem:$0x3FB0]  }
0x2b: {  	s6 =	sld [smem:$0x3FB1]  }
0x2c: {  	s7 =	sld [smem:$0x3FB2]  }
0x2d: {  	s3 =	simm.s32 $0x108;
	s8 =	sld [smem:$0x3FB3]  }
0x2e: {  	s3 =	simm.s32 @!p0 $0x1082;
	s9 =	sld [smem:$0x3FB4]  }
0x2f: {  	lr =	sadd.s32 s0, s3;
	s0 =	sld [smem:$0x3FAB]  }
0x30: {  	s3 =	sld [smem:$0x3FAE]  }
0x31: {  	[smem:$0x3FB7] =	sst s10  }
0x32: {  	s10 =	sld [smem:$0x3FB5];
	_ =	sdelay $0x3  }
0x33: {  	p0 =	seq.s32 s10, $0x1;
	s10 =	sld [smem:$0x3FB7];
	_ =	sdelay $0x3  }
0x34: {  	[smem:$0x3FB7] =	sst s10  }
0x35: {  	s10 =	sld [smem:$0x3FB6];
	_ =	sdelay $0x3  }
0x36: {  	p1 =	seq.s32 s10, $0x1;
	s10 =	sld [smem:$0x3FB7];
	_ =	sdelay $0x3  }
0x37: {  	[smem:$0x3FB7] =	sst s10  }
0x38: {  	s10 =	sld [smem:$0x3FB8]  }
0x39: {  	_ = 	snop;
	(pc) =	sbr.ind lr, $3  }
0x3a: {  	_ = 	snop  }
0x3b: {  	_ = 	snop  }
0x3c: {  	p2 =	seq.s32 s10, $0x1;
	s10 =	sld [smem:$0x3FB7]  }
0x3d: {  	_ =	shalt  }
0x3e: {  	_ =	shalt  }
0x3f: {  	_ =	shalt  }
0x40: {  	_ =	shalt  }
0x41: {  	_ =	shalt  }
0x42: {  	_ =	shalt  }
0x43: {  	_ =	shalt  }
0x44: {  	_ =	shalt  }
0x45: {  	_ =	shalt  }
0x46: {  	_ =	shalt  }
0x47: {  	_ =	shalt  }
0x48: {  	_ =	shalt  }
0x49: {  	_ =	shalt  }
0x4a: {  	_ =	shalt  }
0x4b: {  	_ =	shalt  }
0x4c: {  	_ =	shalt  }
0x4d: {  	_ =	shalt  }
0x4e: {  	_ =	shalt  }
0x4f: {  	_ =	shalt  }
0x50: {  	_ =	shalt  }
0x51: {  	_ =	shalt  }
0x52: {  	_ =	shalt  }
0x53: {  	_ =	shalt  }
0x54: {  	_ =	shalt  }
0x55: {  	_ =	shalt  }
0x56: {  	_ =	shalt  }
0x57: {  	_ =	shalt  }
0x58: {  	_ =	shalt  }
0x59: {  	_ =	shalt  }
0x5a: {  	_ =	shalt  }
0x5b: {  	_ =	shalt  }
0x5c: {  	_ =	shalt  }
0x5d: {  	_ =	shalt  }
0x5e: {  	_ =	shalt  }
0x5f: {  	_ =	shalt  }
0x60: {  	_ =	shalt  }
0x61: {  	_ =	shalt  }
0x62: {  	_ =	shalt  }
0x63: {  	_ =	shalt  }
0x64: {  	_ =	shalt  }
0x65: {  	_ =	shalt  }
0x66: {  	_ =	shalt  }
0x67: {  	_ =	shalt  }
0x68: {  	_ =	shalt  }
0x69: {  	_ =	shalt  }
0x6a: {  	_ =	shalt  }
0x6b: {  	_ =	shalt  }
0x6c: {  	_ =	shalt  }
0x6d: {  	_ =	shalt  }
0x6e: {  	_ =	shalt  }
0x6f: {  	_ =	shalt  }
0x70: {  	_ =	shalt  }
0x71: {  	_ =	shalt  }
0x72: {  	_ =	shalt  }
0x73: {  	_ =	shalt  }
0x74: {  	_ =	shalt  }
0x75: {  	_ =	shalt  }
0x76: {  	_ =	shalt  }
0x77: {  	_ =	shalt  }
0x78: {  	_ =	shalt  }
0x79: {  	_ =	shalt  }
0x7a: {  	_ =	shalt  }
0x7b: {  	_ =	shalt  }
0x7c: {  	_ =	shalt  }
0x7d: {  	_ =	shalt  }
0x7e: {  	_ =	shalt  }
0x7f: {  	_ =	shalt  }
0x80: {  	_ =	shalt  }
0x81: {  	_ =	shalt  }
0x82: {  	_ =	shalt  }
0x83: {  	_ =	shalt  }
0x84: {  	_ =	shalt  }
0x85: {  	_ =	shalt  }
0x86: {  	_ =	shalt  }
0x87: {  	_ =	shalt  }
.Lfunc_end0:
.L_simem_size_0:
called_computation.3_lowered:
.L_overlay_start_0:
0x88: {  	s2 =	sld [smem:$0x3FD9]  }
0x89: {  	s3 =	sld [smem:$0x3FFE];
	_ =	sdelay $0x1  }
0x8a: {  	s1 =	srdreg.scid  }
0x8b: {  	s0 =	sand.u32 $0x1, s1  }
0x8c: {  	s17 =	sshll.u32 s0, $0xA;
	s2 =	sadd.s32 s3, s2  }
0x8d: {  	s2 =	sadd.s32 s2, s17  }
0x8e: {  	[smem:$0x3FC3] =	sst s2  }
0x8f: {  	_ = 	snop  }
0x90: {  	s2 =	sld [smem:$0x3FC6];
	(tm) =	ssettm $0x1  }
0x91: {  	s18 =	sld [smem:$0x3FFB];
	_ =	sdelay $0x3  }
0x92: {  	_ =	strace s18  }
0x93: {  	s3 =	sld [smem:$0x3FFC];
	_ =	sdelay $0x3  }
0x94: {  	_ =	strace s3  }
0x95: {  	s3 =	sld [smem:$0x3FFD];
	_ =	sdelay $0x3  }
0x96: {  	_ =	strace s3  }
0x97: {  	_ =	strace $0x8FFFFFFF  }
0x98: {  	s19 =	sld [smem:$0x3FDB];
	_ =	sdelay $0x1  }
0x99: {  	s4 =	simm.s32 $_scs_section_size  }
0x9a: {  	s5 =	simm.s32 $_size__tile_overlayer_lowered;
	s6 =	simm.s32 $_tile_overlayer_lowered  }
0x9b: {  	s22 =	simm.s32 $0x1BFF;
	s21 =	sshll.u32 s6, $0x1;
	s3 =	sadd.s32 s4, s19  }
0x9c: {  	s7 =	simm.s32 $0x0;
	s20 =	sshll.u32 s5, $0x1;
	s5 =	sadd.s32 s21, s3  }
0x9d: {  	[timem:s7], [sflag:s22] =	dma.local [hbm:s5], s20  }
0x9e: {  	_ =	swait.ge [sflag:s22], s20  }
0x9f: {  	s4 =	ssub.s32 $0x0, s20;
	[sflag:s22] =	ssyncset.done $0x0  }
0xa0: {  	[sflag:s22] =	ssyncadd.s32 s4;
	_ =	sdelay $0x1  }
0xa1: {  	s23 =	simm.s32 $0x1B8B  }
0xa2: {  	_ =	swait.ge [sflag:s23], $0x1  }
0xa3: {  	[sflag:s23] =	ssyncset.done $0x0  }
0xa4: {  	s25 =	simm.s32 $0x1B8E;
	s24 =	sld [smem:$0x3FFE];
	[sflag:s23] =	ssyncadd.s32 $0xFFFFFFFF  }
0xa5: {  	s26 =	simm.s32 $execute0_lowered;
	[smem:$0x3FD2] =	sst s25  }
0xa6: {  	s5 =	sshll.u32 s26, $0x1;
	_ =	strace $0x80000046;
	[dreg:$0x1] =	wrdreg $0xFFFFFFFF  }
0xa7: {  	s28 =	simm.s32 $_size_execute0_lowered;
	s3 =	sadd.s32 s3, s5;
	[dreg:$0x0] =	wrdreg $0x0  }
0xa8: {  	s5 =	sshll.u32 s28, $0x1;
	[dreg:$0x2] =	wrdreg s3  }
0xa9: {  	[dreg:$0x3] =	wrdreg s5  }
0xaa: {  	[dreg:$0x4] =	wrdreg $0xC0  }
0xab: {  	_ =	task [dreg:s7], $0x5FFFF  }
0xac: {  	[dreg:$0x1] =	wrdreg $0xFFFFFFFF  }
0xad: {  	[dreg:$0x0] =	wrdreg $0x60  }
0xae: {  	[dreg:$0x2] =	wrdreg s24  }
0xaf: {  	[dreg:$0x3] =	wrdreg s2  }
0xb0: {  	[dreg:$0x4] =	wrdreg $0xC  }
0xb1: {  	_ =	task.clear_ibuf [dreg:s7], $0x5FFFF;
	_ =	strace $0x90000046  }
0xb2: {  	s29 =	simm.s32 $0xC;
	_ =	strace $0x80000048  }
0xb3: {  	_ =	swait.ge [sflag:s29], $0x1  }
0xb4: {  	[sflag:s29] =	ssyncadd.s32 $0xFFFFFFFF  }
0xb5: {  	_ =	strace $0x90000048  }
0xb6: {  	_ =	sfence  }
0xb7: {  	s30 =	sld [smem:$0x0];
	_ =	sdelay $0x2  }
0xb8: {  	s31 =	sshll.u32 s1, $0xD;
	s1 =	sshrl.u32 s1, $0x2  }
0xb9: {  	s3 =	sand.u32 $0x4000, s31;
	s1 =	sadd.s32 s1, s30  }
0xba: {  	s0 =	sor.u32 s3, s0;
	s1 =	sshll.u32 s1, $0x11  }
0xbb: {  	s0 =	sor.u32 s1, s0  }
0xbc: {  	s0 =	sadd.s32 $0x8F2B, s0  }
0xbd: {  	[sflag:s0] =	ssyncadd.remote.s32 $0x1  }
0xbe: {  	_ =	sfence.sel $0xFFFF  }
0xbf: {  	[dreg:$0x0] =	wrdreg $0xFFFFFFFF;
	(pc) =	sbr.abs _section_cstart, $3  }
0xc0: {  	[dreg:$0x1] =	wrdreg $0xFFFFFFFF  }
0xc1: {  	_ =	task.clear_ibuf [dreg:s7], $0x2FFFF;
	_ =	strace $0x9FFFFFFF  }
0xc2: {  	(tm) =	ssettm $0x7FFFFFFF  }
0xc3: {  	_ =	shalt  }
tec
execute0_lowered:
.L_overlay_start_1:
0x0: {  	(tag) =	ssettag $0x1  }
0x1: {  	s0 =	rddreg [dreg:$0x0]  }
0x2: {  	s3 =	rddreg [dreg:$0x1];
	s2 =	simm.s32 $0x0;
	s1 =	srdreg.scid  }
0x3: {  	s6 =	stileid.u32;
	s8 =	simm.s32 $0x200;
	s12 =	simm.s32 $0x800  }
0x4: {  	p0 =	por $0x0, $0x0;
	s13 =	simm.s32 $0x600;
	s10 =	simm.s32 $0x3  }
0x5: {  	[smem:$0x7FF] =	sst s2;
	s4 =	sadd.s32 $0x2E00, s0;
	s1 =	sand.u32 $0x1, s1  }
0x6: {  	s6 =	sshll.u32 s6, $0xB;
	s5 =	ssub.s32 $0x2, s1;
	s1 =	sshll.u32 s1, $0xA  }
0x7: {  	s0 =	sadd.s32 $0xAE00, s0;
	s7 =	sshrl.u32 s5, $0x1;
	s1 =	sor.u32 s1, s6  }
0x8: {  	_ =	strace $0x80000047;
	s5 =	ssub.s32 s5, s7;
	s6 =	sadd.s32 s4, s1  }
0x9: {  	s14 =	sor.u32 $0x80, s1;
	s29 =	sadd.s32 s0, s1;
	s15 =	sor.u32 $0x100, s1  }
0xa: {  	s16 =	sor.u32 $0x180, s1;
	s17 =	sor.u32 $0x200, s1;
	s18 =	sor.u32 $0x280, s1  }
0xb: {  	s19 =	sor.u32 $0x300, s1;
	s1 =	sor.u32 $0x380, s1;
	s7 =	simm.s32 $0x4  }
0xc: {  	[dreg:$0x3] =	wrdreg s6;
	s9 =	smax.u32 s5, $0x1;
	s31 =	sadd.s32 s4, s14  }
0xd: {  	s30 =	sadd.s32 s4, s15;
	s26 =	sadd.s32 s0, s14;
	s28 =	sadd.s32 s4, s16  }
0xe: {  	s24 =	sadd.s32 s0, s15;
	s25 =	sadd.s32 s4, s17;
	s22 =	sadd.s32 s0, s16  }
0xf: {  	s23 =	sadd.s32 s4, s18;
	s20 =	sadd.s32 s0, s17;
	p1 =	sne.s32 s9, $0x1  }
.Ltmp0:
0x10: {  	s21 =	sadd.s32 s4, s19;
	s17 =	sadd.s32 s0, s18;
	(pc) =	sbr.rel @!p1 .LBB2_3-.Ltmp0, $4  }
0x11: {  	s18 =	sadd.s32 s4, s1;
	s11 =	sadd.s32 s0, s19;
	s4 =	sadd.s32 s0, s1  }
0x12: {  	s6 =	simm.s32 $0x400;
	s19 =	simm.s32 $0x1;
	s16 =	simm.s32 $0xA00  }
0x13: {  	s5 =	simm.s32 $0x5;
	s15 =	simm.s32 $0x2;
	s14 =	simm.s32 $0xE00  }
0x14: {  	s0 =	sadd.s32 $0xFFFFFFFF, s9;
	s9 =	simm.s32 $0xC00;
	s1 =	rddreg [dreg:$0x3]  }
0x15: {  	[tilespmem:s2], [sflag:$0x1] =	stream.linear.gather [hbm4b:s1+s2], $0x400, $0x38;
	[tilespmem:$0x1000] =	vst v63  }
0x16: {  	_ = 	snop  }
0x17: {  	[tilespmem:s6], [sflag:$0x2] =	stream.linear.gather [hbm4b:s31+s2], $0x400, $0x38;
	[tilespmem:$0x1000] =	vst v63  }
0x18: {  	_ =	swait.ge [sflag:s19], $0x400  }
0x19: {  	[sflag:s19] =	ssyncset.done $0x0  }
0x1a: {  	[sflag:s19] =	ssyncadd.s32 $0xFFFFFC00  }
0x1b: {  	[tilespmem:s12], [sflag:$0x5] =	stream.indirect.gather [hbm4b:s3+s8], $0x1, s2, s8, $0xb8;
	[tilespmem:$0x1000] =	vst v63  }
0x1c: {  	_ = 	snop  }
0x1d: {  	[tilespmem:s16], [sflag:$0x5] =	stream.indirect.gather [hbm4b:s3+s8], $0x1, s8, s8, $0xb8;
	[tilespmem:$0x1000] =	vst v63  }
0x1e: {  	_ =	swait.ge [sflag:s5], $0x200  }
0x1f: {  	[sflag:s5] =	ssyncset.done $0x0  }
0x20: {  	[sflag:s5] =	ssyncadd.s32 $0xFFFFFE00  }
0x21: {  	_ =	swait.ge [sflag:s5], $0x200  }
0x22: {  	[sflag:s5] =	ssyncset.done $0x0  }
0x23: {  	[sflag:s5] =	ssyncadd.s32 $0xFFFFFE00  }
0x24: {  	[hbm4b:s29+s2] =	stream.linear.scatter [tilespmem:s12], [sflag:$0x3], $0x400, $0x38;
	[tilespmem:$0x1000] =	vst v63  }
0x25: {  	_ = 	snop  }
0x26: {  	[tilespmem:s2], [sflag:$0x1] =	stream.linear.gather [hbm4b:s30+s2], $0x400, $0x38;
	[tilespmem:$0x1000] =	vst v63  }
0x27: {  	_ =	swait.ge [sflag:s15], $0x400  }
0x28: {  	[sflag:s15] =	ssyncset.done $0x0  }
0x29: {  	[sflag:s15] =	ssyncadd.s32 $0xFFFFFC00  }
0x2a: {  	[tilespmem:s9], [sflag:$0x5] =	stream.indirect.gather [hbm4b:s3+s8], $0x1, s6, s8, $0xb8;
	[tilespmem:$0x1000] =	vst v63  }
0x2b: {  	_ = 	snop  }
0x2c: {  	[tilespmem:s14], [sflag:$0x5] =	stream.indirect.gather [hbm4b:s3+s8], $0x1, s13, s8, $0xb8;
	[tilespmem:$0x1000] =	vst v63  }
0x2d: {  	_ =	swait.ge [sflag:s5], $0x200  }
0x2e: {  	[sflag:s5] =	ssyncset.done $0x0  }
0x2f: {  	[sflag:s5] =	ssyncadd.s32 $0xFFFFFE00  }
0x30: {  	_ =	swait.ge [sflag:s5], $0x200  }
0x31: {  	[sflag:s5] =	ssyncset.done $0x0  }
0x32: {  	[sflag:s5] =	ssyncadd.s32 $0xFFFFFE00  }
0x33: {  	[hbm4b:s26+s2] =	stream.linear.scatter [tilespmem:s9], [sflag:$0x4], $0x400, $0x38;
	[tilespmem:$0x1000] =	vst v63  }
0x34: {  	_ = 	snop  }
0x35: {  	[tilespmem:s6], [sflag:$0x2] =	stream.linear.gather [hbm4b:s28+s2], $0x400, $0x38;
	[tilespmem:$0x1000] =	vst v63  }
0x36: {  	_ =	swait.ge [sflag:s19], $0x400  }
0x37: {  	[sflag:s19] =	ssyncset.done $0x0  }
0x38: {  	[sflag:s19] =	ssyncadd.s32 $0xFFFFFC00  }
0x39: {  	_ =	swait.ge [sflag:s10], $0x400  }
0x3a: {  	[sflag:s10] =	ssyncset.done $0x0  }
0x3b: {  	[sflag:s10] =	ssyncadd.s32 $0xFFFFFC00  }
0x3c: {  	[tilespmem:s12], [sflag:$0x5] =	stream.indirect.gather [hbm4b:s3+s8], $0x1, s2, s8, $0xb8;
	[tilespmem:$0x1000] =	vst v63  }
0x3d: {  	_ = 	snop  }
0x3e: {  	[tilespmem:s16], [sflag:$0x5] =	stream.indirect.gather [hbm4b:s3+s8], $0x1, s8, s8, $0xb8;
	[tilespmem:$0x1000] =	vst v63  }
0x3f: {  	_ =	swait.ge [sflag:s5], $0x200  }
0x40: {  	[sflag:s5] =	ssyncset.done $0x0  }
0x41: {  	[sflag:s5] =	ssyncadd.s32 $0xFFFFFE00  }
0x42: {  	_ =	swait.ge [sflag:s5], $0x200  }
0x43: {  	[sflag:s5] =	ssyncset.done $0x0  }
0x44: {  	[sflag:s5] =	ssyncadd.s32 $0xFFFFFE00  }
0x45: {  	[hbm4b:s24+s2] =	stream.linear.scatter [tilespmem:s12], [sflag:$0x3], $0x400, $0x38;
	[tilespmem:$0x1000] =	vst v63  }
0x46: {  	_ = 	snop  }
0x47: {  	[tilespmem:s2], [sflag:$0x1] =	stream.linear.gather [hbm4b:s25+s2], $0x400, $0x38;
	[tilespmem:$0x1000] =	vst v63  }
0x48: {  	_ =	swait.ge [sflag:s15], $0x400  }
0x49: {  	[sflag:s15] =	ssyncset.done $0x0  }
0x4a: {  	[sflag:s15] =	ssyncadd.s32 $0xFFFFFC00  }
0x4b: {  	_ =	swait.ge [sflag:s7], $0x400  }
0x4c: {  	[sflag:s7] =	ssyncset.done $0x0  }
0x4d: {  	[sflag:s7] =	ssyncadd.s32 $0xFFFFFC00  }
0x4e: {  	[tilespmem:s9], [sflag:$0x5] =	stream.indirect.gather [hbm4b:s3+s8], $0x1, s6, s8, $0xb8;
	[tilespmem:$0x1000] =	vst v63  }
0x4f: {  	_ = 	snop  }
0x50: {  	[tilespmem:s14], [sflag:$0x5] =	stream.indirect.gather [hbm4b:s3+s8], $0x1, s13, s8, $0xb8;
	[tilespmem:$0x1000] =	vst v63  }
0x51: {  	_ =	swait.ge [sflag:s5], $0x200  }
0x52: {  	[sflag:s5] =	ssyncset.done $0x0  }
0x53: {  	[sflag:s5] =	ssyncadd.s32 $0xFFFFFE00  }
0x54: {  	_ =	swait.ge [sflag:s5], $0x200  }
0x55: {  	[sflag:s5] =	ssyncset.done $0x0  }
0x56: {  	[sflag:s5] =	ssyncadd.s32 $0xFFFFFE00  }
0x57: {  	[hbm4b:s22+s2] =	stream.linear.scatter [tilespmem:s9], [sflag:$0x4], $0x400, $0x38;
	[tilespmem:$0x1000] =	vst v63  }
0x58: {  	_ = 	snop  }
0x59: {  	[tilespmem:s6], [sflag:$0x2] =	stream.linear.gather [hbm4b:s23+s2], $0x400, $0x38;
	[tilespmem:$0x1000] =	vst v63  }
0x5a: {  	_ =	swait.ge [sflag:s19], $0x400  }
0x5b: {  	[sflag:s19] =	ssyncset.done $0x0  }
0x5c: {  	[sflag:s19] =	ssyncadd.s32 $0xFFFFFC00  }
0x5d: {  	_ =	swait.ge [sflag:s10], $0x400  }
0x5e: {  	[sflag:s10] =	ssyncset.done $0x0  }
0x5f: {  	[sflag:s10] =	ssyncadd.s32 $0xFFFFFC00  }
0x60: {  	[tilespmem:s12], [sflag:$0x5] =	stream.indirect.gather [hbm4b:s3+s8], $0x1, s2, s8, $0xb8;
	[tilespmem:$0x1000] =	vst v63  }
0x61: {  	_ = 	snop  }
0x62: {  	[tilespmem:s16], [sflag:$0x5] =	stream.indirect.gather [hbm4b:s3+s8], $0x1, s8, s8, $0xb8;
	[tilespmem:$0x1000] =	vst v63  }
0x63: {  	_ =	swait.ge [sflag:s5], $0x200  }
0x64: {  	[sflag:s5] =	ssyncset.done $0x0  }
0x65: {  	[sflag:s5] =	ssyncadd.s32 $0xFFFFFE00  }
0x66: {  	_ =	swait.ge [sflag:s5], $0x200  }
0x67: {  	[sflag:s5] =	ssyncset.done $0x0  }
0x68: {  	[sflag:s5] =	ssyncadd.s32 $0xFFFFFE00  }
0x69: {  	[hbm4b:s20+s2] =	stream.linear.scatter [tilespmem:s12], [sflag:$0x3], $0x400, $0x38;
	[tilespmem:$0x1000] =	vst v63  }
0x6a: {  	_ = 	snop  }
0x6b: {  	[tilespmem:s2], [sflag:$0x1] =	stream.linear.gather [hbm4b:s21+s2], $0x400, $0x38;
	[tilespmem:$0x1000] =	vst v63  }
0x6c: {  	_ =	swait.ge [sflag:s15], $0x400  }
0x6d: {  	[sflag:s15] =	ssyncset.done $0x0  }
0x6e: {  	[sflag:s15] =	ssyncadd.s32 $0xFFFFFC00  }
0x6f: {  	_ =	swait.ge [sflag:s7], $0x400  }
0x70: {  	[sflag:s7] =	ssyncset.done $0x0  }
0x71: {  	[sflag:s7] =	ssyncadd.s32 $0xFFFFFC00  }
0x72: {  	[tilespmem:s9], [sflag:$0x5] =	stream.indirect.gather [hbm4b:s3+s8], $0x1, s6, s8, $0xb8;
	[tilespmem:$0x1000] =	vst v63  }
0x73: {  	_ = 	snop  }
0x74: {  	[tilespmem:s14], [sflag:$0x5] =	stream.indirect.gather [hbm4b:s3+s8], $0x1, s13, s8, $0xb8;
	[tilespmem:$0x1000] =	vst v63  }
0x75: {  	_ =	swait.ge [sflag:s5], $0x200  }
0x76: {  	[sflag:s5] =	ssyncset.done $0x0  }
0x77: {  	[sflag:s5] =	ssyncadd.s32 $0xFFFFFE00  }
0x78: {  	_ =	swait.ge [sflag:s5], $0x200  }
0x79: {  	[sflag:s5] =	ssyncset.done $0x0  }
0x7a: {  	[sflag:s5] =	ssyncadd.s32 $0xFFFFFE00  }
0x7b: {  	[hbm4b:s17+s2] =	stream.linear.scatter [tilespmem:s9], [sflag:$0x4], $0x400, $0x38;
	[tilespmem:$0x1000] =	vst v63  }
0x7c: {  	_ = 	snop  }
0x7d: {  	[tilespmem:s6], [sflag:$0x2] =	stream.linear.gather [hbm4b:s18+s2], $0x400, $0x38;
	[tilespmem:$0x1000] =	vst v63  }
0x7e: {  	_ =	swait.ge [sflag:s19], $0x400  }
0x7f: {  	[sflag:s19] =	ssyncset.done $0x0  }
0x80: {  	[sflag:s19] =	ssyncadd.s32 $0xFFFFFC00  }
0x81: {  	_ =	swait.ge [sflag:s10], $0x400  }
0x82: {  	[sflag:s10] =	ssyncset.done $0x0  }
0x83: {  	[sflag:s10] =	ssyncadd.s32 $0xFFFFFC00  }
0x84: {  	[tilespmem:s12], [sflag:$0x5] =	stream.indirect.gather [hbm4b:s3+s8], $0x1, s2, s8, $0xb8;
	[tilespmem:$0x1000] =	vst v63  }
0x85: {  	_ = 	snop  }
0x86: {  	[tilespmem:s16], [sflag:$0x5] =	stream.indirect.gather [hbm4b:s3+s8], $0x1, s8, s8, $0xb8;
	[tilespmem:$0x1000] =	vst v63  }
0x87: {  	_ =	swait.ge [sflag:s5], $0x200  }
0x88: {  	[sflag:s5] =	ssyncset.done $0x0  }
0x89: {  	[sflag:s5] =	ssyncadd.s32 $0xFFFFFE00  }
0x8a: {  	_ =	swait.ge [sflag:s5], $0x200  }
0x8b: {  	[sflag:s5] =	ssyncset.done $0x0  }
0x8c: {  	[sflag:s5] =	ssyncadd.s32 $0xFFFFFE00  }
0x8d: {  	[hbm4b:s11+s2] =	stream.linear.scatter [tilespmem:s12], [sflag:$0x3], $0x400, $0x38;
	[tilespmem:$0x1000] =	vst v63  }
0x8e: {  	_ =	swait.ge [sflag:s15], $0x400  }
0x8f: {  	[sflag:s15] =	ssyncset.done $0x0  }
0x90: {  	[sflag:s15] =	ssyncadd.s32 $0xFFFFFC00  }
0x91: {  	_ =	swait.ge [sflag:s7], $0x400  }
0x92: {  	[sflag:s7] =	ssyncset.done $0x0  }
0x93: {  	[sflag:s7] =	ssyncadd.s32 $0xFFFFFC00  }
0x94: {  	[tilespmem:s9], [sflag:$0x5] =	stream.indirect.gather [hbm4b:s3+s8], $0x1, s6, s8, $0xb8;
	[tilespmem:$0x1000] =	vst v63  }
0x95: {  	_ = 	snop  }
0x96: {  	[tilespmem:s14], [sflag:$0x5] =	stream.indirect.gather [hbm4b:s3+s8], $0x1, s13, s8, $0xb8;
	[tilespmem:$0x1000] =	vst v63  }
0x97: {  	_ =	swait.ge [sflag:s5], $0x200  }
0x98: {  	[sflag:s5] =	ssyncset.done $0x0  }
0x99: {  	[sflag:s5] =	ssyncadd.s32 $0xFFFFFE00  }
0x9a: {  	_ =	swait.ge [sflag:s5], $0x200  }
0x9b: {  	[sflag:s5] =	ssyncset.done $0x0  }
0x9c: {  	p1 =	sne.s32 s0, $0x1;
	[sflag:s5] =	ssyncadd.s32 $0xFFFFFE00  }
0x9d: {  	[hbm4b:s4+s2] =	stream.linear.scatter [tilespmem:s9], [sflag:$0x4], $0x400, $0x38;
	[tilespmem:$0x1000] =	vst v63  }
.Ltmp1:
0x9e: {  	_ =	swait.ge [sflag:s10], $0x400;
	(pc) =	sbr.rel @!p1 .LBB2_3-.Ltmp1, $4  }
0x9f: {  	[sflag:s10] =	ssyncset.done $0x0  }
0xa0: {  	[sflag:s10] =	ssyncadd.s32 $0xFFFFFC00  }
0xa1: {  	s0 =	sadd.s32 $0xFFFFFFFF, s0;
	_ =	swait.ge [sflag:s7], $0x400  }
0xa2: {  	p0 =	por $0x1, $0x1;
	s1 =	rddreg [dreg:$0x3];
	[sflag:s7] =	ssyncset.done $0x0  }
.LBB2_2:
0xa3: {  	[sflag:s7] =	ssyncadd.s32 $0xFFFFFC00  }
0xa4: {  	[tilespmem:s2], [sflag:$0x1] =	stream.linear.gather [hbm4b:s1+s2], $0x400, $0x38;
	[tilespmem:$0x1000] =	vst v63  }
0xa5: {  	_ = 	snop  }
0xa6: {  	[tilespmem:s6], [sflag:$0x2] =	stream.linear.gather [hbm4b:s31+s2], $0x400, $0x38;
	[tilespmem:$0x1000] =	vst v63  }
0xa7: {  	_ =	swait.ge [sflag:s19], $0x400  }
0xa8: {  	[sflag:s19] =	ssyncset.done $0x0  }
0xa9: {  	[sflag:s19] =	ssyncadd.s32 $0xFFFFFC00  }
0xaa: {  	[tilespmem:s12], [sflag:$0x5] =	stream.indirect.gather [hbm4b:s3+s8], $0x1, s2, s8, $0xb8;
	[tilespmem:$0x1000] =	vst v63  }
0xab: {  	_ = 	snop  }
0xac: {  	[tilespmem:s16], [sflag:$0x5] =	stream.indirect.gather [hbm4b:s3+s8], $0x1, s8, s8, $0xb8;
	[tilespmem:$0x1000] =	vst v63  }
0xad: {  	_ =	swait.ge [sflag:s5], $0x200  }
0xae: {  	[sflag:s5] =	ssyncset.done $0x0  }
0xaf: {  	[sflag:s5] =	ssyncadd.s32 $0xFFFFFE00  }
0xb0: {  	_ =	swait.ge [sflag:s5], $0x200  }
0xb1: {  	[sflag:s5] =	ssyncset.done $0x0  }
0xb2: {  	[sflag:s5] =	ssyncadd.s32 $0xFFFFFE00  }
0xb3: {  	[hbm4b:s29+s2] =	stream.linear.scatter [tilespmem:s12], [sflag:$0x3], $0x400, $0x38;
	[tilespmem:$0x1000] =	vst v63  }
0xb4: {  	_ = 	snop  }
0xb5: {  	[tilespmem:s2], [sflag:$0x1] =	stream.linear.gather [hbm4b:s30+s2], $0x400, $0x38;
	[tilespmem:$0x1000] =	vst v63  }
0xb6: {  	_ =	swait.ge [sflag:s15], $0x400  }
0xb7: {  	[sflag:s15] =	ssyncset.done $0x0  }
0xb8: {  	[sflag:s15] =	ssyncadd.s32 $0xFFFFFC00  }
0xb9: {  	[tilespmem:s9], [sflag:$0x5] =	stream.indirect.gather [hbm4b:s3+s8], $0x1, s6, s8, $0xb8;
	[tilespmem:$0x1000] =	vst v63  }
0xba: {  	_ = 	snop  }
0xbb: {  	[tilespmem:s14], [sflag:$0x5] =	stream.indirect.gather [hbm4b:s3+s8], $0x1, s13, s8, $0xb8;
	[tilespmem:$0x1000] =	vst v63  }
0xbc: {  	_ =	swait.ge [sflag:s5], $0x200  }
0xbd: {  	[sflag:s5] =	ssyncset.done $0x0  }
0xbe: {  	[sflag:s5] =	ssyncadd.s32 $0xFFFFFE00  }
0xbf: {  	_ =	swait.ge [sflag:s5], $0x200  }
0xc0: {  	[sflag:s5] =	ssyncset.done $0x0  }
0xc1: {  	[sflag:s5] =	ssyncadd.s32 $0xFFFFFE00  }
0xc2: {  	[hbm4b:s26+s2] =	stream.linear.scatter [tilespmem:s9], [sflag:$0x4], $0x400, $0x38;
	[tilespmem:$0x1000] =	vst v63  }
0xc3: {  	_ = 	snop  }
0xc4: {  	[tilespmem:s6], [sflag:$0x2] =	stream.linear.gather [hbm4b:s28+s2], $0x400, $0x38;
	[tilespmem:$0x1000] =	vst v63  }
0xc5: {  	_ =	swait.ge [sflag:s19], $0x400  }
0xc6: {  	[sflag:s19] =	ssyncset.done $0x0  }
0xc7: {  	[sflag:s19] =	ssyncadd.s32 $0xFFFFFC00  }
0xc8: {  	_ =	swait.ge [sflag:s10], $0x400  }
0xc9: {  	[sflag:s10] =	ssyncset.done $0x0  }
0xca: {  	[sflag:s10] =	ssyncadd.s32 $0xFFFFFC00  }
0xcb: {  	[tilespmem:s12], [sflag:$0x5] =	stream.indirect.gather [hbm4b:s3+s8], $0x1, s2, s8, $0xb8;
	[tilespmem:$0x1000] =	vst v63  }
0xcc: {  	_ = 	snop  }
0xcd: {  	[tilespmem:s16], [sflag:$0x5] =	stream.indirect.gather [hbm4b:s3+s8], $0x1, s8, s8, $0xb8;
	[tilespmem:$0x1000] =	vst v63  }
0xce: {  	_ =	swait.ge [sflag:s5], $0x200  }
0xcf: {  	[sflag:s5] =	ssyncset.done $0x0  }
0xd0: {  	[sflag:s5] =	ssyncadd.s32 $0xFFFFFE00  }
0xd1: {  	_ =	swait.ge [sflag:s5], $0x200  }
0xd2: {  	[sflag:s5] =	ssyncset.done $0x0  }
0xd3: {  	[sflag:s5] =	ssyncadd.s32 $0xFFFFFE00  }
0xd4: {  	[hbm4b:s24+s2] =	stream.linear.scatter [tilespmem:s12], [sflag:$0x3], $0x400, $0x38;
	[tilespmem:$0x1000] =	vst v63  }
0xd5: {  	_ = 	snop  }
0xd6: {  	[tilespmem:s2], [sflag:$0x1] =	stream.linear.gather [hbm4b:s25+s2], $0x400, $0x38;
	[tilespmem:$0x1000] =	vst v63  }
0xd7: {  	_ =	swait.ge [sflag:s15], $0x400  }
0xd8: {  	[sflag:s15] =	ssyncset.done $0x0  }
0xd9: {  	[sflag:s15] =	ssyncadd.s32 $0xFFFFFC00  }
0xda: {  	_ =	swait.ge [sflag:s7], $0x400  }
0xdb: {  	[sflag:s7] =	ssyncset.done $0x0  }
0xdc: {  	[sflag:s7] =	ssyncadd.s32 $0xFFFFFC00  }
0xdd: {  	[tilespmem:s9], [sflag:$0x5] =	stream.indirect.gather [hbm4b:s3+s8], $0x1, s6, s8, $0xb8;
	[tilespmem:$0x1000] =	vst v63  }
0xde: {  	_ = 	snop  }
0xdf: {  	[tilespmem:s14], [sflag:$0x5] =	stream.indirect.gather [hbm4b:s3+s8], $0x1, s13, s8, $0xb8;
	[tilespmem:$0x1000] =	vst v63  }
0xe0: {  	_ =	swait.ge [sflag:s5], $0x200  }
0xe1: {  	[sflag:s5] =	ssyncset.done $0x0  }
0xe2: {  	[sflag:s5] =	ssyncadd.s32 $0xFFFFFE00  }
0xe3: {  	_ =	swait.ge [sflag:s5], $0x200  }
0xe4: {  	[sflag:s5] =	ssyncset.done $0x0  }
0xe5: {  	[sflag:s5] =	ssyncadd.s32 $0xFFFFFE00  }
0xe6: {  	[hbm4b:s22+s2] =	stream.linear.scatter [tilespmem:s9], [sflag:$0x4], $0x400, $0x38;
	[tilespmem:$0x1000] =	vst v63  }
0xe7: {  	_ = 	snop  }
0xe8: {  	[tilespmem:s6], [sflag:$0x2] =	stream.linear.gather [hbm4b:s23+s2], $0x400, $0x38;
	[tilespmem:$0x1000] =	vst v63  }
0xe9: {  	_ =	swait.ge [sflag:s19], $0x400  }
0xea: {  	[sflag:s19] =	ssyncset.done $0x0  }
0xeb: {  	[sflag:s19] =	ssyncadd.s32 $0xFFFFFC00  }
0xec: {  	_ =	swait.ge [sflag:s10], $0x400  }
0xed: {  	[sflag:s10] =	ssyncset.done $0x0  }
0xee: {  	[sflag:s10] =	ssyncadd.s32 $0xFFFFFC00  }
0xef: {  	[tilespmem:s12], [sflag:$0x5] =	stream.indirect.gather [hbm4b:s3+s8], $0x1, s2, s8, $0xb8;
	[tilespmem:$0x1000] =	vst v63  }
0xf0: {  	_ = 	snop  }
0xf1: {  	[tilespmem:s16], [sflag:$0x5] =	stream.indirect.gather [hbm4b:s3+s8], $0x1, s8, s8, $0xb8;
	[tilespmem:$0x1000] =	vst v63  }
0xf2: {  	_ =	swait.ge [sflag:s5], $0x200  }
0xf3: {  	[sflag:s5] =	ssyncset.done $0x0  }
0xf4: {  	[sflag:s5] =	ssyncadd.s32 $0xFFFFFE00  }
0xf5: {  	_ =	swait.ge [sflag:s5], $0x200  }
0xf6: {  	[sflag:s5] =	ssyncset.done $0x0  }
0xf7: {  	[sflag:s5] =	ssyncadd.s32 $0xFFFFFE00  }
0xf8: {  	[hbm4b:s20+s2] =	stream.linear.scatter [tilespmem:s12], [sflag:$0x3], $0x400, $0x38;
	[tilespmem:$0x1000] =	vst v63  }
0xf9: {  	_ = 	snop  }
0xfa: {  	[tilespmem:s2], [sflag:$0x1] =	stream.linear.gather [hbm4b:s21+s2], $0x400, $0x38;
	[tilespmem:$0x1000] =	vst v63  }
0xfb: {  	_ =	swait.ge [sflag:s15], $0x400  }
0xfc: {  	[sflag:s15] =	ssyncset.done $0x0  }
0xfd: {  	[sflag:s15] =	ssyncadd.s32 $0xFFFFFC00  }
0xfe: {  	_ =	swait.ge [sflag:s7], $0x400  }
0xff: {  	[sflag:s7] =	ssyncset.done $0x0  }
0x100: {  	[sflag:s7] =	ssyncadd.s32 $0xFFFFFC00  }
0x101: {  	[tilespmem:s9], [sflag:$0x5] =	stream.indirect.gather [hbm4b:s3+s8], $0x1, s6, s8, $0xb8;
	[tilespmem:$0x1000] =	vst v63  }
0x102: {  	_ = 	snop  }
0x103: {  	[tilespmem:s14], [sflag:$0x5] =	stream.indirect.gather [hbm4b:s3+s8], $0x1, s13, s8, $0xb8;
	[tilespmem:$0x1000] =	vst v63  }
0x104: {  	_ =	swait.ge [sflag:s5], $0x200  }
0x105: {  	[sflag:s5] =	ssyncset.done $0x0  }
0x106: {  	[sflag:s5] =	ssyncadd.s32 $0xFFFFFE00  }
0x107: {  	_ =	swait.ge [sflag:s5], $0x200  }
0x108: {  	[sflag:s5] =	ssyncset.done $0x0  }
0x109: {  	[sflag:s5] =	ssyncadd.s32 $0xFFFFFE00  }
0x10a: {  	[hbm4b:s17+s2] =	stream.linear.scatter [tilespmem:s9], [sflag:$0x4], $0x400, $0x38;
	[tilespmem:$0x1000] =	vst v63  }
0x10b: {  	_ = 	snop  }
0x10c: {  	[tilespmem:s6], [sflag:$0x2] =	stream.linear.gather [hbm4b:s18+s2], $0x400, $0x38;
	[tilespmem:$0x1000] =	vst v63  }
0x10d: {  	_ =	swait.ge [sflag:s19], $0x400  }
0x10e: {  	[sflag:s19] =	ssyncset.done $0x0  }
0x10f: {  	[sflag:s19] =	ssyncadd.s32 $0xFFFFFC00  }
0x110: {  	_ =	swait.ge [sflag:s10], $0x400  }
0x111: {  	[sflag:s10] =	ssyncset.done $0x0  }
0x112: {  	[sflag:s10] =	ssyncadd.s32 $0xFFFFFC00  }
0x113: {  	[tilespmem:s12], [sflag:$0x5] =	stream.indirect.gather [hbm4b:s3+s8], $0x1, s2, s8, $0xb8;
	[tilespmem:$0x1000] =	vst v63  }
0x114: {  	_ = 	snop  }
0x115: {  	[tilespmem:s16], [sflag:$0x5] =	stream.indirect.gather [hbm4b:s3+s8], $0x1, s8, s8, $0xb8;
	[tilespmem:$0x1000] =	vst v63  }
0x116: {  	_ =	swait.ge [sflag:s5], $0x200  }
0x117: {  	[sflag:s5] =	ssyncset.done $0x0  }
0x118: {  	[sflag:s5] =	ssyncadd.s32 $0xFFFFFE00  }
0x119: {  	_ =	swait.ge [sflag:s5], $0x200  }
0x11a: {  	[sflag:s5] =	ssyncset.done $0x0  }
0x11b: {  	[sflag:s5] =	ssyncadd.s32 $0xFFFFFE00  }
0x11c: {  	[hbm4b:s11+s2] =	stream.linear.scatter [tilespmem:s12], [sflag:$0x3], $0x400, $0x38;
	[tilespmem:$0x1000] =	vst v63  }
0x11d: {  	_ =	swait.ge [sflag:s15], $0x400  }
0x11e: {  	[sflag:s15] =	ssyncset.done $0x0  }
0x11f: {  	[sflag:s15] =	ssyncadd.s32 $0xFFFFFC00  }
0x120: {  	_ =	swait.ge [sflag:s7], $0x400  }
0x121: {  	[sflag:s7] =	ssyncset.done $0x0  }
0x122: {  	[sflag:s7] =	ssyncadd.s32 $0xFFFFFC00  }
0x123: {  	[tilespmem:s9], [sflag:$0x5] =	stream.indirect.gather [hbm4b:s3+s8], $0x1, s6, s8, $0xb8;
	[tilespmem:$0x1000] =	vst v63  }
0x124: {  	_ = 	snop  }
0x125: {  	[tilespmem:s14], [sflag:$0x5] =	stream.indirect.gather [hbm4b:s3+s8], $0x1, s13, s8, $0xb8;
	[tilespmem:$0x1000] =	vst v63  }
0x126: {  	_ =	swait.ge [sflag:s5], $0x200  }
0x127: {  	[sflag:s5] =	ssyncset.done $0x0  }
0x128: {  	[sflag:s5] =	ssyncadd.s32 $0xFFFFFE00  }
0x129: {  	_ =	swait.ge [sflag:s5], $0x200  }
0x12a: {  	[sflag:s5] =	ssyncset.done $0x0  }
0x12b: {  	p1 =	sne.s32 s0, $0x1;
	[sflag:s5] =	ssyncadd.s32 $0xFFFFFE00  }
0x12c: {  	[hbm4b:s4+s2] =	stream.linear.scatter [tilespmem:s9], [sflag:$0x4], $0x400, $0x38;
	[tilespmem:$0x1000] =	vst v63  }
.Ltmp2:
0x12d: {  	_ =	swait.ge [sflag:s10], $0x400;
	(pc) =	sbr.rel @p1 .LBB2_2-.Ltmp2, $4  }
0x12e: {  	[sflag:s10] =	ssyncset.done $0x0  }
0x12f: {  	[sflag:s10] =	ssyncadd.s32 $0xFFFFFC00  }
0x130: {  	_ =	swait.ge [sflag:s7], $0x400  }
0x131: {  	s0 =	sadd.s32 $0xFFFFFFFF, s0;
	s1 =	rddreg [dreg:$0x3];
	[sflag:s7] =	ssyncset.done $0x0  }
.LBB2_3:
0x132: {  	[sflag:s7] =	ssyncadd.s32 @p0 $0xFFFFFC00  }
0x133: {  	[tilespmem:s2], [sflag:$0x1] =	stream.linear.gather [hbm4b:s1+s2], $0x400, $0x38;
	[tilespmem:$0x1000] =	vst v63  }
0x134: {  	_ = 	snop  }
0x135: {  	[tilespmem:s6], [sflag:$0x2] =	stream.linear.gather [hbm4b:s31+s2], $0x400, $0x38;
	[tilespmem:$0x1000] =	vst v63  }
0x136: {  	_ =	swait.ge [sflag:s19], $0x400  }
0x137: {  	[sflag:s19] =	ssyncset.done $0x0  }
0x138: {  	[sflag:s19] =	ssyncadd.s32 $0xFFFFFC00  }
0x139: {  	[tilespmem:s12], [sflag:$0x5] =	stream.indirect.gather [hbm4b:s3+s8], $0x1, s2, s8, $0xb8;
	[tilespmem:$0x1000] =	vst v63  }
0x13a: {  	_ = 	snop  }
0x13b: {  	[tilespmem:s16], [sflag:$0x5] =	stream.indirect.gather [hbm4b:s3+s8], $0x1, s8, s8, $0xb8;
	[tilespmem:$0x1000] =	vst v63  }
0x13c: {  	_ =	swait.ge [sflag:s5], $0x200  }
0x13d: {  	[sflag:s5] =	ssyncset.done $0x0  }
0x13e: {  	[sflag:s5] =	ssyncadd.s32 $0xFFFFFE00  }
0x13f: {  	_ =	swait.ge [sflag:s5], $0x200  }
0x140: {  	[sflag:s5] =	ssyncset.done $0x0  }
0x141: {  	[sflag:s5] =	ssyncadd.s32 $0xFFFFFE00  }
0x142: {  	[hbm4b:s29+s2] =	stream.linear.scatter [tilespmem:s12], [sflag:$0x3], $0x400, $0x38;
	[tilespmem:$0x1000] =	vst v63  }
0x143: {  	_ = 	snop  }
0x144: {  	[tilespmem:s2], [sflag:$0x1] =	stream.linear.gather [hbm4b:s30+s2], $0x400, $0x38;
	[tilespmem:$0x1000] =	vst v63  }
0x145: {  	_ =	swait.ge [sflag:s15], $0x400  }
0x146: {  	[sflag:s15] =	ssyncset.done $0x0  }
0x147: {  	[sflag:s15] =	ssyncadd.s32 $0xFFFFFC00  }
0x148: {  	[tilespmem:s9], [sflag:$0x5] =	stream.indirect.gather [hbm4b:s3+s8], $0x1, s6, s8, $0xb8;
	[tilespmem:$0x1000] =	vst v63  }
0x149: {  	_ = 	snop  }
0x14a: {  	[tilespmem:s14], [sflag:$0x5] =	stream.indirect.gather [hbm4b:s3+s8], $0x1, s13, s8, $0xb8;
	[tilespmem:$0x1000] =	vst v63  }
0x14b: {  	_ =	swait.ge [sflag:s5], $0x200  }
0x14c: {  	[sflag:s5] =	ssyncset.done $0x0  }
0x14d: {  	[sflag:s5] =	ssyncadd.s32 $0xFFFFFE00  }
0x14e: {  	_ =	swait.ge [sflag:s5], $0x200  }
0x14f: {  	[sflag:s5] =	ssyncset.done $0x0  }
0x150: {  	[sflag:s5] =	ssyncadd.s32 $0xFFFFFE00  }
0x151: {  	[hbm4b:s26+s2] =	stream.linear.scatter [tilespmem:s9], [sflag:$0x4], $0x400, $0x38;
	[tilespmem:$0x1000] =	vst v63  }
0x152: {  	_ = 	snop  }
0x153: {  	[tilespmem:s6], [sflag:$0x2] =	stream.linear.gather [hbm4b:s28+s2], $0x400, $0x38;
	[tilespmem:$0x1000] =	vst v63  }
0x154: {  	_ =	swait.ge [sflag:s19], $0x400  }
0x155: {  	[sflag:s19] =	ssyncset.done $0x0  }
0x156: {  	[sflag:s19] =	ssyncadd.s32 $0xFFFFFC00  }
0x157: {  	_ =	swait.ge [sflag:s10], $0x400  }
0x158: {  	[sflag:s10] =	ssyncset.done $0x0  }
0x159: {  	[sflag:s10] =	ssyncadd.s32 $0xFFFFFC00  }
0x15a: {  	[tilespmem:s12], [sflag:$0x5] =	stream.indirect.gather [hbm4b:s3+s8], $0x1, s2, s8, $0xb8;
	[tilespmem:$0x1000] =	vst v63  }
0x15b: {  	_ = 	snop  }
0x15c: {  	[tilespmem:s16], [sflag:$0x5] =	stream.indirect.gather [hbm4b:s3+s8], $0x1, s8, s8, $0xb8;
	[tilespmem:$0x1000] =	vst v63  }
0x15d: {  	_ =	swait.ge [sflag:s5], $0x200  }
0x15e: {  	[sflag:s5] =	ssyncset.done $0x0  }
0x15f: {  	[sflag:s5] =	ssyncadd.s32 $0xFFFFFE00  }
0x160: {  	_ =	swait.ge [sflag:s5], $0x200  }
0x161: {  	[sflag:s5] =	ssyncset.done $0x0  }
0x162: {  	[sflag:s5] =	ssyncadd.s32 $0xFFFFFE00  }
0x163: {  	[hbm4b:s24+s2] =	stream.linear.scatter [tilespmem:s12], [sflag:$0x3], $0x400, $0x38;
	[tilespmem:$0x1000] =	vst v63  }
0x164: {  	_ = 	snop  }
0x165: {  	[tilespmem:s2], [sflag:$0x1] =	stream.linear.gather [hbm4b:s25+s2], $0x400, $0x38;
	[tilespmem:$0x1000] =	vst v63  }
0x166: {  	_ =	swait.ge [sflag:s15], $0x400  }
0x167: {  	[sflag:s15] =	ssyncset.done $0x0  }
0x168: {  	[sflag:s15] =	ssyncadd.s32 $0xFFFFFC00  }
0x169: {  	_ =	swait.ge [sflag:s7], $0x400  }
0x16a: {  	[sflag:s7] =	ssyncset.done $0x0  }
0x16b: {  	[sflag:s7] =	ssyncadd.s32 $0xFFFFFC00  }
0x16c: {  	[tilespmem:s9], [sflag:$0x5] =	stream.indirect.gather [hbm4b:s3+s8], $0x1, s6, s8, $0xb8;
	[tilespmem:$0x1000] =	vst v63  }
0x16d: {  	_ = 	snop  }
0x16e: {  	[tilespmem:s14], [sflag:$0x5] =	stream.indirect.gather [hbm4b:s3+s8], $0x1, s13, s8, $0xb8;
	[tilespmem:$0x1000] =	vst v63  }
0x16f: {  	_ =	swait.ge [sflag:s5], $0x200  }
0x170: {  	[sflag:s5] =	ssyncset.done $0x0  }
0x171: {  	[sflag:s5] =	ssyncadd.s32 $0xFFFFFE00  }
0x172: {  	_ =	swait.ge [sflag:s5], $0x200  }
0x173: {  	[sflag:s5] =	ssyncset.done $0x0  }
0x174: {  	[sflag:s5] =	ssyncadd.s32 $0xFFFFFE00  }
0x175: {  	[hbm4b:s22+s2] =	stream.linear.scatter [tilespmem:s9], [sflag:$0x4], $0x400, $0x38;
	[tilespmem:$0x1000] =	vst v63  }
0x176: {  	_ = 	snop  }
0x177: {  	[tilespmem:s6], [sflag:$0x2] =	stream.linear.gather [hbm4b:s23+s2], $0x400, $0x38;
	[tilespmem:$0x1000] =	vst v63  }
0x178: {  	_ =	swait.ge [sflag:s19], $0x400  }
0x179: {  	[sflag:s19] =	ssyncset.done $0x0  }
0x17a: {  	[sflag:s19] =	ssyncadd.s32 $0xFFFFFC00  }
0x17b: {  	_ =	swait.ge [sflag:s10], $0x400  }
0x17c: {  	[sflag:s10] =	ssyncset.done $0x0  }
0x17d: {  	[sflag:s10] =	ssyncadd.s32 $0xFFFFFC00  }
0x17e: {  	[tilespmem:s12], [sflag:$0x5] =	stream.indirect.gather [hbm4b:s3+s8], $0x1, s2, s8, $0xb8;
	[tilespmem:$0x1000] =	vst v63  }
0x17f: {  	_ = 	snop  }
0x180: {  	[tilespmem:s16], [sflag:$0x5] =	stream.indirect.gather [hbm4b:s3+s8], $0x1, s8, s8, $0xb8;
	[tilespmem:$0x1000] =	vst v63  }
0x181: {  	_ =	swait.ge [sflag:s5], $0x200  }
0x182: {  	[sflag:s5] =	ssyncset.done $0x0  }
0x183: {  	[sflag:s5] =	ssyncadd.s32 $0xFFFFFE00  }
0x184: {  	_ =	swait.ge [sflag:s5], $0x200  }
0x185: {  	[sflag:s5] =	ssyncset.done $0x0  }
0x186: {  	[sflag:s5] =	ssyncadd.s32 $0xFFFFFE00  }
0x187: {  	[hbm4b:s20+s2] =	stream.linear.scatter [tilespmem:s12], [sflag:$0x3], $0x400, $0x38;
	[tilespmem:$0x1000] =	vst v63  }
0x188: {  	_ = 	snop  }
0x189: {  	[tilespmem:s2], [sflag:$0x1] =	stream.linear.gather [hbm4b:s21+s2], $0x400, $0x38;
	[tilespmem:$0x1000] =	vst v63  }
0x18a: {  	_ =	swait.ge [sflag:s15], $0x400  }
0x18b: {  	[sflag:s15] =	ssyncset.done $0x0  }
0x18c: {  	[sflag:s15] =	ssyncadd.s32 $0xFFFFFC00  }
0x18d: {  	_ =	swait.ge [sflag:s7], $0x400  }
0x18e: {  	[sflag:s7] =	ssyncset.done $0x0  }
0x18f: {  	[sflag:s7] =	ssyncadd.s32 $0xFFFFFC00  }
0x190: {  	[tilespmem:s9], [sflag:$0x5] =	stream.indirect.gather [hbm4b:s3+s8], $0x1, s6, s8, $0xb8;
	[tilespmem:$0x1000] =	vst v63  }
0x191: {  	_ = 	snop  }
0x192: {  	[tilespmem:s14], [sflag:$0x5] =	stream.indirect.gather [hbm4b:s3+s8], $0x1, s13, s8, $0xb8;
	[tilespmem:$0x1000] =	vst v63  }
0x193: {  	_ =	swait.ge [sflag:s5], $0x200  }
0x194: {  	[sflag:s5] =	ssyncset.done $0x0  }
0x195: {  	[sflag:s5] =	ssyncadd.s32 $0xFFFFFE00  }
0x196: {  	_ =	swait.ge [sflag:s5], $0x200  }
0x197: {  	[sflag:s5] =	ssyncset.done $0x0  }
0x198: {  	[sflag:s5] =	ssyncadd.s32 $0xFFFFFE00  }
0x199: {  	[hbm4b:s17+s2] =	stream.linear.scatter [tilespmem:s9], [sflag:$0x4], $0x400, $0x38;
	[tilespmem:$0x1000] =	vst v63  }
0x19a: {  	_ = 	snop  }
0x19b: {  	[tilespmem:s6], [sflag:$0x2] =	stream.linear.gather [hbm4b:s18+s2], $0x400, $0x38;
	[tilespmem:$0x1000] =	vst v63  }
0x19c: {  	_ =	swait.ge [sflag:s19], $0x400  }
0x19d: {  	[sflag:s19] =	ssyncset.done $0x0  }
0x19e: {  	[sflag:s19] =	ssyncadd.s32 $0xFFFFFC00  }
0x19f: {  	_ =	swait.ge [sflag:s10], $0x400  }
0x1a0: {  	[sflag:s10] =	ssyncset.done $0x0  }
0x1a1: {  	[sflag:s10] =	ssyncadd.s32 $0xFFFFFC00  }
0x1a2: {  	[tilespmem:s12], [sflag:$0x5] =	stream.indirect.gather [hbm4b:s3+s8], $0x1, s2, s8, $0xb8;
	[tilespmem:$0x1000] =	vst v63  }
0x1a3: {  	_ = 	snop  }
0x1a4: {  	[tilespmem:s16], [sflag:$0x5] =	stream.indirect.gather [hbm4b:s3+s8], $0x1, s8, s8, $0xb8;
	[tilespmem:$0x1000] =	vst v63  }
0x1a5: {  	_ =	swait.ge [sflag:s5], $0x200  }
0x1a6: {  	[sflag:s5] =	ssyncset.done $0x0  }
0x1a7: {  	[sflag:s5] =	ssyncadd.s32 $0xFFFFFE00  }
0x1a8: {  	_ =	swait.ge [sflag:s5], $0x200  }
0x1a9: {  	[sflag:s5] =	ssyncset.done $0x0  }
0x1aa: {  	[sflag:s5] =	ssyncadd.s32 $0xFFFFFE00  }
0x1ab: {  	[hbm4b:s11+s2] =	stream.linear.scatter [tilespmem:s12], [sflag:$0x3], $0x400, $0x38;
	[tilespmem:$0x1000] =	vst v63  }
0x1ac: {  	_ =	swait.ge [sflag:s15], $0x400  }
0x1ad: {  	[sflag:s15] =	ssyncset.done $0x0  }
0x1ae: {  	[sflag:s15] =	ssyncadd.s32 $0xFFFFFC00  }
0x1af: {  	_ =	swait.ge [sflag:s7], $0x400  }
0x1b0: {  	[sflag:s7] =	ssyncset.done $0x0  }
0x1b1: {  	[sflag:s7] =	ssyncadd.s32 $0xFFFFFC00  }
0x1b2: {  	[tilespmem:s9], [sflag:$0x5] =	stream.indirect.gather [hbm4b:s3+s8], $0x1, s6, s8, $0xb8;
	[tilespmem:$0x1000] =	vst v63  }
0x1b3: {  	_ = 	snop  }
0x1b4: {  	[tilespmem:s14], [sflag:$0x5] =	stream.indirect.gather [hbm4b:s3+s8], $0x1, s13, s8, $0xb8;
	[tilespmem:$0x1000] =	vst v63  }
0x1b5: {  	_ =	swait.ge [sflag:s5], $0x200  }
0x1b6: {  	[sflag:s5] =	ssyncset.done $0x0  }
0x1b7: {  	[sflag:s5] =	ssyncadd.s32 $0xFFFFFE00  }
0x1b8: {  	_ =	swait.ge [sflag:s5], $0x200  }
0x1b9: {  	[sflag:s5] =	ssyncset.done $0x0  }
0x1ba: {  	[sflag:s5] =	ssyncadd.s32 $0xFFFFFE00  }
0x1bb: {  	[hbm4b:s4+s2] =	stream.linear.scatter [tilespmem:s9], [sflag:$0x4], $0x400, $0x38;
	[tilespmem:$0x1000] =	vst v63  }
0x1bc: {  	_ =	swait.ge [sflag:s10], $0x400  }
0x1bd: {  	[sflag:s10] =	ssyncset.done $0x0  }
0x1be: {  	[sflag:s10] =	ssyncadd.s32 $0xFFFFFC00  }
0x1bf: {  	_ =	swait.ge [sflag:s7], $0x400  }
0x1c0: {  	[sflag:s7] =	ssyncset.done $0x0  }
0x1c1: {  	[sflag:s7] =	ssyncadd.s32 $0xFFFFFC00  }
0x1c2: {  	_ =	sfence.sel $0x180000  }
0x1c3: {  	[bflag:$0x0] =	sbarrier.arrive $0xFFFF  }
0x1c4: {  	_ =	strace $0x90000047  }
0x1c5: {  	s0 =	stileid.u32;
	[bflag:$0x2] =	sbarrier.arrive $0xFFFF  }
0x1c6: {  	p0 =	sne.s32 s0, $0x0;
	s0 =	rddreg [dreg:$0x2]  }
0x1c7: {  	s0 =	sadd.s32 @!p0 $0x100000, s0  }
0x1c8: {  	[sflag:s0] =	ssyncadd.tile.s32 @!p0 $0x1;
	_ =	shalt  }
.Lfunc_end2:
_tile_overlayer_lowered:
.L_overlay_start_2:
0x1c9: {  	(tag) =	ssettag $0x2  }
0x1ca: {  	s0 =	rddreg [dreg:$0x0];
	s2 =	stileid.u32  }
0x1cb: {  	s1 =	rddreg [dreg:$0x1];
	p0 =	sne.s32 s2, $0x0  }
0x1cc: {  	s3 =	rddreg [dreg:$0x2];
	[bflag:$0x3] =	sbarrier.arrive $0xFFFF;
	s2 =	simm.s32 @!p0 $0x1C06  }
0x1cd: {  	[timem:s3], [sflag:s2] =	dma.local @!p0 [hbm:s0], s1  }
0x1ce: {  	s0 =	simm.s32 @!p0 $0x6  }
0x1cf: {  	_ =	swait.ge @!p0 [sflag:s0], s1  }
0x1d0: {  	s1 =	ssub.s32 @!p0 $0x0, s1;
	[sflag:s0] =	ssyncset.done @!p0 $0x0  }
0x1d1: {  	[sflag:s0] =	ssyncadd.s32 @!p0 s1  }
0x1d2: {  	[bflag:$0x3] =	sbarrier.arrive $0xFFFF  }
0x1d3: {  	_ =	shalt  }

</sc_bundles>
